<compile_context>
chip_gen: v7x
topology: tpu7x:2x2x1
jax: 0.10.2.dev20260603
libtpu: 0.0.44.dev20260713+nightly
codegen_flags: <defaults>
</compile_context>

<pallas_src>
import functools

import jax
import jax.numpy as jnp
from jax import lax
from jax.experimental import pallas as pl
from jax.experimental.pallas import tpu as pltpu
from jax.experimental.pallas import tpu_sc as plsc

N = 10000
K_NEIGH = 32
D_FEAT = 128
IN_DIM = 2 * D_FEAT
OUT_DIM = 128

BLOCK_N = 496
TC_BLOCKS = 15
TC_ROWS = TC_BLOCKS * BLOCK_N
SC_ROWS = N - TC_ROWS

NUM_CORES = 2
NUM_SUBCORES = 16
NUM_WORKERS = NUM_CORES * NUM_SUBCORES
ROWS_PER_WORKER = SC_ROWS // NUM_WORKERS
ROWS_PER_CORE = SC_ROWS // NUM_CORES

SCATTER_ROWS = 4
CHUNK_ROWS = 8
NUM_CHUNKS = ROWS_PER_WORKER // CHUNK_ROWS


def _tc_main_body(feat_ref, emb_ref, w_ref, b_ref, out_ref):
    emb = emb_ref[...]
    m = jnp.mean(emb, axis=1)
    x = jnp.concatenate([feat_ref[...], m], axis=1)
    y = jnp.dot(x, w_ref[...], preferred_element_type=jnp.float32)
    out_ref[...] = jnp.maximum(y + b_ref[...], 0.0)


def _tc_tail_body(feat_hbm, agg_ref, w_ref, b_ref, out_ref, feat_v, sem):
    cp = pltpu.make_async_copy(
        feat_hbm.at[pl.ds(TC_ROWS, SC_ROWS), :], feat_v, sem)
    cp.start()
    cp.wait()
    m = agg_ref[...] * (1.0 / K_NEIGH)
    x = jnp.concatenate([feat_v[...], m], axis=1)
    y = jnp.dot(x, w_ref[...], preferred_element_type=jnp.float32)
    out_ref[...] = jnp.maximum(y + b_ref[...], 0.0)


def _sc_neighbor_sum(emb2d, zeros_hbm, out_hbm, buf0, buf1, idx_v, acc_sh,
                     rsem0, rsem1):
    c = lax.axis_index("c")
    s = lax.axis_index("s")
    local_base = s * ROWS_PER_WORKER
    glob_base = c * ROWS_PER_CORE + s * ROWS_PER_WORKER
    src_base = (TC_ROWS + glob_base) * K_NEIGH

    pltpu.sync_copy(
        zeros_hbm.at[pl.ds(local_base, ROWS_PER_WORKER)],
        acc_sh.at[pl.ds(local_base, ROWS_PER_WORKER)],
    )

    iota = lax.broadcasted_iota(jnp.int32, (16,), 0)
    for j16 in range(128 // 16):
        vals = lax.shift_right_logical(iota + (16 * j16), 5) + local_base
        idx_v[pl.ds(j16 * 16, 16)] = vals

    bufs = (buf0, buf1)
    sems = (rsem0, rsem1)
    reads = [None] * NUM_CHUNKS

    def _issue_read(chunk_id):
        base = src_base + chunk_id * CHUNK_ROWS * K_NEIGH
        reads[chunk_id] = pltpu.async_copy(
            emb2d.at[pl.ds(base, CHUNK_ROWS * K_NEIGH), :],
            bufs[chunk_id % 2],
            sems[chunk_id % 2],
        )

    _issue_read(0)
    for cidx in range(NUM_CHUNKS):
        if cidx + 1 < NUM_CHUNKS:
            _issue_read(cidx + 1)
        buf = bufs[cidx % 2]
        reads[cidx].wait()
        for b in range(CHUNK_ROWS // SCATTER_ROWS):
            pltpu.sync_copy(
                buf.at[pl.ds(b * SCATTER_ROWS * K_NEIGH,
                             SCATTER_ROWS * K_NEIGH)],
                acc_sh.at[idx_v],
                add=True,
            )
            for j16 in range(128 // 16):
                sl = pl.ds(j16 * 16, 16)
                idx_v[sl] = idx_v[sl] + SCATTER_ROWS

    pltpu.sync_copy(
        acc_sh.at[pl.ds(local_base, ROWS_PER_WORKER)],
        out_hbm.at[pl.ds(glob_base, ROWS_PER_WORKER)],
    )


_sc_sum_call = functools.partial(
    pl.kernel,
    mesh=plsc.VectorSubcoreMesh(core_axis_name="c", subcore_axis_name="s"),
    out_type=jax.ShapeDtypeStruct((SC_ROWS, D_FEAT), jnp.float32),
    scratch_types=[
        pltpu.VMEM((CHUNK_ROWS * K_NEIGH, D_FEAT), jnp.float32),
        pltpu.VMEM((CHUNK_ROWS * K_NEIGH, D_FEAT), jnp.float32),
        pltpu.VMEM((128,), jnp.int32),
        pltpu.VMEM_SHARED((ROWS_PER_CORE, D_FEAT), jnp.float32),
        pltpu.SemaphoreType.DMA,
        pltpu.SemaphoreType.DMA,
    ],
)(_sc_neighbor_sum)


def kernel(features, embedding_look_up, kernel, bias_weights):
    bias2d = bias_weights.reshape(1, OUT_DIM)
    emb2d = embedding_look_up.reshape(N * K_NEIGH, D_FEAT)
    zeros_hbm = jnp.zeros((ROWS_PER_CORE, D_FEAT), jnp.float32)

    agg_sum = _sc_sum_call(emb2d, zeros_hbm)

    out_main = pl.pallas_call(
        _tc_main_body,
        grid=(TC_BLOCKS,),
        in_specs=[
            pl.BlockSpec((BLOCK_N, D_FEAT), lambda i: (i, 0)),
            pl.BlockSpec((BLOCK_N, K_NEIGH, D_FEAT), lambda i: (i, 0, 0)),
            pl.BlockSpec((IN_DIM, OUT_DIM), lambda i: (0, 0)),
            pl.BlockSpec((1, OUT_DIM), lambda i: (0, 0)),
        ],
        out_specs=pl.BlockSpec((BLOCK_N, OUT_DIM), lambda i: (i, 0)),
        out_shape=jax.ShapeDtypeStruct((TC_ROWS, OUT_DIM), jnp.float32),
        compiler_params=pltpu.CompilerParams(
            dimension_semantics=("parallel",),
        ),
    )(features, embedding_look_up, kernel, bias2d)

    out_tail = pl.pallas_call(
        _tc_tail_body,
        grid=(1,),
        in_specs=[
            pl.BlockSpec(memory_space=pltpu.MemorySpace.HBM),
            pl.BlockSpec((SC_ROWS, D_FEAT), lambda i: (0, 0)),
            pl.BlockSpec((IN_DIM, OUT_DIM), lambda i: (0, 0)),
            pl.BlockSpec((1, OUT_DIM), lambda i: (0, 0)),
        ],
        out_specs=pl.BlockSpec((SC_ROWS, OUT_DIM), lambda i: (0, 0)),
        out_shape=jax.ShapeDtypeStruct((SC_ROWS, OUT_DIM), jnp.float32),
        scratch_shapes=[
            pltpu.VMEM((SC_ROWS, D_FEAT), jnp.float32),
            pltpu.SemaphoreType.DMA,
        ],
    )(features, agg_sum, kernel, bias2d)

    return jnp.concatenate([out_main, out_tail], axis=0)

# --- scband reference (transcript-rebuilt; emitter-appended) ---
"""Pipeline reference for scband-custom-aggregation-layer-simple-50242527429135 (READ-ONLY COPY).

The authoritative reference and input builder live on the scoring server;
editing this copy changes nothing except your own understanding.
"""

import jax, jax.numpy as jnp
import numpy as np

N = 10000
K_NEIGH = 32
D_FEAT = 128
IN_DIM = 2 * D_FEAT  # 256
OUT_DIM = 128


def setup_inputs(seed: int = 0) -> dict:
    key = jax.random.key(seed)
    k1, k2, k3 = jax.random.split(key, 3)
    features = jax.random.normal(k1, (N, D_FEAT), dtype=jnp.float32)
    embedding_look_up = jax.random.normal(k2, (N, K_NEIGH, D_FEAT), dtype=jnp.float32)
    # glorot uniform for kernel (input_dim, output_dim)
    limit = np.sqrt(6.0 / (IN_DIM + OUT_DIM))
    kernel = jax.random.uniform(k3, (IN_DIM, OUT_DIM), dtype=jnp.float32, minval=-limit, maxval=limit)
    bias_weights = jnp.zeros((OUT_DIM,), dtype=jnp.float32)
    return {
        "features": features,
        "embedding_look_up": embedding_look_up,
        "kernel": kernel,
        "bias_weights": bias_weights,
    }


def reference(features, embedding_look_up, kernel, bias_weights):
    # mode='eval' -> no dropout on the neighbor embeddings
    # [1] neighborhood aggregation via mean over the neighbor axis
    agg_neigh_vecs = jnp.mean(embedding_look_up, axis=1)  # [N, D_FEAT]
    # [2] controlled concatenation of self features and aggregated neighbors
    output = jnp.concatenate([features, agg_neigh_vecs], axis=1)  # [N, 2*D_FEAT]
    # [3] kernel input dim (256) == concat dim (256), so difference == 0 -> no zero extension
    # [4] weighted dot product
    output = output @ kernel  # [N, OUT_DIM]
    # [5] bias
    output = output + bias_weights
    # [6] activation (relu)
    return jax.nn.relu(output)

if __name__ == "__main__":
    import jax
    _d = setup_inputs()
    print(jax.jit(kernel)(*tuple(_d.values())))

</pallas_src>

<mosaic_0001>
#map = affine_map<(d0, d1) -> (0, 0)>
module attributes {stable_mosaic.version = 14 : i64} {
  func.func @_sc_neighbor_sum(%arg0: i32, %arg1: i32, %arg2: memref<320000x128xf32, #tpu.memory_space<hbm>>, %arg3: memref<1280x128xf32, #tpu.memory_space<hbm>>, %arg4: memref<2560x128xf32, #tpu.memory_space<hbm>>, %arg5: memref<256x128xf32, #tpu.memory_space<vmem>>, %arg6: memref<256x128xf32, #tpu.memory_space<vmem>>, %arg7: memref<128xi32, #tpu.memory_space<vmem>>, %arg8: memref<1280x128xf32, #tpu.memory_space<vmem_shared>>, %arg9: memref<!tpu.dma_semaphore, #tpu.memory_space<semaphore_mem>>, %arg10: memref<!tpu.dma_semaphore, #tpu.memory_space<semaphore_mem>>) attributes {dimension_semantics = [#tpu.dimension_semantics<core_parallel>, #tpu.dimension_semantics<subcore_parallel>], iteration_bounds = array<i64: 2, 16>, scalar_prefetch = 0 : i64, scratch_operands = 6 : i64, tpu.core_type = #tpu.core_type<sc_vector_subcore>, window_params = [{transform_indices = #map}, {transform_indices = #map}, {transform_indices = #map}]} {
    %mul3A = arith.constant 80 : i32
    %mul3A_0 = arith.muli %arg1, %mul3A : i32
    %mul3A_1 = arith.constant 1280 : i32
    %mul3A_2 = arith.muli %arg0, %mul3A_1 : i32
    %mul3A_3 = arith.constant 80 : i32
    %mul3A_4 = arith.muli %arg1, %mul3A_3 : i32
    %add3A = arith.addi %mul3A_2, %mul3A_4 : i32
    %add3A_5 = arith.constant 7440 : i32
    %add3A_6 = arith.addi %add3A_5, %add3A : i32
    %mul3A_7 = arith.constant 32 : i32
    %mul3A_8 = arith.muli %add3A_6, %mul3A_7 : i32
    "tpu.region"() ({
      %run_scoped3A = tpu.sem_alloc : memref<!tpu.dma_semaphore, #tpu.memory_space<semaphore_mem>>
      %dma_start3A_1800 = arith.constant 0 : i32
      %dma_start3A_1801 = tpu.memref_slice %arg8[%mul3A_0, %dma_start3A_1800] : memref<1280x128xf32, #tpu.memory_space<vmem_shared>> -> memref<80x128xf32, #tpu.memory_space<vmem_shared>>
      %dma_start3A_1802 = arith.constant 0 : i32
      %dma_start3A_1803 = tpu.memref_slice %arg3[%mul3A_0, %dma_start3A_1802] : memref<1280x128xf32, #tpu.memory_space<hbm>> -> memref<80x128xf32, #tpu.memory_space<hbm>>
      tpu.enqueue_dma source(%dma_start3A_1803 : memref<80x128xf32, #tpu.memory_space<hbm>>) target(%dma_start3A_1801 : memref<80x128xf32, #tpu.memory_space<vmem_shared>>) target_semaphore(%run_scoped3A : memref<!tpu.dma_semaphore, #tpu.memory_space<semaphore_mem>>)
      %dma_wait3A_1804 = arith.constant 0 : i32
      %dma_wait3A_1805 = tpu.memref_slice %arg8[%mul3A_0, %dma_wait3A_1804] : memref<1280x128xf32, #tpu.memory_space<vmem_shared>> -> memref<80x128xf32, #tpu.memory_space<vmem_shared>>
      %dma_wait3A_1806 = arith.constant 0 : i32
      %dma_wait3A_1807 = tpu.memref_slice %arg3[%mul3A_0, %dma_wait3A_1806] : memref<1280x128xf32, #tpu.memory_space<hbm>> -> memref<80x128xf32, #tpu.memory_space<hbm>>
      tpu.wait_dma2 semaphore(%run_scoped3A : memref<!tpu.dma_semaphore, #tpu.memory_space<semaphore_mem>>) src(%dma_wait3A_1807 : memref<80x128xf32, #tpu.memory_space<hbm>>) dst(%dma_wait3A_1805 : memref<80x128xf32, #tpu.memory_space<vmem_shared>>)
      tpu.yield
    }) : () -> ()
    %iota3A = tpu.iota {dimensions = array<i32: 0>} : vector<16xi32>
    %add3A_9 = arith.constant 0 : i32
    %add3A_10 = vector.broadcast %add3A_9 : i32 to vector<16xi32>
    %add3A_11 = arith.addi %iota3A, %add3A_10 : vector<16xi32>
    %shift_right_logical3A = arith.constant 5 : i32
    %shift_right_logical3A_12 = vector.broadcast %shift_right_logical3A : i32 to vector<16xi32>
    %shift_right_logical3A_13 = arith.shrui %add3A_11, %shift_right_logical3A_12 : vector<16xi32>
    %add3A_14 = vector.broadcast %mul3A_0 : i32 to vector<16xi32>
    %add3A_15 = arith.addi %shift_right_logical3A_13, %add3A_14 : vector<16xi32>
    %swap3A = arith.constant 0 : index
    %swap3A_16 = tpu.vector_load %arg7[%swap3A] {strides = array<i32>} : memref<128xi32, #tpu.memory_space<vmem>>, vector<16xi32>,
    %swap3A_17 = vector.shape_cast %swap3A_16 : vector<16xi32> to vector<16xi32>
    %swap3A_18 = vector.shape_cast %add3A_15 : vector<16xi32> to vector<16xi32>
    tpu.vector_store %arg7[%swap3A], %swap3A_18 {strides = array<i32>} : memref<128xi32, #tpu.memory_space<vmem>>, vector<16xi32>,
    %add3A_19 = arith.constant 16 : i32
    %add3A_20 = vector.broadcast %add3A_19 : i32 to vector<16xi32>
    %add3A_21 = arith.addi %iota3A, %add3A_20 : vector<16xi32>
    %shift_right_logical3A_22 = arith.constant 5 : i32
    %shift_right_logical3A_23 = vector.broadcast %shift_right_logical3A_22 : i32 to vector<16xi32>
    %shift_right_logical3A_24 = arith.shrui %add3A_21, %shift_right_logical3A_23 : vector<16xi32>
    %add3A_25 = vector.broadcast %mul3A_0 : i32 to vector<16xi32>
    %add3A_26 = arith.addi %shift_right_logical3A_24, %add3A_25 : vector<16xi32>
    %swap3A_27 = arith.constant 16 : index
    %swap3A_28 = tpu.vector_load %arg7[%swap3A_27] {strides = array<i32>} : memref<128xi32, #tpu.memory_space<vmem>>, vector<16xi32>,
    %swap3A_29 = vector.shape_cast %swap3A_28 : vector<16xi32> to vector<16xi32>
    %swap3A_30 = vector.shape_cast %add3A_26 : vector<16xi32> to vector<16xi32>
    tpu.vector_store %arg7[%swap3A_27], %swap3A_30 {strides = array<i32>} : memref<128xi32, #tpu.memory_space<vmem>>, vector<16xi32>,
    %add3A_31 = arith.constant 32 : i32
    %add3A_32 = vector.broadcast %add3A_31 : i32 to vector<16xi32>
    %add3A_33 = arith.addi %iota3A, %add3A_32 : vector<16xi32>
    %shift_right_logical3A_34 = arith.constant 5 : i32
    %shift_right_logical3A_35 = vector.broadcast %shift_right_logical3A_34 : i32 to vector<16xi32>
    %shift_right_logical3A_36 = arith.shrui %add3A_33, %shift_right_logical3A_35 : vector<16xi32>
    %add3A_37 = vector.broadcast %mul3A_0 : i32 to vector<16xi32>
    %add3A_38 = arith.addi %shift_right_logical3A_36, %add3A_37 : vector<16xi32>
    %swap3A_39 = arith.constant 32 : index
    %swap3A_40 = tpu.vector_load %arg7[%swap3A_39] {strides = array<i32>} : memref<128xi32, #tpu.memory_space<vmem>>, vector<16xi32>,
    %swap3A_41 = vector.shape_cast %swap3A_40 : vector<16xi32> to vector<16xi32>
    %swap3A_42 = vector.shape_cast %add3A_38 : vector<16xi32> to vector<16xi32>
    tpu.vector_store %arg7[%swap3A_39], %swap3A_42 {strides = array<i32>} : memref<128xi32, #tpu.memory_space<vmem>>, vector<16xi32>,
    %add3A_43 = arith.constant 48 : i32
    %add3A_44 = vector.broadcast %add3A_43 : i32 to vector<16xi32>
    %add3A_45 = arith.addi %iota3A, %add3A_44 : vector<16xi32>
    %shift_right_logical3A_46 = arith.constant 5 : i32
    %shift_right_logical3A_47 = vector.broadcast %shift_right_logical3A_46 : i32 to vector<16xi32>
    %shift_right_logical3A_48 = arith.shrui %add3A_45, %shift_right_logical3A_47 : vector<16xi32>
    %add3A_49 = vector.broadcast %mul3A_0 : i32 to vector<16xi32>
    %add3A_50 = arith.addi %shift_right_logical3A_48, %add3A_49 : vector<16xi32>
    %swap3A_51 = arith.constant 48 : index
    %swap3A_52 = tpu.vector_load %arg7[%swap3A_51] {strides = array<i32>} : memref<128xi32, #tpu.memory_space<vmem>>, vector<16xi32>,
    %swap3A_53 = vector.shape_cast %swap3A_52 : vector<16xi32> to vector<16xi32>
    %swap3A_54 = vector.shape_cast %add3A_50 : vector<16xi32> to vector<16xi32>
    tpu.vector_store %arg7[%swap3A_51], %swap3A_54 {strides = array<i32>} : memref<128xi32, #tpu.memory_space<vmem>>, vector<16xi32>,
    %add3A_55 = arith.constant 64 : i32
    %add3A_56 = vector.broadcast %add3A_55 : i32 to vector<16xi32>
    %add3A_57 = arith.addi %iota3A, %add3A_56 : vector<16xi32>
    %shift_right_logical3A_58 = arith.constant 5 : i32
    %shift_right_logical3A_59 = vector.broadcast %shift_right_logical3A_58 : i32 to vector<16xi32>
    %shift_right_logical3A_60 = arith.shrui %add3A_57, %shift_right_logical3A_59 : vector<16xi32>
    %add3A_61 = vector.broadcast %mul3A_0 : i32 to vector<16xi32>
    %add3A_62 = arith.addi %shift_right_logical3A_60, %add3A_61 : vector<16xi32>
    %swap3A_63 = arith.constant 64 : index
    %swap3A_64 = tpu.vector_load %arg7[%swap3A_63] {strides = array<i32>} : memref<128xi32, #tpu.memory_space<vmem>>, vector<16xi32>,
    %swap3A_65 = vector.shape_cast %swap3A_64 : vector<16xi32> to vector<16xi32>
    %swap3A_66 = vector.shape_cast %add3A_62 : vector<16xi32> to vector<16xi32>
    tpu.vector_store %arg7[%swap3A_63], %swap3A_66 {strides = array<i32>} : memref<128xi32, #tpu.memory_space<vmem>>, vector<16xi32>,
    %add3A_67 = arith.constant 80 : i32
    %add3A_68 = vector.broadcast %add3A_67 : i32 to vector<16xi32>
    %add3A_69 = arith.addi %iota3A, %add3A_68 : vector<16xi32>
    %shift_right_logical3A_70 = arith.constant 5 : i32
    %shift_right_logical3A_71 = vector.broadcast %shift_right_logical3A_70 : i32 to vector<16xi32>
    %shift_right_logical3A_72 = arith.shrui %add3A_69, %shift_right_logical3A_71 : vector<16xi32>
    %add3A_73 = vector.broadcast %mul3A_0 : i32 to vector<16xi32>
    %add3A_74 = arith.addi %shift_right_logical3A_72, %add3A_73 : vector<16xi32>
    %swap3A_75 = arith.constant 80 : index
    %swap3A_76 = tpu.vector_load %arg7[%swap3A_75] {strides = array<i32>} : memref<128xi32, #tpu.memory_space<vmem>>, vector<16xi32>,
    %swap3A_77 = vector.shape_cast %swap3A_76 : vector<16xi32> to vector<16xi32>
    %swap3A_78 = vector.shape_cast %add3A_74 : vector<16xi32> to vector<16xi32>
    tpu.vector_store %arg7[%swap3A_75], %swap3A_78 {strides = array<i32>} : memref<128xi32, #tpu.memory_space<vmem>>, vector<16xi32>,
    %add3A_79 = arith.constant 96 : i32
    %add3A_80 = vector.broadcast %add3A_79 : i32 to vector<16xi32>
    %add3A_81 = arith.addi %iota3A, %add3A_80 : vector<16xi32>
    %shift_right_logical3A_82 = arith.constant 5 : i32
    %shift_right_logical3A_83 = vector.broadcast %shift_right_logical3A_82 : i32 to vector<16xi32>
    %shift_right_logical3A_84 = arith.shrui %add3A_81, %shift_right_logical3A_83 : vector<16xi32>
    %add3A_85 = vector.broadcast %mul3A_0 : i32 to vector<16xi32>
    %add3A_86 = arith.addi %shift_right_logical3A_84, %add3A_85 : vector<16xi32>
    %swap3A_87 = arith.constant 96 : index
    %swap3A_88 = tpu.vector_load %arg7[%swap3A_87] {strides = array<i32>} : memref<128xi32, #tpu.memory_space<vmem>>, vector<16xi32>,
    %swap3A_89 = vector.shape_cast %swap3A_88 : vector<16xi32> to vector<16xi32>
    %swap3A_90 = vector.shape_cast %add3A_86 : vector<16xi32> to vector<16xi32>
    tpu.vector_store %arg7[%swap3A_87], %swap3A_90 {strides = array<i32>} : memref<128xi32, #tpu.memory_space<vmem>>, vector<16xi32>,
    %add3A_91 = arith.constant 112 : i32
    %add3A_92 = vector.broadcast %add3A_91 : i32 to vector<16xi32>
    %add3A_93 = arith.addi %iota3A, %add3A_92 : vector<16xi32>
    %shift_right_logical3A_94 = arith.constant 5 : i32
    %shift_right_logical3A_95 = vector.broadcast %shift_right_logical3A_94 : i32 to vector<16xi32>
    %shift_right_logical3A_96 = arith.shrui %add3A_93, %shift_right_logical3A_95 : vector<16xi32>
    %add3A_97 = vector.broadcast %mul3A_0 : i32 to vector<16xi32>
    %add3A_98 = arith.addi %shift_right_logical3A_96, %add3A_97 : vector<16xi32>
    %swap3A_99 = arith.constant 112 : index
    %swap3A_100 = tpu.vector_load %arg7[%swap3A_99] {strides = array<i32>} : memref<128xi32, #tpu.memory_space<vmem>>, vector<16xi32>,
    %swap3A_101 = vector.shape_cast %swap3A_100 : vector<16xi32> to vector<16xi32>
    %swap3A_102 = vector.shape_cast %add3A_98 : vector<16xi32> to vector<16xi32>
    tpu.vector_store %arg7[%swap3A_99], %swap3A_102 {strides = array<i32>} : memref<128xi32, #tpu.memory_space<vmem>>, vector<16xi32>,
    %add3A_103 = arith.constant 0 : i32
    %add3A_104 = arith.addi %mul3A_8, %add3A_103 : i32
    %dma_start3A = arith.constant 0 : i32
    %dma_start3A_105 = tpu.memref_slice %arg2[%add3A_104, %dma_start3A] : memref<320000x128xf32, #tpu.memory_space<hbm>> -> memref<256x128xf32, #tpu.memory_space<hbm>>
    %dma_start3A_106 = arith.constant 0 : i32
    %dma_start3A_107 = tpu.memref_slice %arg2[%add3A_104, %dma_start3A_106] : memref<320000x128xf32, #tpu.memory_space<hbm>> -> memref<256x128xf32, #tpu.memory_space<hbm>>
    tpu.enqueue_dma source(%dma_start3A_107 : memref<256x128xf32, #tpu.memory_space<hbm>>) target(%arg5 : memref<256x128xf32, #tpu.memory_space<vmem>>) target_semaphore(%arg9 : memref<!tpu.dma_semaphore, #tpu.memory_space<semaphore_mem>>)
    %add3A_108 = arith.constant 256 : i32
    %add3A_109 = arith.addi %mul3A_8, %add3A_108 : i32
    %dma_start3A_110 = arith.constant 0 : i32
    %dma_start3A_111 = tpu.memref_slice %arg2[%add3A_109, %dma_start3A_110] : memref<320000x128xf32, #tpu.memory_space<hbm>> -> memref<256x128xf32, #tpu.memory_space<hbm>>
    %dma_start3A_112 = arith.constant 0 : i32
    %dma_start3A_113 = tpu.memref_slice %arg2[%add3A_109, %dma_start3A_112] : memref<320000x128xf32, #tpu.memory_space<hbm>> -> memref<256x128xf32, #tpu.memory_space<hbm>>
    tpu.enqueue_dma source(%dma_start3A_113 : memref<256x128xf32, #tpu.memory_space<hbm>>) target(%arg6 : memref<256x128xf32, #tpu.memory_space<vmem>>) target_semaphore(%arg10 : memref<!tpu.dma_semaphore, #tpu.memory_space<semaphore_mem>>)
    %dma_wait3A = arith.constant 0 : i32
    %dma_wait3A_114 = tpu.memref_slice %arg2[%add3A_104, %dma_wait3A] : memref<320000x128xf32, #tpu.memory_space<hbm>> -> memref<256x128xf32, #tpu.memory_space<hbm>>
    %dma_wait3A_115 = arith.constant 0 : i32
    %dma_wait3A_116 = tpu.memref_slice %arg2[%add3A_104, %dma_wait3A_115] : memref<320000x128xf32, #tpu.memory_space<hbm>> -> memref<256x128xf32, #tpu.memory_space<hbm>>
    tpu.wait_dma2 semaphore(%arg9 : memref<!tpu.dma_semaphore, #tpu.memory_space<semaphore_mem>>) src(%dma_wait3A_116 : memref<256x128xf32, #tpu.memory_space<hbm>>) dst(%arg5 : memref<256x128xf32, #tpu.memory_space<vmem>>)
    "tpu.region"() ({
      %run_scoped3A = tpu.sem_alloc : memref<!tpu.dma_semaphore, #tpu.memory_space<semaphore_mem>>
      %dma_start3A_1800 = arith.constant 0 : i32
      %dma_start3A_1801 = arith.constant 0 : i32
      %dma_start3A_1802 = tpu.memref_slice %arg5[%dma_start3A_1800, %dma_start3A_1801] : memref<256x128xf32, #tpu.memory_space<vmem>> -> memref<128x128xf32, #tpu.memory_space<vmem>>
      %dma_start3A_1803 = arith.constant 0 : i32
      %dma_start3A_1804 = arith.constant 0 : i32
      %dma_start3A_1805 = tpu.memref_slice %arg8[%dma_start3A_1803, %dma_start3A_1804] : memref<1280x128xf32, #tpu.memory_space<vmem_shared>> -> memref<1280x128xf32, #tpu.memory_space<vmem_shared>>
      tpu.enqueue_indirect_dma source(%dma_start3A_1802 : memref<128x128xf32, #tpu.memory_space<vmem>>) target(%dma_start3A_1805 : memref<1280x128xf32, #tpu.memory_space<vmem_shared>>) offsets(%arg7 : memref<128xi32, #tpu.memory_space<vmem>>) semaphore(%run_scoped3A : memref<!tpu.dma_semaphore, #tpu.memory_space<semaphore_mem>>) {add = true}
      %dma_wait3A_1806 = arith.constant 0 : i32
      %dma_wait3A_1807 = arith.constant 0 : i32
      %dma_wait3A_1808 = tpu.memref_slice %arg5[%dma_wait3A_1806, %dma_wait3A_1807] : memref<256x128xf32, #tpu.memory_space<vmem>> -> memref<128x128xf32, #tpu.memory_space<vmem>>
      %dma_wait3A_1809 = arith.constant 0 : i32
      %dma_wait3A_1810 = arith.constant 0 : i32
      %dma_wait3A_1811 = tpu.memref_slice %arg8[%dma_wait3A_1809, %dma_wait3A_1810] : memref<1280x128xf32, #tpu.memory_space<vmem_shared>> -> memref<1280x128xf32, #tpu.memory_space<vmem_shared>>
      tpu.wait_indirect_dma semaphore(%run_scoped3A : memref<!tpu.dma_semaphore, #tpu.memory_space<semaphore_mem>>) src(%dma_wait3A_1808 : memref<128x128xf32, #tpu.memory_space<vmem>>) dst(%dma_wait3A_1811 : memref<1280x128xf32, #tpu.memory_space<vmem_shared>>)
      tpu.yield
    }) : () -> ()
    %get3A = arith.constant 0 : index
    %get3A_117 = tpu.vector_load %arg7[%get3A] {strides = array<i32>} : memref<128xi32, #tpu.memory_space<vmem>>, vector<16xi32>,
    %get3A_118 = vector.shape_cast %get3A_117 : vector<16xi32> to vector<16xi32>
    %add3A_119 = arith.constant 4 : i32
    %add3A_120 = vector.broadcast %add3A_119 : i32 to vector<16xi32>
    %add3A_121 = arith.addi %get3A_118, %add3A_120 : vector<16xi32>
    %swap3A_122 = arith.constant 0 : index
    %swap3A_123 = tpu.vector_load %arg7[%swap3A_122] {strides = array<i32>} : memref<128xi32, #tpu.memory_space<vmem>>, vector<16xi32>,
    %swap3A_124 = vector.shape_cast %swap3A_123 : vector<16xi32> to vector<16xi32>
    %swap3A_125 = vector.shape_cast %add3A_121 : vector<16xi32> to vector<16xi32>
    tpu.vector_store %arg7[%swap3A_122], %swap3A_125 {strides = array<i32>} : memref<128xi32, #tpu.memory_space<vmem>>, vector<16xi32>,
    %get3A_126 = arith.constant 16 : index
    %get3A_127 = tpu.vector_load %arg7[%get3A_126] {strides = array<i32>} : memref<128xi32, #tpu.memory_space<vmem>>, vector<16xi32>,
    %get3A_128 = vector.shape_cast %get3A_127 : vector<16xi32> to vector<16xi32>
    %add3A_129 = arith.constant 4 : i32
    %add3A_130 = vector.broadcast %add3A_129 : i32 to vector<16xi32>
    %add3A_131 = arith.addi %get3A_128, %add3A_130 : vector<16xi32>
    %swap3A_132 = arith.constant 16 : index
    %swap3A_133 = tpu.vector_load %arg7[%swap3A_132] {strides = array<i32>} : memref<128xi32, #tpu.memory_space<vmem>>, vector<16xi32>,
    %swap3A_134 = vector.shape_cast %swap3A_133 : vector<16xi32> to vector<16xi32>
    %swap3A_135 = vector.shape_cast %add3A_131 : vector<16xi32> to vector<16xi32>
    tpu.vector_store %arg7[%swap3A_132], %swap3A_135 {strides = array<i32>} : memref<128xi32, #tpu.memory_space<vmem>>, vector<16xi32>,
    %get3A_136 = arith.constant 32 : index
    %get3A_137 = tpu.vector_load %arg7[%get3A_136] {strides = array<i32>} : memref<128xi32, #tpu.memory_space<vmem>>, vector<16xi32>,
    %get3A_138 = vector.shape_cast %get3A_137 : vector<16xi32> to vector<16xi32>
    %add3A_139 = arith.constant 4 : i32
    %add3A_140 = vector.broadcast %add3A_139 : i32 to vector<16xi32>
    %add3A_141 = arith.addi %get3A_138, %add3A_140 : vector<16xi32>
    %swap3A_142 = arith.constant 32 : index
    %swap3A_143 = tpu.vector_load %arg7[%swap3A_142] {strides = array<i32>} : memref<128xi32, #tpu.memory_space<vmem>>, vector<16xi32>,
    %swap3A_144 = vector.shape_cast %swap3A_143 : vector<16xi32> to vector<16xi32>
    %swap3A_145 = vector.shape_cast %add3A_141 : vector<16xi32> to vector<16xi32>
    tpu.vector_store %arg7[%swap3A_142], %swap3A_145 {strides = array<i32>} : memref<128xi32, #tpu.memory_space<vmem>>, vector<16xi32>,
    %get3A_146 = arith.constant 48 : index
    %get3A_147 = tpu.vector_load %arg7[%get3A_146] {strides = array<i32>} : memref<128xi32, #tpu.memory_space<vmem>>, vector<16xi32>,
    %get3A_148 = vector.shape_cast %get3A_147 : vector<16xi32> to vector<16xi32>
    %add3A_149 = arith.constant 4 : i32
    %add3A_150 = vector.broadcast %add3A_149 : i32 to vector<16xi32>
    %add3A_151 = arith.addi %get3A_148, %add3A_150 : vector<16xi32>
    %swap3A_152 = arith.constant 48 : index
    %swap3A_153 = tpu.vector_load %arg7[%swap3A_152] {strides = array<i32>} : memref<128xi32, #tpu.memory_space<vmem>>, vector<16xi32>,
    %swap3A_154 = vector.shape_cast %swap3A_153 : vector<16xi32> to vector<16xi32>
    %swap3A_155 = vector.shape_cast %add3A_151 : vector<16xi32> to vector<16xi32>
    tpu.vector_store %arg7[%swap3A_152], %swap3A_155 {strides = array<i32>} : memref<128xi32, #tpu.memory_space<vmem>>, vector<16xi32>,
    %get3A_156 = arith.constant 64 : index
    %get3A_157 = tpu.vector_load %arg7[%get3A_156] {strides = array<i32>} : memref<128xi32, #tpu.memory_space<vmem>>, vector<16xi32>,
    %get3A_158 = vector.shape_cast %get3A_157 : vector<16xi32> to vector<16xi32>
    %add3A_159 = arith.constant 4 : i32
    %add3A_160 = vector.broadcast %add3A_159 : i32 to vector<16xi32>
    %add3A_161 = arith.addi %get3A_158, %add3A_160 : vector<16xi32>
    %swap3A_162 = arith.constant 64 : index
    %swap3A_163 = tpu.vector_load %arg7[%swap3A_162] {strides = array<i32>} : memref<128xi32, #tpu.memory_space<vmem>>, vector<16xi32>,
    %swap3A_164 = vector.shape_cast %swap3A_163 : vector<16xi32> to vector<16xi32>
    %swap3A_165 = vector.shape_cast %add3A_161 : vector<16xi32> to vector<16xi32>
    tpu.vector_store %arg7[%swap3A_162], %swap3A_165 {strides = array<i32>} : memref<128xi32, #tpu.memory_space<vmem>>, vector<16xi32>,
    %get3A_166 = arith.constant 80 : index
    %get3A_167 = tpu.vector_load %arg7[%get3A_166] {strides = array<i32>} : memref<128xi32, #tpu.memory_space<vmem>>, vector<16xi32>,
    %get3A_168 = vector.shape_cast %get3A_167 : vector<16xi32> to vector<16xi32>
    %add3A_169 = arith.constant 4 : i32
    %add3A_170 = vector.broadcast %add3A_169 : i32 to vector<16xi32>
    %add3A_171 = arith.addi %get3A_168, %add3A_170 : vector<16xi32>
    %swap3A_172 = arith.constant 80 : index
    %swap3A_173 = tpu.vector_load %arg7[%swap3A_172] {strides = array<i32>} : memref<128xi32, #tpu.memory_space<vmem>>, vector<16xi32>,
    %swap3A_174 = vector.shape_cast %swap3A_173 : vector<16xi32> to vector<16xi32>
    %swap3A_175 = vector.shape_cast %add3A_171 : vector<16xi32> to vector<16xi32>
    tpu.vector_store %arg7[%swap3A_172], %swap3A_175 {strides = array<i32>} : memref<128xi32, #tpu.memory_space<vmem>>, vector<16xi32>,
    %get3A_176 = arith.constant 96 : index
    %get3A_177 = tpu.vector_load %arg7[%get3A_176] {strides = array<i32>} : memref<128xi32, #tpu.memory_space<vmem>>, vector<16xi32>,
    %get3A_178 = vector.shape_cast %get3A_177 : vector<16xi32> to vector<16xi32>
    %add3A_179 = arith.constant 4 : i32
    %add3A_180 = vector.broadcast %add3A_179 : i32 to vector<16xi32>
    %add3A_181 = arith.addi %get3A_178, %add3A_180 : vector<16xi32>
    %swap3A_182 = arith.constant 96 : index
    %swap3A_183 = tpu.vector_load %arg7[%swap3A_182] {strides = array<i32>} : memref<128xi32, #tpu.memory_space<vmem>>, vector<16xi32>,
    %swap3A_184 = vector.shape_cast %swap3A_183 : vector<16xi32> to vector<16xi32>
    %swap3A_185 = vector.shape_cast %add3A_181 : vector<16xi32> to vector<16xi32>
    tpu.vector_store %arg7[%swap3A_182], %swap3A_185 {strides = array<i32>} : memref<128xi32, #tpu.memory_space<vmem>>, vector<16xi32>,
    %get3A_186 = arith.constant 112 : index
    %get3A_187 = tpu.vector_load %arg7[%get3A_186] {strides = array<i32>} : memref<128xi32, #tpu.memory_space<vmem>>, vector<16xi32>,
    %get3A_188 = vector.shape_cast %get3A_187 : vector<16xi32> to vector<16xi32>
    %add3A_189 = arith.constant 4 : i32
    %add3A_190 = vector.broadcast %add3A_189 : i32 to vector<16xi32>
    %add3A_191 = arith.addi %get3A_188, %add3A_190 : vector<16xi32>
    %swap3A_192 = arith.constant 112 : index
    %swap3A_193 = tpu.vector_load %arg7[%swap3A_192] {strides = array<i32>} : memref<128xi32, #tpu.memory_space<vmem>>, vector<16xi32>,
    %swap3A_194 = vector.shape_cast %swap3A_193 : vector<16xi32> to vector<16xi32>
    %swap3A_195 = vector.shape_cast %add3A_191 : vector<16xi32> to vector<16xi32>
    tpu.vector_store %arg7[%swap3A_192], %swap3A_195 {strides = array<i32>} : memref<128xi32, #tpu.memory_space<vmem>>, vector<16xi32>,
    "tpu.region"() ({
      %run_scoped3A = tpu.sem_alloc : memref<!tpu.dma_semaphore, #tpu.memory_space<semaphore_mem>>
      %dma_start3A_1800 = arith.constant 128 : i32
      %dma_start3A_1801 = arith.constant 0 : i32
      %dma_start3A_1802 = tpu.memref_slice %arg5[%dma_start3A_1800, %dma_start3A_1801] : memref<256x128xf32, #tpu.memory_space<vmem>> -> memref<128x128xf32, #tpu.memory_space<vmem>>
      %dma_start3A_1803 = arith.constant 0 : i32
      %dma_start3A_1804 = arith.constant 0 : i32
      %dma_start3A_1805 = tpu.memref_slice %arg8[%dma_start3A_1803, %dma_start3A_1804] : memref<1280x128xf32, #tpu.memory_space<vmem_shared>> -> memref<1280x128xf32, #tpu.memory_space<vmem_shared>>
      tpu.enqueue_indirect_dma source(%dma_start3A_1802 : memref<128x128xf32, #tpu.memory_space<vmem>>) target(%dma_start3A_1805 : memref<1280x128xf32, #tpu.memory_space<vmem_shared>>) offsets(%arg7 : memref<128xi32, #tpu.memory_space<vmem>>) semaphore(%run_scoped3A : memref<!tpu.dma_semaphore, #tpu.memory_space<semaphore_mem>>) {add = true}
      %dma_wait3A_1806 = arith.constant 128 : i32
      %dma_wait3A_1807 = arith.constant 0 : i32
      %dma_wait3A_1808 = tpu.memref_slice %arg5[%dma_wait3A_1806, %dma_wait3A_1807] : memref<256x128xf32, #tpu.memory_space<vmem>> -> memref<128x128xf32, #tpu.memory_space<vmem>>
      %dma_wait3A_1809 = arith.constant 0 : i32
      %dma_wait3A_1810 = arith.constant 0 : i32
      %dma_wait3A_1811 = tpu.memref_slice %arg8[%dma_wait3A_1809, %dma_wait3A_1810] : memref<1280x128xf32, #tpu.memory_space<vmem_shared>> -> memref<1280x128xf32, #tpu.memory_space<vmem_shared>>
      tpu.wait_indirect_dma semaphore(%run_scoped3A : memref<!tpu.dma_semaphore, #tpu.memory_space<semaphore_mem>>) src(%dma_wait3A_1808 : memref<128x128xf32, #tpu.memory_space<vmem>>) dst(%dma_wait3A_1811 : memref<1280x128xf32, #tpu.memory_space<vmem_shared>>)
      tpu.yield
    }) : () -> ()
    %get3A_196 = arith.constant 0 : index
    %get3A_197 = tpu.vector_load %arg7[%get3A_196] {strides = array<i32>} : memref<128xi32, #tpu.memory_space<vmem>>, vector<16xi32>,
    %get3A_198 = vector.shape_cast %get3A_197 : vector<16xi32> to vector<16xi32>
    %add3A_199 = arith.constant 4 : i32
    %add3A_200 = vector.broadcast %add3A_199 : i32 to vector<16xi32>
    %add3A_201 = arith.addi %get3A_198, %add3A_200 : vector<16xi32>
    %swap3A_202 = arith.constant 0 : index
    %swap3A_203 = tpu.vector_load %arg7[%swap3A_202] {strides = array<i32>} : memref<128xi32, #tpu.memory_space<vmem>>, vector<16xi32>,
    %swap3A_204 = vector.shape_cast %swap3A_203 : vector<16xi32> to vector<16xi32>
    %swap3A_205 = vector.shape_cast %add3A_201 : vector<16xi32> to vector<16xi32>
    tpu.vector_store %arg7[%swap3A_202], %swap3A_205 {strides = array<i32>} : memref<128xi32, #tpu.memory_space<vmem>>, vector<16xi32>,
    %get3A_206 = arith.constant 16 : index
    %get3A_207 = tpu.vector_load %arg7[%get3A_206] {strides = array<i32>} : memref<128xi32, #tpu.memory_space<vmem>>, vector<16xi32>,
    %get3A_208 = vector.shape_cast %get3A_207 : vector<16xi32> to vector<16xi32>
    %add3A_209 = arith.constant 4 : i32
    %add3A_210 = vector.broadcast %add3A_209 : i32 to vector<16xi32>
    %add3A_211 = arith.addi %get3A_208, %add3A_210 : vector<16xi32>
    %swap3A_212 = arith.constant 16 : index
    %swap3A_213 = tpu.vector_load %arg7[%swap3A_212] {strides = array<i32>} : memref<128xi32, #tpu.memory_space<vmem>>, vector<16xi32>,
    %swap3A_214 = vector.shape_cast %swap3A_213 : vector<16xi32> to vector<16xi32>
    %swap3A_215 = vector.shape_cast %add3A_211 : vector<16xi32> to vector<16xi32>
    tpu.vector_store %arg7[%swap3A_212], %swap3A_215 {strides = array<i32>} : memref<128xi32, #tpu.memory_space<vmem>>, vector<16xi32>,
    %get3A_216 = arith.constant 32 : index
    %get3A_217 = tpu.vector_load %arg7[%get3A_216] {strides = array<i32>} : memref<128xi32, #tpu.memory_space<vmem>>, vector<16xi32>,
    %get3A_218 = vector.shape_cast %get3A_217 : vector<16xi32> to vector<16xi32>
    %add3A_219 = arith.constant 4 : i32
    %add3A_220 = vector.broadcast %add3A_219 : i32 to vector<16xi32>
    %add3A_221 = arith.addi %get3A_218, %add3A_220 : vector<16xi32>
    %swap3A_222 = arith.constant 32 : index
    %swap3A_223 = tpu.vector_load %arg7[%swap3A_222] {strides = array<i32>} : memref<128xi32, #tpu.memory_space<vmem>>, vector<16xi32>,
    %swap3A_224 = vector.shape_cast %swap3A_223 : vector<16xi32> to vector<16xi32>
    %swap3A_225 = vector.shape_cast %add3A_221 : vector<16xi32> to vector<16xi32>
    tpu.vector_store %arg7[%swap3A_222], %swap3A_225 {strides = array<i32>} : memref<128xi32, #tpu.memory_space<vmem>>, vector<16xi32>,
    %get3A_226 = arith.constant 48 : index
    %get3A_227 = tpu.vector_load %arg7[%get3A_226] {strides = array<i32>} : memref<128xi32, #tpu.memory_space<vmem>>, vector<16xi32>,
    %get3A_228 = vector.shape_cast %get3A_227 : vector<16xi32> to vector<16xi32>
    %add3A_229 = arith.constant 4 : i32
    %add3A_230 = vector.broadcast %add3A_229 : i32 to vector<16xi32>
    %add3A_231 = arith.addi %get3A_228, %add3A_230 : vector<16xi32>
    %swap3A_232 = arith.constant 48 : index
    %swap3A_233 = tpu.vector_load %arg7[%swap3A_232] {strides = array<i32>} : memref<128xi32, #tpu.memory_space<vmem>>, vector<16xi32>,
    %swap3A_234 = vector.shape_cast %swap3A_233 : vector<16xi32> to vector<16xi32>
    %swap3A_235 = vector.shape_cast %add3A_231 : vector<16xi32> to vector<16xi32>
    tpu.vector_store %arg7[%swap3A_232], %swap3A_235 {strides = array<i32>} : memref<128xi32, #tpu.memory_space<vmem>>, vector<16xi32>,
    %get3A_236 = arith.constant 64 : index
    %get3A_237 = tpu.vector_load %arg7[%get3A_236] {strides = array<i32>} : memref<128xi32, #tpu.memory_space<vmem>>, vector<16xi32>,
    %get3A_238 = vector.shape_cast %get3A_237 : vector<16xi32> to vector<16xi32>
    %add3A_239 = arith.constant 4 : i32
    %add3A_240 = vector.broadcast %add3A_239 : i32 to vector<16xi32>
    %add3A_241 = arith.addi %get3A_238, %add3A_240 : vector<16xi32>
    %swap3A_242 = arith.constant 64 : index
    %swap3A_243 = tpu.vector_load %arg7[%swap3A_242] {strides = array<i32>} : memref<128xi32, #tpu.memory_space<vmem>>, vector<16xi32>,
    %swap3A_244 = vector.shape_cast %swap3A_243 : vector<16xi32> to vector<16xi32>
    %swap3A_245 = vector.shape_cast %add3A_241 : vector<16xi32> to vector<16xi32>
    tpu.vector_store %arg7[%swap3A_242], %swap3A_245 {strides = array<i32>} : memref<128xi32, #tpu.memory_space<vmem>>, vector<16xi32>,
    %get3A_246 = arith.constant 80 : index
    %get3A_247 = tpu.vector_load %arg7[%get3A_246] {strides = array<i32>} : memref<128xi32, #tpu.memory_space<vmem>>, vector<16xi32>,
    %get3A_248 = vector.shape_cast %get3A_247 : vector<16xi32> to vector<16xi32>
    %add3A_249 = arith.constant 4 : i32
    %add3A_250 = vector.broadcast %add3A_249 : i32 to vector<16xi32>
    %add3A_251 = arith.addi %get3A_248, %add3A_250 : vector<16xi32>
    %swap3A_252 = arith.constant 80 : index
    %swap3A_253 = tpu.vector_load %arg7[%swap3A_252] {strides = array<i32>} : memref<128xi32, #tpu.memory_space<vmem>>, vector<16xi32>,
    %swap3A_254 = vector.shape_cast %swap3A_253 : vector<16xi32> to vector<16xi32>
    %swap3A_255 = vector.shape_cast %add3A_251 : vector<16xi32> to vector<16xi32>
    tpu.vector_store %arg7[%swap3A_252], %swap3A_255 {strides = array<i32>} : memref<128xi32, #tpu.memory_space<vmem>>, vector<16xi32>,
    %get3A_256 = arith.constant 96 : index
    %get3A_257 = tpu.vector_load %arg7[%get3A_256] {strides = array<i32>} : memref<128xi32, #tpu.memory_space<vmem>>, vector<16xi32>,
    %get3A_258 = vector.shape_cast %get3A_257 : vector<16xi32> to vector<16xi32>
    %add3A_259 = arith.constant 4 : i32
    %add3A_260 = vector.broadcast %add3A_259 : i32 to vector<16xi32>
    %add3A_261 = arith.addi %get3A_258, %add3A_260 : vector<16xi32>
    %swap3A_262 = arith.constant 96 : index
    %swap3A_263 = tpu.vector_load %arg7[%swap3A_262] {strides = array<i32>} : memref<128xi32, #tpu.memory_space<vmem>>, vector<16xi32>,
    %swap3A_264 = vector.shape_cast %swap3A_263 : vector<16xi32> to vector<16xi32>
    %swap3A_265 = vector.shape_cast %add3A_261 : vector<16xi32> to vector<16xi32>
    tpu.vector_store %arg7[%swap3A_262], %swap3A_265 {strides = array<i32>} : memref<128xi32, #tpu.memory_space<vmem>>, vector<16xi32>,
    %get3A_266 = arith.constant 112 : index
    %get3A_267 = tpu.vector_load %arg7[%get3A_266] {strides = array<i32>} : memref<128xi32, #tpu.memory_space<vmem>>, vector<16xi32>,
    %get3A_268 = vector.shape_cast %get3A_267 : vector<16xi32> to vector<16xi32>
    %add3A_269 = arith.constant 4 : i32
    %add3A_270 = vector.broadcast %add3A_269 : i32 to vector<16xi32>
    %add3A_271 = arith.addi %get3A_268, %add3A_270 : vector<16xi32>
    %swap3A_272 = arith.constant 112 : index
    %swap3A_273 = tpu.vector_load %arg7[%swap3A_272] {strides = array<i32>} : memref<128xi32, #tpu.memory_space<vmem>>, vector<16xi32>,
    %swap3A_274 = vector.shape_cast %swap3A_273 : vector<16xi32> to vector<16xi32>
    %swap3A_275 = vector.shape_cast %add3A_271 : vector<16xi32> to vector<16xi32>
    tpu.vector_store %arg7[%swap3A_272], %swap3A_275 {strides = array<i32>} : memref<128xi32, #tpu.memory_space<vmem>>, vector<16xi32>,
    %add3A_276 = arith.constant 512 : i32
    %add3A_277 = arith.addi %mul3A_8, %add3A_276 : i32
    %dma_start3A_278 = arith.constant 0 : i32
    %dma_start3A_279 = tpu.memref_slice %arg2[%add3A_277, %dma_start3A_278] : memref<320000x128xf32, #tpu.memory_space<hbm>> -> memref<256x128xf32, #tpu.memory_space<hbm>>
    %dma_start3A_280 = arith.constant 0 : i32
    %dma_start3A_281 = tpu.memref_slice %arg2[%add3A_277, %dma_start3A_280] : memref<320000x128xf32, #tpu.memory_space<hbm>> -> memref<256x128xf32, #tpu.memory_space<hbm>>
    tpu.enqueue_dma source(%dma_start3A_281 : memref<256x128xf32, #tpu.memory_space<hbm>>) target(%arg5 : memref<256x128xf32, #tpu.memory_space<vmem>>) target_semaphore(%arg9 : memref<!tpu.dma_semaphore, #tpu.memory_space<semaphore_mem>>)
    %dma_wait3A_282 = arith.constant 0 : i32
    %dma_wait3A_283 = tpu.memref_slice %arg2[%add3A_109, %dma_wait3A_282] : memref<320000x128xf32, #tpu.memory_space<hbm>> -> memref<256x128xf32, #tpu.memory_space<hbm>>
    %dma_wait3A_284 = arith.constant 0 : i32
    %dma_wait3A_285 = tpu.memref_slice %arg2[%add3A_109, %dma_wait3A_284] : memref<320000x128xf32, #tpu.memory_space<hbm>> -> memref<256x128xf32, #tpu.memory_space<hbm>>
    tpu.wait_dma2 semaphore(%arg10 : memref<!tpu.dma_semaphore, #tpu.memory_space<semaphore_mem>>) src(%dma_wait3A_285 : memref<256x128xf32, #tpu.memory_space<hbm>>) dst(%arg6 : memref<256x128xf32, #tpu.memory_space<vmem>>)
    "tpu.region"() ({
      %run_scoped3A = tpu.sem_alloc : memref<!tpu.dma_semaphore, #tpu.memory_space<semaphore_mem>>
      %dma_start3A_1800 = arith.constant 0 : i32
      %dma_start3A_1801 = arith.constant 0 : i32
      %dma_start3A_1802 = tpu.memref_slice %arg6[%dma_start3A_1800, %dma_start3A_1801] : memref<256x128xf32, #tpu.memory_space<vmem>> -> memref<128x128xf32, #tpu.memory_space<vmem>>
      %dma_start3A_1803 = arith.constant 0 : i32
      %dma_start3A_1804 = arith.constant 0 : i32
      %dma_start3A_1805 = tpu.memref_slice %arg8[%dma_start3A_1803, %dma_start3A_1804] : memref<1280x128xf32, #tpu.memory_space<vmem_shared>> -> memref<1280x128xf32, #tpu.memory_space<vmem_shared>>
      tpu.enqueue_indirect_dma source(%dma_start3A_1802 : memref<128x128xf32, #tpu.memory_space<vmem>>) target(%dma_start3A_1805 : memref<1280x128xf32, #tpu.memory_space<vmem_shared>>) offsets(%arg7 : memref<128xi32, #tpu.memory_space<vmem>>) semaphore(%run_scoped3A : memref<!tpu.dma_semaphore, #tpu.memory_space<semaphore_mem>>) {add = true}
      %dma_wait3A_1806 = arith.constant 0 : i32
      %dma_wait3A_1807 = arith.constant 0 : i32
      %dma_wait3A_1808 = tpu.memref_slice %arg6[%dma_wait3A_1806, %dma_wait3A_1807] : memref<256x128xf32, #tpu.memory_space<vmem>> -> memref<128x128xf32, #tpu.memory_space<vmem>>
      %dma_wait3A_1809 = arith.constant 0 : i32
      %dma_wait3A_1810 = arith.constant 0 : i32
      %dma_wait3A_1811 = tpu.memref_slice %arg8[%dma_wait3A_1809, %dma_wait3A_1810] : memref<1280x128xf32, #tpu.memory_space<vmem_shared>> -> memref<1280x128xf32, #tpu.memory_space<vmem_shared>>
      tpu.wait_indirect_dma semaphore(%run_scoped3A : memref<!tpu.dma_semaphore, #tpu.memory_space<semaphore_mem>>) src(%dma_wait3A_1808 : memref<128x128xf32, #tpu.memory_space<vmem>>) dst(%dma_wait3A_1811 : memref<1280x128xf32, #tpu.memory_space<vmem_shared>>)
      tpu.yield
    }) : () -> ()
    %get3A_286 = arith.constant 0 : index
    %get3A_287 = tpu.vector_load %arg7[%get3A_286] {strides = array<i32>} : memref<128xi32, #tpu.memory_space<vmem>>, vector<16xi32>,
    %get3A_288 = vector.shape_cast %get3A_287 : vector<16xi32> to vector<16xi32>
    %add3A_289 = arith.constant 4 : i32
    %add3A_290 = vector.broadcast %add3A_289 : i32 to vector<16xi32>
    %add3A_291 = arith.addi %get3A_288, %add3A_290 : vector<16xi32>
    %swap3A_292 = arith.constant 0 : index
    %swap3A_293 = tpu.vector_load %arg7[%swap3A_292] {strides = array<i32>} : memref<128xi32, #tpu.memory_space<vmem>>, vector<16xi32>,
    %swap3A_294 = vector.shape_cast %swap3A_293 : vector<16xi32> to vector<16xi32>
    %swap3A_295 = vector.shape_cast %add3A_291 : vector<16xi32> to vector<16xi32>
    tpu.vector_store %arg7[%swap3A_292], %swap3A_295 {strides = array<i32>} : memref<128xi32, #tpu.memory_space<vmem>>, vector<16xi32>,
    %get3A_296 = arith.constant 16 : index
    %get3A_297 = tpu.vector_load %arg7[%get3A_296] {strides = array<i32>} : memref<128xi32, #tpu.memory_space<vmem>>, vector<16xi32>,
    %get3A_298 = vector.shape_cast %get3A_297 : vector<16xi32> to vector<16xi32>
    %add3A_299 = arith.constant 4 : i32
    %add3A_300 = vector.broadcast %add3A_299 : i32 to vector<16xi32>
    %add3A_301 = arith.addi %get3A_298, %add3A_300 : vector<16xi32>
    %swap3A_302 = arith.constant 16 : index
    %swap3A_303 = tpu.vector_load %arg7[%swap3A_302] {strides = array<i32>} : memref<128xi32, #tpu.memory_space<vmem>>, vector<16xi32>,
    %swap3A_304 = vector.shape_cast %swap3A_303 : vector<16xi32> to vector<16xi32>
    %swap3A_305 = vector.shape_cast %add3A_301 : vector<16xi32> to vector<16xi32>
    tpu.vector_store %arg7[%swap3A_302], %swap3A_305 {strides = array<i32>} : memref<128xi32, #tpu.memory_space<vmem>>, vector<16xi32>,
    %get3A_306 = arith.constant 32 : index
    %get3A_307 = tpu.vector_load %arg7[%get3A_306] {strides = array<i32>} : memref<128xi32, #tpu.memory_space<vmem>>, vector<16xi32>,
    %get3A_308 = vector.shape_cast %get3A_307 : vector<16xi32> to vector<16xi32>
    %add3A_309 = arith.constant 4 : i32
    %add3A_310 = vector.broadcast %add3A_309 : i32 to vector<16xi32>
    %add3A_311 = arith.addi %get3A_308, %add3A_310 : vector<16xi32>
    %swap3A_312 = arith.constant 32 : index
    %swap3A_313 = tpu.vector_load %arg7[%swap3A_312] {strides = array<i32>} : memref<128xi32, #tpu.memory_space<vmem>>, vector<16xi32>,
    %swap3A_314 = vector.shape_cast %swap3A_313 : vector<16xi32> to vector<16xi32>
    %swap3A_315 = vector.shape_cast %add3A_311 : vector<16xi32> to vector<16xi32>
    tpu.vector_store %arg7[%swap3A_312], %swap3A_315 {strides = array<i32>} : memref<128xi32, #tpu.memory_space<vmem>>, vector<16xi32>,
    %get3A_316 = arith.constant 48 : index
    %get3A_317 = tpu.vector_load %arg7[%get3A_316] {strides = array<i32>} : memref<128xi32, #tpu.memory_space<vmem>>, vector<16xi32>,
    %get3A_318 = vector.shape_cast %get3A_317 : vector<16xi32> to vector<16xi32>
    %add3A_319 = arith.constant 4 : i32
    %add3A_320 = vector.broadcast %add3A_319 : i32 to vector<16xi32>
    %add3A_321 = arith.addi %get3A_318, %add3A_320 : vector<16xi32>
    %swap3A_322 = arith.constant 48 : index
    %swap3A_323 = tpu.vector_load %arg7[%swap3A_322] {strides = array<i32>} : memref<128xi32, #tpu.memory_space<vmem>>, vector<16xi32>,
    %swap3A_324 = vector.shape_cast %swap3A_323 : vector<16xi32> to vector<16xi32>
    %swap3A_325 = vector.shape_cast %add3A_321 : vector<16xi32> to vector<16xi32>
    tpu.vector_store %arg7[%swap3A_322], %swap3A_325 {strides = array<i32>} : memref<128xi32, #tpu.memory_space<vmem>>, vector<16xi32>,
    %get3A_326 = arith.constant 64 : index
    %get3A_327 = tpu.vector_load %arg7[%get3A_326] {strides = array<i32>} : memref<128xi32, #tpu.memory_space<vmem>>, vector<16xi32>,
    %get3A_328 = vector.shape_cast %get3A_327 : vector<16xi32> to vector<16xi32>
    %add3A_329 = arith.constant 4 : i32
    %add3A_330 = vector.broadcast %add3A_329 : i32 to vector<16xi32>
    %add3A_331 = arith.addi %get3A_328, %add3A_330 : vector<16xi32>
    %swap3A_332 = arith.constant 64 : index
    %swap3A_333 = tpu.vector_load %arg7[%swap3A_332] {strides = array<i32>} : memref<128xi32, #tpu.memory_space<vmem>>, vector<16xi32>,
    %swap3A_334 = vector.shape_cast %swap3A_333 : vector<16xi32> to vector<16xi32>
    %swap3A_335 = vector.shape_cast %add3A_331 : vector<16xi32> to vector<16xi32>
    tpu.vector_store %arg7[%swap3A_332], %swap3A_335 {strides = array<i32>} : memref<128xi32, #tpu.memory_space<vmem>>, vector<16xi32>,
    %get3A_336 = arith.constant 80 : index
    %get3A_337 = tpu.vector_load %arg7[%get3A_336] {strides = array<i32>} : memref<128xi32, #tpu.memory_space<vmem>>, vector<16xi32>,
    %get3A_338 = vector.shape_cast %get3A_337 : vector<16xi32> to vector<16xi32>
    %add3A_339 = arith.constant 4 : i32
    %add3A_340 = vector.broadcast %add3A_339 : i32 to vector<16xi32>
    %add3A_341 = arith.addi %get3A_338, %add3A_340 : vector<16xi32>
    %swap3A_342 = arith.constant 80 : index
    %swap3A_343 = tpu.vector_load %arg7[%swap3A_342] {strides = array<i32>} : memref<128xi32, #tpu.memory_space<vmem>>, vector<16xi32>,
    %swap3A_344 = vector.shape_cast %swap3A_343 : vector<16xi32> to vector<16xi32>
    %swap3A_345 = vector.shape_cast %add3A_341 : vector<16xi32> to vector<16xi32>
    tpu.vector_store %arg7[%swap3A_342], %swap3A_345 {strides = array<i32>} : memref<128xi32, #tpu.memory_space<vmem>>, vector<16xi32>,
    %get3A_346 = arith.constant 96 : index
    %get3A_347 = tpu.vector_load %arg7[%get3A_346] {strides = array<i32>} : memref<128xi32, #tpu.memory_space<vmem>>, vector<16xi32>,
    %get3A_348 = vector.shape_cast %get3A_347 : vector<16xi32> to vector<16xi32>
    %add3A_349 = arith.constant 4 : i32
    %add3A_350 = vector.broadcast %add3A_349 : i32 to vector<16xi32>
    %add3A_351 = arith.addi %get3A_348, %add3A_350 : vector<16xi32>
    %swap3A_352 = arith.constant 96 : index
    %swap3A_353 = tpu.vector_load %arg7[%swap3A_352] {strides = array<i32>} : memref<128xi32, #tpu.memory_space<vmem>>, vector<16xi32>,
    %swap3A_354 = vector.shape_cast %swap3A_353 : vector<16xi32> to vector<16xi32>
    %swap3A_355 = vector.shape_cast %add3A_351 : vector<16xi32> to vector<16xi32>
    tpu.vector_store %arg7[%swap3A_352], %swap3A_355 {strides = array<i32>} : memref<128xi32, #tpu.memory_space<vmem>>, vector<16xi32>,
    %get3A_356 = arith.constant 112 : index
    %get3A_357 = tpu.vector_load %arg7[%get3A_356] {strides = array<i32>} : memref<128xi32, #tpu.memory_space<vmem>>, vector<16xi32>,
    %get3A_358 = vector.shape_cast %get3A_357 : vector<16xi32> to vector<16xi32>
    %add3A_359 = arith.constant 4 : i32
    %add3A_360 = vector.broadcast %add3A_359 : i32 to vector<16xi32>
    %add3A_361 = arith.addi %get3A_358, %add3A_360 : vector<16xi32>
    %swap3A_362 = arith.constant 112 : index
    %swap3A_363 = tpu.vector_load %arg7[%swap3A_362] {strides = array<i32>} : memref<128xi32, #tpu.memory_space<vmem>>, vector<16xi32>,
    %swap3A_364 = vector.shape_cast %swap3A_363 : vector<16xi32> to vector<16xi32>
    %swap3A_365 = vector.shape_cast %add3A_361 : vector<16xi32> to vector<16xi32>
    tpu.vector_store %arg7[%swap3A_362], %swap3A_365 {strides = array<i32>} : memref<128xi32, #tpu.memory_space<vmem>>, vector<16xi32>,
    "tpu.region"() ({
      %run_scoped3A = tpu.sem_alloc : memref<!tpu.dma_semaphore, #tpu.memory_space<semaphore_mem>>
      %dma_start3A_1800 = arith.constant 128 : i32
      %dma_start3A_1801 = arith.constant 0 : i32
      %dma_start3A_1802 = tpu.memref_slice %arg6[%dma_start3A_1800, %dma_start3A_1801] : memref<256x128xf32, #tpu.memory_space<vmem>> -> memref<128x128xf32, #tpu.memory_space<vmem>>
      %dma_start3A_1803 = arith.constant 0 : i32
      %dma_start3A_1804 = arith.constant 0 : i32
      %dma_start3A_1805 = tpu.memref_slice %arg8[%dma_start3A_1803, %dma_start3A_1804] : memref<1280x128xf32, #tpu.memory_space<vmem_shared>> -> memref<1280x128xf32, #tpu.memory_space<vmem_shared>>
      tpu.enqueue_indirect_dma source(%dma_start3A_1802 : memref<128x128xf32, #tpu.memory_space<vmem>>) target(%dma_start3A_1805 : memref<1280x128xf32, #tpu.memory_space<vmem_shared>>) offsets(%arg7 : memref<128xi32, #tpu.memory_space<vmem>>) semaphore(%run_scoped3A : memref<!tpu.dma_semaphore, #tpu.memory_space<semaphore_mem>>) {add = true}
      %dma_wait3A_1806 = arith.constant 128 : i32
      %dma_wait3A_1807 = arith.constant 0 : i32
      %dma_wait3A_1808 = tpu.memref_slice %arg6[%dma_wait3A_1806, %dma_wait3A_1807] : memref<256x128xf32, #tpu.memory_space<vmem>> -> memref<128x128xf32, #tpu.memory_space<vmem>>
      %dma_wait3A_1809 = arith.constant 0 : i32
      %dma_wait3A_1810 = arith.constant 0 : i32
      %dma_wait3A_1811 = tpu.memref_slice %arg8[%dma_wait3A_1809, %dma_wait3A_1810] : memref<1280x128xf32, #tpu.memory_space<vmem_shared>> -> memref<1280x128xf32, #tpu.memory_space<vmem_shared>>
      tpu.wait_indirect_dma semaphore(%run_scoped3A : memref<!tpu.dma_semaphore, #tpu.memory_space<semaphore_mem>>) src(%dma_wait3A_1808 : memref<128x128xf32, #tpu.memory_space<vmem>>) dst(%dma_wait3A_1811 : memref<1280x128xf32, #tpu.memory_space<vmem_shared>>)
      tpu.yield
    }) : () -> ()
    %get3A_366 = arith.constant 0 : index
    %get3A_367 = tpu.vector_load %arg7[%get3A_366] {strides = array<i32>} : memref<128xi32, #tpu.memory_space<vmem>>, vector<16xi32>,
    %get3A_368 = vector.shape_cast %get3A_367 : vector<16xi32> to vector<16xi32>
    %add3A_369 = arith.constant 4 : i32
    %add3A_370 = vector.broadcast %add3A_369 : i32 to vector<16xi32>
    %add3A_371 = arith.addi %get3A_368, %add3A_370 : vector<16xi32>
    %swap3A_372 = arith.constant 0 : index
    %swap3A_373 = tpu.vector_load %arg7[%swap3A_372] {strides = array<i32>} : memref<128xi32, #tpu.memory_space<vmem>>, vector<16xi32>,
    %swap3A_374 = vector.shape_cast %swap3A_373 : vector<16xi32> to vector<16xi32>
    %swap3A_375 = vector.shape_cast %add3A_371 : vector<16xi32> to vector<16xi32>
    tpu.vector_store %arg7[%swap3A_372], %swap3A_375 {strides = array<i32>} : memref<128xi32, #tpu.memory_space<vmem>>, vector<16xi32>,
    %get3A_376 = arith.constant 16 : index
    %get3A_377 = tpu.vector_load %arg7[%get3A_376] {strides = array<i32>} : memref<128xi32, #tpu.memory_space<vmem>>, vector<16xi32>,
    %get3A_378 = vector.shape_cast %get3A_377 : vector<16xi32> to vector<16xi32>
    %add3A_379 = arith.constant 4 : i32
    %add3A_380 = vector.broadcast %add3A_379 : i32 to vector<16xi32>
    %add3A_381 = arith.addi %get3A_378, %add3A_380 : vector<16xi32>
    %swap3A_382 = arith.constant 16 : index
    %swap3A_383 = tpu.vector_load %arg7[%swap3A_382] {strides = array<i32>} : memref<128xi32, #tpu.memory_space<vmem>>, vector<16xi32>,
    %swap3A_384 = vector.shape_cast %swap3A_383 : vector<16xi32> to vector<16xi32>
    %swap3A_385 = vector.shape_cast %add3A_381 : vector<16xi32> to vector<16xi32>
    tpu.vector_store %arg7[%swap3A_382], %swap3A_385 {strides = array<i32>} : memref<128xi32, #tpu.memory_space<vmem>>, vector<16xi32>,
    %get3A_386 = arith.constant 32 : index
    %get3A_387 = tpu.vector_load %arg7[%get3A_386] {strides = array<i32>} : memref<128xi32, #tpu.memory_space<vmem>>, vector<16xi32>,
    %get3A_388 = vector.shape_cast %get3A_387 : vector<16xi32> to vector<16xi32>
    %add3A_389 = arith.constant 4 : i32
    %add3A_390 = vector.broadcast %add3A_389 : i32 to vector<16xi32>
    %add3A_391 = arith.addi %get3A_388, %add3A_390 : vector<16xi32>
    %swap3A_392 = arith.constant 32 : index
    %swap3A_393 = tpu.vector_load %arg7[%swap3A_392] {strides = array<i32>} : memref<128xi32, #tpu.memory_space<vmem>>, vector<16xi32>,
    %swap3A_394 = vector.shape_cast %swap3A_393 : vector<16xi32> to vector<16xi32>
    %swap3A_395 = vector.shape_cast %add3A_391 : vector<16xi32> to vector<16xi32>
    tpu.vector_store %arg7[%swap3A_392], %swap3A_395 {strides = array<i32>} : memref<128xi32, #tpu.memory_space<vmem>>, vector<16xi32>,
    %get3A_396 = arith.constant 48 : index
    %get3A_397 = tpu.vector_load %arg7[%get3A_396] {strides = array<i32>} : memref<128xi32, #tpu.memory_space<vmem>>, vector<16xi32>,
    %get3A_398 = vector.shape_cast %get3A_397 : vector<16xi32> to vector<16xi32>
    %add3A_399 = arith.constant 4 : i32
    %add3A_400 = vector.broadcast %add3A_399 : i32 to vector<16xi32>
    %add3A_401 = arith.addi %get3A_398, %add3A_400 : vector<16xi32>
    %swap3A_402 = arith.constant 48 : index
    %swap3A_403 = tpu.vector_load %arg7[%swap3A_402] {strides = array<i32>} : memref<128xi32, #tpu.memory_space<vmem>>, vector<16xi32>,
    %swap3A_404 = vector.shape_cast %swap3A_403 : vector<16xi32> to vector<16xi32>
    %swap3A_405 = vector.shape_cast %add3A_401 : vector<16xi32> to vector<16xi32>
    tpu.vector_store %arg7[%swap3A_402], %swap3A_405 {strides = array<i32>} : memref<128xi32, #tpu.memory_space<vmem>>, vector<16xi32>,
    %get3A_406 = arith.constant 64 : index
    %get3A_407 = tpu.vector_load %arg7[%get3A_406] {strides = array<i32>} : memref<128xi32, #tpu.memory_space<vmem>>, vector<16xi32>,
    %get3A_408 = vector.shape_cast %get3A_407 : vector<16xi32> to vector<16xi32>
    %add3A_409 = arith.constant 4 : i32
    %add3A_410 = vector.broadcast %add3A_409 : i32 to vector<16xi32>
    %add3A_411 = arith.addi %get3A_408, %add3A_410 : vector<16xi32>
    %swap3A_412 = arith.constant 64 : index
    %swap3A_413 = tpu.vector_load %arg7[%swap3A_412] {strides = array<i32>} : memref<128xi32, #tpu.memory_space<vmem>>, vector<16xi32>,
    %swap3A_414 = vector.shape_cast %swap3A_413 : vector<16xi32> to vector<16xi32>
    %swap3A_415 = vector.shape_cast %add3A_411 : vector<16xi32> to vector<16xi32>
    tpu.vector_store %arg7[%swap3A_412], %swap3A_415 {strides = array<i32>} : memref<128xi32, #tpu.memory_space<vmem>>, vector<16xi32>,
    %get3A_416 = arith.constant 80 : index
    %get3A_417 = tpu.vector_load %arg7[%get3A_416] {strides = array<i32>} : memref<128xi32, #tpu.memory_space<vmem>>, vector<16xi32>,
    %get3A_418 = vector.shape_cast %get3A_417 : vector<16xi32> to vector<16xi32>
    %add3A_419 = arith.constant 4 : i32
    %add3A_420 = vector.broadcast %add3A_419 : i32 to vector<16xi32>
    %add3A_421 = arith.addi %get3A_418, %add3A_420 : vector<16xi32>
    %swap3A_422 = arith.constant 80 : index
    %swap3A_423 = tpu.vector_load %arg7[%swap3A_422] {strides = array<i32>} : memref<128xi32, #tpu.memory_space<vmem>>, vector<16xi32>,
    %swap3A_424 = vector.shape_cast %swap3A_423 : vector<16xi32> to vector<16xi32>
    %swap3A_425 = vector.shape_cast %add3A_421 : vector<16xi32> to vector<16xi32>
    tpu.vector_store %arg7[%swap3A_422], %swap3A_425 {strides = array<i32>} : memref<128xi32, #tpu.memory_space<vmem>>, vector<16xi32>,
    %get3A_426 = arith.constant 96 : index
    %get3A_427 = tpu.vector_load %arg7[%get3A_426] {strides = array<i32>} : memref<128xi32, #tpu.memory_space<vmem>>, vector<16xi32>,
    %get3A_428 = vector.shape_cast %get3A_427 : vector<16xi32> to vector<16xi32>
    %add3A_429 = arith.constant 4 : i32
    %add3A_430 = vector.broadcast %add3A_429 : i32 to vector<16xi32>
    %add3A_431 = arith.addi %get3A_428, %add3A_430 : vector<16xi32>
    %swap3A_432 = arith.constant 96 : index
    %swap3A_433 = tpu.vector_load %arg7[%swap3A_432] {strides = array<i32>} : memref<128xi32, #tpu.memory_space<vmem>>, vector<16xi32>,
    %swap3A_434 = vector.shape_cast %swap3A_433 : vector<16xi32> to vector<16xi32>
    %swap3A_435 = vector.shape_cast %add3A_431 : vector<16xi32> to vector<16xi32>
    tpu.vector_store %arg7[%swap3A_432], %swap3A_435 {strides = array<i32>} : memref<128xi32, #tpu.memory_space<vmem>>, vector<16xi32>,
    %get3A_436 = arith.constant 112 : index
    %get3A_437 = tpu.vector_load %arg7[%get3A_436] {strides = array<i32>} : memref<128xi32, #tpu.memory_space<vmem>>, vector<16xi32>,
    %get3A_438 = vector.shape_cast %get3A_437 : vector<16xi32> to vector<16xi32>
    %add3A_439 = arith.constant 4 : i32
    %add3A_440 = vector.broadcast %add3A_439 : i32 to vector<16xi32>
    %add3A_441 = arith.addi %get3A_438, %add3A_440 : vector<16xi32>
    %swap3A_442 = arith.constant 112 : index
    %swap3A_443 = tpu.vector_load %arg7[%swap3A_442] {strides = array<i32>} : memref<128xi32, #tpu.memory_space<vmem>>, vector<16xi32>,
    %swap3A_444 = vector.shape_cast %swap3A_443 : vector<16xi32> to vector<16xi32>
    %swap3A_445 = vector.shape_cast %add3A_441 : vector<16xi32> to vector<16xi32>
    tpu.vector_store %arg7[%swap3A_442], %swap3A_445 {strides = array<i32>} : memref<128xi32, #tpu.memory_space<vmem>>, vector<16xi32>,
    %add3A_446 = arith.constant 768 : i32
    %add3A_447 = arith.addi %mul3A_8, %add3A_446 : i32
    %dma_start3A_448 = arith.constant 0 : i32
    %dma_start3A_449 = tpu.memref_slice %arg2[%add3A_447, %dma_start3A_448] : memref<320000x128xf32, #tpu.memory_space<hbm>> -> memref<256x128xf32, #tpu.memory_space<hbm>>
    %dma_start3A_450 = arith.constant 0 : i32
    %dma_start3A_451 = tpu.memref_slice %arg2[%add3A_447, %dma_start3A_450] : memref<320000x128xf32, #tpu.memory_space<hbm>> -> memref<256x128xf32, #tpu.memory_space<hbm>>
    tpu.enqueue_dma source(%dma_start3A_451 : memref<256x128xf32, #tpu.memory_space<hbm>>) target(%arg6 : memref<256x128xf32, #tpu.memory_space<vmem>>) target_semaphore(%arg10 : memref<!tpu.dma_semaphore, #tpu.memory_space<semaphore_mem>>)
    %dma_wait3A_452 = arith.constant 0 : i32
    %dma_wait3A_453 = tpu.memref_slice %arg2[%add3A_277, %dma_wait3A_452] : memref<320000x128xf32, #tpu.memory_space<hbm>> -> memref<256x128xf32, #tpu.memory_space<hbm>>
    %dma_wait3A_454 = arith.constant 0 : i32
    %dma_wait3A_455 = tpu.memref_slice %arg2[%add3A_277, %dma_wait3A_454] : memref<320000x128xf32, #tpu.memory_space<hbm>> -> memref<256x128xf32, #tpu.memory_space<hbm>>
    tpu.wait_dma2 semaphore(%arg9 : memref<!tpu.dma_semaphore, #tpu.memory_space<semaphore_mem>>) src(%dma_wait3A_455 : memref<256x128xf32, #tpu.memory_space<hbm>>) dst(%arg5 : memref<256x128xf32, #tpu.memory_space<vmem>>)
    "tpu.region"() ({
      %run_scoped3A = tpu.sem_alloc : memref<!tpu.dma_semaphore, #tpu.memory_space<semaphore_mem>>
      %dma_start3A_1800 = arith.constant 0 : i32
      %dma_start3A_1801 = arith.constant 0 : i32
      %dma_start3A_1802 = tpu.memref_slice %arg5[%dma_start3A_1800, %dma_start3A_1801] : memref<256x128xf32, #tpu.memory_space<vmem>> -> memref<128x128xf32, #tpu.memory_space<vmem>>
      %dma_start3A_1803 = arith.constant 0 : i32
      %dma_start3A_1804 = arith.constant 0 : i32
      %dma_start3A_1805 = tpu.memref_slice %arg8[%dma_start3A_1803, %dma_start3A_1804] : memref<1280x128xf32, #tpu.memory_space<vmem_shared>> -> memref<1280x128xf32, #tpu.memory_space<vmem_shared>>
      tpu.enqueue_indirect_dma source(%dma_start3A_1802 : memref<128x128xf32, #tpu.memory_space<vmem>>) target(%dma_start3A_1805 : memref<1280x128xf32, #tpu.memory_space<vmem_shared>>) offsets(%arg7 : memref<128xi32, #tpu.memory_space<vmem>>) semaphore(%run_scoped3A : memref<!tpu.dma_semaphore, #tpu.memory_space<semaphore_mem>>) {add = true}
      %dma_wait3A_1806 = arith.constant 0 : i32
      %dma_wait3A_1807 = arith.constant 0 : i32
      %dma_wait3A_1808 = tpu.memref_slice %arg5[%dma_wait3A_1806, %dma_wait3A_1807] : memref<256x128xf32, #tpu.memory_space<vmem>> -> memref<128x128xf32, #tpu.memory_space<vmem>>
      %dma_wait3A_1809 = arith.constant 0 : i32
      %dma_wait3A_1810 = arith.constant 0 : i32
      %dma_wait3A_1811 = tpu.memref_slice %arg8[%dma_wait3A_1809, %dma_wait3A_1810] : memref<1280x128xf32, #tpu.memory_space<vmem_shared>> -> memref<1280x128xf32, #tpu.memory_space<vmem_shared>>
      tpu.wait_indirect_dma semaphore(%run_scoped3A : memref<!tpu.dma_semaphore, #tpu.memory_space<semaphore_mem>>) src(%dma_wait3A_1808 : memref<128x128xf32, #tpu.memory_space<vmem>>) dst(%dma_wait3A_1811 : memref<1280x128xf32, #tpu.memory_space<vmem_shared>>)
      tpu.yield
    }) : () -> ()
    %get3A_456 = arith.constant 0 : index
    %get3A_457 = tpu.vector_load %arg7[%get3A_456] {strides = array<i32>} : memref<128xi32, #tpu.memory_space<vmem>>, vector<16xi32>,
    %get3A_458 = vector.shape_cast %get3A_457 : vector<16xi32> to vector<16xi32>
    %add3A_459 = arith.constant 4 : i32
    %add3A_460 = vector.broadcast %add3A_459 : i32 to vector<16xi32>
    %add3A_461 = arith.addi %get3A_458, %add3A_460 : vector<16xi32>
    %swap3A_462 = arith.constant 0 : index
    %swap3A_463 = tpu.vector_load %arg7[%swap3A_462] {strides = array<i32>} : memref<128xi32, #tpu.memory_space<vmem>>, vector<16xi32>,
    %swap3A_464 = vector.shape_cast %swap3A_463 : vector<16xi32> to vector<16xi32>
    %swap3A_465 = vector.shape_cast %add3A_461 : vector<16xi32> to vector<16xi32>
    tpu.vector_store %arg7[%swap3A_462], %swap3A_465 {strides = array<i32>} : memref<128xi32, #tpu.memory_space<vmem>>, vector<16xi32>,
    %get3A_466 = arith.constant 16 : index
    %get3A_467 = tpu.vector_load %arg7[%get3A_466] {strides = array<i32>} : memref<128xi32, #tpu.memory_space<vmem>>, vector<16xi32>,
    %get3A_468 = vector.shape_cast %get3A_467 : vector<16xi32> to vector<16xi32>
    %add3A_469 = arith.constant 4 : i32
    %add3A_470 = vector.broadcast %add3A_469 : i32 to vector<16xi32>
    %add3A_471 = arith.addi %get3A_468, %add3A_470 : vector<16xi32>
    %swap3A_472 = arith.constant 16 : index
    %swap3A_473 = tpu.vector_load %arg7[%swap3A_472] {strides = array<i32>} : memref<128xi32, #tpu.memory_space<vmem>>, vector<16xi32>,
    %swap3A_474 = vector.shape_cast %swap3A_473 : vector<16xi32> to vector<16xi32>
    %swap3A_475 = vector.shape_cast %add3A_471 : vector<16xi32> to vector<16xi32>
    tpu.vector_store %arg7[%swap3A_472], %swap3A_475 {strides = array<i32>} : memref<128xi32, #tpu.memory_space<vmem>>, vector<16xi32>,
    %get3A_476 = arith.constant 32 : index
    %get3A_477 = tpu.vector_load %arg7[%get3A_476] {strides = array<i32>} : memref<128xi32, #tpu.memory_space<vmem>>, vector<16xi32>,
    %get3A_478 = vector.shape_cast %get3A_477 : vector<16xi32> to vector<16xi32>
    %add3A_479 = arith.constant 4 : i32
    %add3A_480 = vector.broadcast %add3A_479 : i32 to vector<16xi32>
    %add3A_481 = arith.addi %get3A_478, %add3A_480 : vector<16xi32>
    %swap3A_482 = arith.constant 32 : index
    %swap3A_483 = tpu.vector_load %arg7[%swap3A_482] {strides = array<i32>} : memref<128xi32, #tpu.memory_space<vmem>>, vector<16xi32>,
    %swap3A_484 = vector.shape_cast %swap3A_483 : vector<16xi32> to vector<16xi32>
    %swap3A_485 = vector.shape_cast %add3A_481 : vector<16xi32> to vector<16xi32>
    tpu.vector_store %arg7[%swap3A_482], %swap3A_485 {strides = array<i32>} : memref<128xi32, #tpu.memory_space<vmem>>, vector<16xi32>,
    %get3A_486 = arith.constant 48 : index
    %get3A_487 = tpu.vector_load %arg7[%get3A_486] {strides = array<i32>} : memref<128xi32, #tpu.memory_space<vmem>>, vector<16xi32>,
    %get3A_488 = vector.shape_cast %get3A_487 : vector<16xi32> to vector<16xi32>
    %add3A_489 = arith.constant 4 : i32
    %add3A_490 = vector.broadcast %add3A_489 : i32 to vector<16xi32>
    %add3A_491 = arith.addi %get3A_488, %add3A_490 : vector<16xi32>
    %swap3A_492 = arith.constant 48 : index
    %swap3A_493 = tpu.vector_load %arg7[%swap3A_492] {strides = array<i32>} : memref<128xi32, #tpu.memory_space<vmem>>, vector<16xi32>,
    %swap3A_494 = vector.shape_cast %swap3A_493 : vector<16xi32> to vector<16xi32>
    %swap3A_495 = vector.shape_cast %add3A_491 : vector<16xi32> to vector<16xi32>
    tpu.vector_store %arg7[%swap3A_492], %swap3A_495 {strides = array<i32>} : memref<128xi32, #tpu.memory_space<vmem>>, vector<16xi32>,
    %get3A_496 = arith.constant 64 : index
    %get3A_497 = tpu.vector_load %arg7[%get3A_496] {strides = array<i32>} : memref<128xi32, #tpu.memory_space<vmem>>, vector<16xi32>,
    %get3A_498 = vector.shape_cast %get3A_497 : vector<16xi32> to vector<16xi32>
    %add3A_499 = arith.constant 4 : i32
    %add3A_500 = vector.broadcast %add3A_499 : i32 to vector<16xi32>
    %add3A_501 = arith.addi %get3A_498, %add3A_500 : vector<16xi32>
    %swap3A_502 = arith.constant 64 : index
    %swap3A_503 = tpu.vector_load %arg7[%swap3A_502] {strides = array<i32>} : memref<128xi32, #tpu.memory_space<vmem>>, vector<16xi32>,
    %swap3A_504 = vector.shape_cast %swap3A_503 : vector<16xi32> to vector<16xi32>
    %swap3A_505 = vector.shape_cast %add3A_501 : vector<16xi32> to vector<16xi32>
    tpu.vector_store %arg7[%swap3A_502], %swap3A_505 {strides = array<i32>} : memref<128xi32, #tpu.memory_space<vmem>>, vector<16xi32>,
    %get3A_506 = arith.constant 80 : index
    %get3A_507 = tpu.vector_load %arg7[%get3A_506] {strides = array<i32>} : memref<128xi32, #tpu.memory_space<vmem>>, vector<16xi32>,
    %get3A_508 = vector.shape_cast %get3A_507 : vector<16xi32> to vector<16xi32>
    %add3A_509 = arith.constant 4 : i32
    %add3A_510 = vector.broadcast %add3A_509 : i32 to vector<16xi32>
    %add3A_511 = arith.addi %get3A_508, %add3A_510 : vector<16xi32>
    %swap3A_512 = arith.constant 80 : index
    %swap3A_513 = tpu.vector_load %arg7[%swap3A_512] {strides = array<i32>} : memref<128xi32, #tpu.memory_space<vmem>>, vector<16xi32>,
    %swap3A_514 = vector.shape_cast %swap3A_513 : vector<16xi32> to vector<16xi32>
    %swap3A_515 = vector.shape_cast %add3A_511 : vector<16xi32> to vector<16xi32>
    tpu.vector_store %arg7[%swap3A_512], %swap3A_515 {strides = array<i32>} : memref<128xi32, #tpu.memory_space<vmem>>, vector<16xi32>,
    %get3A_516 = arith.constant 96 : index
    %get3A_517 = tpu.vector_load %arg7[%get3A_516] {strides = array<i32>} : memref<128xi32, #tpu.memory_space<vmem>>, vector<16xi32>,
    %get3A_518 = vector.shape_cast %get3A_517 : vector<16xi32> to vector<16xi32>
    %add3A_519 = arith.constant 4 : i32
    %add3A_520 = vector.broadcast %add3A_519 : i32 to vector<16xi32>
    %add3A_521 = arith.addi %get3A_518, %add3A_520 : vector<16xi32>
    %swap3A_522 = arith.constant 96 : index
    %swap3A_523 = tpu.vector_load %arg7[%swap3A_522] {strides = array<i32>} : memref<128xi32, #tpu.memory_space<vmem>>, vector<16xi32>,
    %swap3A_524 = vector.shape_cast %swap3A_523 : vector<16xi32> to vector<16xi32>
    %swap3A_525 = vector.shape_cast %add3A_521 : vector<16xi32> to vector<16xi32>
    tpu.vector_store %arg7[%swap3A_522], %swap3A_525 {strides = array<i32>} : memref<128xi32, #tpu.memory_space<vmem>>, vector<16xi32>,
    %get3A_526 = arith.constant 112 : index
    %get3A_527 = tpu.vector_load %arg7[%get3A_526] {strides = array<i32>} : memref<128xi32, #tpu.memory_space<vmem>>, vector<16xi32>,
    %get3A_528 = vector.shape_cast %get3A_527 : vector<16xi32> to vector<16xi32>
    %add3A_529 = arith.constant 4 : i32
    %add3A_530 = vector.broadcast %add3A_529 : i32 to vector<16xi32>
    %add3A_531 = arith.addi %get3A_528, %add3A_530 : vector<16xi32>
    %swap3A_532 = arith.constant 112 : index
    %swap3A_533 = tpu.vector_load %arg7[%swap3A_532] {strides = array<i32>} : memref<128xi32, #tpu.memory_space<vmem>>, vector<16xi32>,
    %swap3A_534 = vector.shape_cast %swap3A_533 : vector<16xi32> to vector<16xi32>
    %swap3A_535 = vector.shape_cast %add3A_531 : vector<16xi32> to vector<16xi32>
    tpu.vector_store %arg7[%swap3A_532], %swap3A_535 {strides = array<i32>} : memref<128xi32, #tpu.memory_space<vmem>>, vector<16xi32>,
    "tpu.region"() ({
      %run_scoped3A = tpu.sem_alloc : memref<!tpu.dma_semaphore, #tpu.memory_space<semaphore_mem>>
      %dma_start3A_1800 = arith.constant 128 : i32
      %dma_start3A_1801 = arith.constant 0 : i32
      %dma_start3A_1802 = tpu.memref_slice %arg5[%dma_start3A_1800, %dma_start3A_1801] : memref<256x128xf32, #tpu.memory_space<vmem>> -> memref<128x128xf32, #tpu.memory_space<vmem>>
      %dma_start3A_1803 = arith.constant 0 : i32
      %dma_start3A_1804 = arith.constant 0 : i32
      %dma_start3A_1805 = tpu.memref_slice %arg8[%dma_start3A_1803, %dma_start3A_1804] : memref<1280x128xf32, #tpu.memory_space<vmem_shared>> -> memref<1280x128xf32, #tpu.memory_space<vmem_shared>>
      tpu.enqueue_indirect_dma source(%dma_start3A_1802 : memref<128x128xf32, #tpu.memory_space<vmem>>) target(%dma_start3A_1805 : memref<1280x128xf32, #tpu.memory_space<vmem_shared>>) offsets(%arg7 : memref<128xi32, #tpu.memory_space<vmem>>) semaphore(%run_scoped3A : memref<!tpu.dma_semaphore, #tpu.memory_space<semaphore_mem>>) {add = true}
      %dma_wait3A_1806 = arith.constant 128 : i32
      %dma_wait3A_1807 = arith.constant 0 : i32
      %dma_wait3A_1808 = tpu.memref_slice %arg5[%dma_wait3A_1806, %dma_wait3A_1807] : memref<256x128xf32, #tpu.memory_space<vmem>> -> memref<128x128xf32, #tpu.memory_space<vmem>>
      %dma_wait3A_1809 = arith.constant 0 : i32
      %dma_wait3A_1810 = arith.constant 0 : i32
      %dma_wait3A_1811 = tpu.memref_slice %arg8[%dma_wait3A_1809, %dma_wait3A_1810] : memref<1280x128xf32, #tpu.memory_space<vmem_shared>> -> memref<1280x128xf32, #tpu.memory_space<vmem_shared>>
      tpu.wait_indirect_dma semaphore(%run_scoped3A : memref<!tpu.dma_semaphore, #tpu.memory_space<semaphore_mem>>) src(%dma_wait3A_1808 : memref<128x128xf32, #tpu.memory_space<vmem>>) dst(%dma_wait3A_1811 : memref<1280x128xf32, #tpu.memory_space<vmem_shared>>)
      tpu.yield
    }) : () -> ()
    %get3A_536 = arith.constant 0 : index
    %get3A_537 = tpu.vector_load %arg7[%get3A_536] {strides = array<i32>} : memref<128xi32, #tpu.memory_space<vmem>>, vector<16xi32>,
    %get3A_538 = vector.shape_cast %get3A_537 : vector<16xi32> to vector<16xi32>
    %add3A_539 = arith.constant 4 : i32
    %add3A_540 = vector.broadcast %add3A_539 : i32 to vector<16xi32>
    %add3A_541 = arith.addi %get3A_538, %add3A_540 : vector<16xi32>
    %swap3A_542 = arith.constant 0 : index
    %swap3A_543 = tpu.vector_load %arg7[%swap3A_542] {strides = array<i32>} : memref<128xi32, #tpu.memory_space<vmem>>, vector<16xi32>,
    %swap3A_544 = vector.shape_cast %swap3A_543 : vector<16xi32> to vector<16xi32>
    %swap3A_545 = vector.shape_cast %add3A_541 : vector<16xi32> to vector<16xi32>
    tpu.vector_store %arg7[%swap3A_542], %swap3A_545 {strides = array<i32>} : memref<128xi32, #tpu.memory_space<vmem>>, vector<16xi32>,
    %get3A_546 = arith.constant 16 : index
    %get3A_547 = tpu.vector_load %arg7[%get3A_546] {strides = array<i32>} : memref<128xi32, #tpu.memory_space<vmem>>, vector<16xi32>,
    %get3A_548 = vector.shape_cast %get3A_547 : vector<16xi32> to vector<16xi32>
    %add3A_549 = arith.constant 4 : i32
    %add3A_550 = vector.broadcast %add3A_549 : i32 to vector<16xi32>
    %add3A_551 = arith.addi %get3A_548, %add3A_550 : vector<16xi32>
    %swap3A_552 = arith.constant 16 : index
    %swap3A_553 = tpu.vector_load %arg7[%swap3A_552] {strides = array<i32>} : memref<128xi32, #tpu.memory_space<vmem>>, vector<16xi32>,
    %swap3A_554 = vector.shape_cast %swap3A_553 : vector<16xi32> to vector<16xi32>
    %swap3A_555 = vector.shape_cast %add3A_551 : vector<16xi32> to vector<16xi32>
    tpu.vector_store %arg7[%swap3A_552], %swap3A_555 {strides = array<i32>} : memref<128xi32, #tpu.memory_space<vmem>>, vector<16xi32>,
    %get3A_556 = arith.constant 32 : index
    %get3A_557 = tpu.vector_load %arg7[%get3A_556] {strides = array<i32>} : memref<128xi32, #tpu.memory_space<vmem>>, vector<16xi32>,
    %get3A_558 = vector.shape_cast %get3A_557 : vector<16xi32> to vector<16xi32>
    %add3A_559 = arith.constant 4 : i32
    %add3A_560 = vector.broadcast %add3A_559 : i32 to vector<16xi32>
    %add3A_561 = arith.addi %get3A_558, %add3A_560 : vector<16xi32>
    %swap3A_562 = arith.constant 32 : index
    %swap3A_563 = tpu.vector_load %arg7[%swap3A_562] {strides = array<i32>} : memref<128xi32, #tpu.memory_space<vmem>>, vector<16xi32>,
    %swap3A_564 = vector.shape_cast %swap3A_563 : vector<16xi32> to vector<16xi32>
    %swap3A_565 = vector.shape_cast %add3A_561 : vector<16xi32> to vector<16xi32>
    tpu.vector_store %arg7[%swap3A_562], %swap3A_565 {strides = array<i32>} : memref<128xi32, #tpu.memory_space<vmem>>, vector<16xi32>,
    %get3A_566 = arith.constant 48 : index
    %get3A_567 = tpu.vector_load %arg7[%get3A_566] {strides = array<i32>} : memref<128xi32, #tpu.memory_space<vmem>>, vector<16xi32>,
    %get3A_568 = vector.shape_cast %get3A_567 : vector<16xi32> to vector<16xi32>
    %add3A_569 = arith.constant 4 : i32
    %add3A_570 = vector.broadcast %add3A_569 : i32 to vector<16xi32>
    %add3A_571 = arith.addi %get3A_568, %add3A_570 : vector<16xi32>
    %swap3A_572 = arith.constant 48 : index
    %swap3A_573 = tpu.vector_load %arg7[%swap3A_572] {strides = array<i32>} : memref<128xi32, #tpu.memory_space<vmem>>, vector<16xi32>,
    %swap3A_574 = vector.shape_cast %swap3A_573 : vector<16xi32> to vector<16xi32>
    %swap3A_575 = vector.shape_cast %add3A_571 : vector<16xi32> to vector<16xi32>
    tpu.vector_store %arg7[%swap3A_572], %swap3A_575 {strides = array<i32>} : memref<128xi32, #tpu.memory_space<vmem>>, vector<16xi32>,
    %get3A_576 = arith.constant 64 : index
    %get3A_577 = tpu.vector_load %arg7[%get3A_576] {strides = array<i32>} : memref<128xi32, #tpu.memory_space<vmem>>, vector<16xi32>,
    %get3A_578 = vector.shape_cast %get3A_577 : vector<16xi32> to vector<16xi32>
    %add3A_579 = arith.constant 4 : i32
    %add3A_580 = vector.broadcast %add3A_579 : i32 to vector<16xi32>
    %add3A_581 = arith.addi %get3A_578, %add3A_580 : vector<16xi32>
    %swap3A_582 = arith.constant 64 : index
    %swap3A_583 = tpu.vector_load %arg7[%swap3A_582] {strides = array<i32>} : memref<128xi32, #tpu.memory_space<vmem>>, vector<16xi32>,
    %swap3A_584 = vector.shape_cast %swap3A_583 : vector<16xi32> to vector<16xi32>
    %swap3A_585 = vector.shape_cast %add3A_581 : vector<16xi32> to vector<16xi32>
    tpu.vector_store %arg7[%swap3A_582], %swap3A_585 {strides = array<i32>} : memref<128xi32, #tpu.memory_space<vmem>>, vector<16xi32>,
    %get3A_586 = arith.constant 80 : index
    %get3A_587 = tpu.vector_load %arg7[%get3A_586] {strides = array<i32>} : memref<128xi32, #tpu.memory_space<vmem>>, vector<16xi32>,
    %get3A_588 = vector.shape_cast %get3A_587 : vector<16xi32> to vector<16xi32>
    %add3A_589 = arith.constant 4 : i32
    %add3A_590 = vector.broadcast %add3A_589 : i32 to vector<16xi32>
    %add3A_591 = arith.addi %get3A_588, %add3A_590 : vector<16xi32>
    %swap3A_592 = arith.constant 80 : index
    %swap3A_593 = tpu.vector_load %arg7[%swap3A_592] {strides = array<i32>} : memref<128xi32, #tpu.memory_space<vmem>>, vector<16xi32>,
    %swap3A_594 = vector.shape_cast %swap3A_593 : vector<16xi32> to vector<16xi32>
    %swap3A_595 = vector.shape_cast %add3A_591 : vector<16xi32> to vector<16xi32>
    tpu.vector_store %arg7[%swap3A_592], %swap3A_595 {strides = array<i32>} : memref<128xi32, #tpu.memory_space<vmem>>, vector<16xi32>,
    %get3A_596 = arith.constant 96 : index
    %get3A_597 = tpu.vector_load %arg7[%get3A_596] {strides = array<i32>} : memref<128xi32, #tpu.memory_space<vmem>>, vector<16xi32>,
    %get3A_598 = vector.shape_cast %get3A_597 : vector<16xi32> to vector<16xi32>
    %add3A_599 = arith.constant 4 : i32
    %add3A_600 = vector.broadcast %add3A_599 : i32 to vector<16xi32>
    %add3A_601 = arith.addi %get3A_598, %add3A_600 : vector<16xi32>
    %swap3A_602 = arith.constant 96 : index
    %swap3A_603 = tpu.vector_load %arg7[%swap3A_602] {strides = array<i32>} : memref<128xi32, #tpu.memory_space<vmem>>, vector<16xi32>,
    %swap3A_604 = vector.shape_cast %swap3A_603 : vector<16xi32> to vector<16xi32>
    %swap3A_605 = vector.shape_cast %add3A_601 : vector<16xi32> to vector<16xi32>
    tpu.vector_store %arg7[%swap3A_602], %swap3A_605 {strides = array<i32>} : memref<128xi32, #tpu.memory_space<vmem>>, vector<16xi32>,
    %get3A_606 = arith.constant 112 : index
    %get3A_607 = tpu.vector_load %arg7[%get3A_606] {strides = array<i32>} : memref<128xi32, #tpu.memory_space<vmem>>, vector<16xi32>,
    %get3A_608 = vector.shape_cast %get3A_607 : vector<16xi32> to vector<16xi32>
    %add3A_609 = arith.constant 4 : i32
    %add3A_610 = vector.broadcast %add3A_609 : i32 to vector<16xi32>
    %add3A_611 = arith.addi %get3A_608, %add3A_610 : vector<16xi32>
    %swap3A_612 = arith.constant 112 : index
    %swap3A_613 = tpu.vector_load %arg7[%swap3A_612] {strides = array<i32>} : memref<128xi32, #tpu.memory_space<vmem>>, vector<16xi32>,
    %swap3A_614 = vector.shape_cast %swap3A_613 : vector<16xi32> to vector<16xi32>
    %swap3A_615 = vector.shape_cast %add3A_611 : vector<16xi32> to vector<16xi32>
    tpu.vector_store %arg7[%swap3A_612], %swap3A_615 {strides = array<i32>} : memref<128xi32, #tpu.memory_space<vmem>>, vector<16xi32>,
    %add3A_616 = arith.constant 1024 : i32
    %add3A_617 = arith.addi %mul3A_8, %add3A_616 : i32
    %dma_start3A_618 = arith.constant 0 : i32
    %dma_start3A_619 = tpu.memref_slice %arg2[%add3A_617, %dma_start3A_618] : memref<320000x128xf32, #tpu.memory_space<hbm>> -> memref<256x128xf32, #tpu.memory_space<hbm>>
    %dma_start3A_620 = arith.constant 0 : i32
    %dma_start3A_621 = tpu.memref_slice %arg2[%add3A_617, %dma_start3A_620] : memref<320000x128xf32, #tpu.memory_space<hbm>> -> memref<256x128xf32, #tpu.memory_space<hbm>>
    tpu.enqueue_dma source(%dma_start3A_621 : memref<256x128xf32, #tpu.memory_space<hbm>>) target(%arg5 : memref<256x128xf32, #tpu.memory_space<vmem>>) target_semaphore(%arg9 : memref<!tpu.dma_semaphore, #tpu.memory_space<semaphore_mem>>)
    %dma_wait3A_622 = arith.constant 0 : i32
    %dma_wait3A_623 = tpu.memref_slice %arg2[%add3A_447, %dma_wait3A_622] : memref<320000x128xf32, #tpu.memory_space<hbm>> -> memref<256x128xf32, #tpu.memory_space<hbm>>
    %dma_wait3A_624 = arith.constant 0 : i32
    %dma_wait3A_625 = tpu.memref_slice %arg2[%add3A_447, %dma_wait3A_624] : memref<320000x128xf32, #tpu.memory_space<hbm>> -> memref<256x128xf32, #tpu.memory_space<hbm>>
    tpu.wait_dma2 semaphore(%arg10 : memref<!tpu.dma_semaphore, #tpu.memory_space<semaphore_mem>>) src(%dma_wait3A_625 : memref<256x128xf32, #tpu.memory_space<hbm>>) dst(%arg6 : memref<256x128xf32, #tpu.memory_space<vmem>>)
    "tpu.region"() ({
      %run_scoped3A = tpu.sem_alloc : memref<!tpu.dma_semaphore, #tpu.memory_space<semaphore_mem>>
      %dma_start3A_1800 = arith.constant 0 : i32
      %dma_start3A_1801 = arith.constant 0 : i32
      %dma_start3A_1802 = tpu.memref_slice %arg6[%dma_start3A_1800, %dma_start3A_1801] : memref<256x128xf32, #tpu.memory_space<vmem>> -> memref<128x128xf32, #tpu.memory_space<vmem>>
      %dma_start3A_1803 = arith.constant 0 : i32
      %dma_start3A_1804 = arith.constant 0 : i32
      %dma_start3A_1805 = tpu.memref_slice %arg8[%dma_start3A_1803, %dma_start3A_1804] : memref<1280x128xf32, #tpu.memory_space<vmem_shared>> -> memref<1280x128xf32, #tpu.memory_space<vmem_shared>>
      tpu.enqueue_indirect_dma source(%dma_start3A_1802 : memref<128x128xf32, #tpu.memory_space<vmem>>) target(%dma_start3A_1805 : memref<1280x128xf32, #tpu.memory_space<vmem_shared>>) offsets(%arg7 : memref<128xi32, #tpu.memory_space<vmem>>) semaphore(%run_scoped3A : memref<!tpu.dma_semaphore, #tpu.memory_space<semaphore_mem>>) {add = true}
      %dma_wait3A_1806 = arith.constant 0 : i32
      %dma_wait3A_1807 = arith.constant 0 : i32
      %dma_wait3A_1808 = tpu.memref_slice %arg6[%dma_wait3A_1806, %dma_wait3A_1807] : memref<256x128xf32, #tpu.memory_space<vmem>> -> memref<128x128xf32, #tpu.memory_space<vmem>>
      %dma_wait3A_1809 = arith.constant 0 : i32
      %dma_wait3A_1810 = arith.constant 0 : i32
      %dma_wait3A_1811 = tpu.memref_slice %arg8[%dma_wait3A_1809, %dma_wait3A_1810] : memref<1280x128xf32, #tpu.memory_space<vmem_shared>> -> memref<1280x128xf32, #tpu.memory_space<vmem_shared>>
      tpu.wait_indirect_dma semaphore(%run_scoped3A : memref<!tpu.dma_semaphore, #tpu.memory_space<semaphore_mem>>) src(%dma_wait3A_1808 : memref<128x128xf32, #tpu.memory_space<vmem>>) dst(%dma_wait3A_1811 : memref<1280x128xf32, #tpu.memory_space<vmem_shared>>)
      tpu.yield
    }) : () -> ()
    %get3A_626 = arith.constant 0 : index
    %get3A_627 = tpu.vector_load %arg7[%get3A_626] {strides = array<i32>} : memref<128xi32, #tpu.memory_space<vmem>>, vector<16xi32>,
    %get3A_628 = vector.shape_cast %get3A_627 : vector<16xi32> to vector<16xi32>
    %add3A_629 = arith.constant 4 : i32
    %add3A_630 = vector.broadcast %add3A_629 : i32 to vector<16xi32>
    %add3A_631 = arith.addi %get3A_628, %add3A_630 : vector<16xi32>
    %swap3A_632 = arith.constant 0 : index
    %swap3A_633 = tpu.vector_load %arg7[%swap3A_632] {strides = array<i32>} : memref<128xi32, #tpu.memory_space<vmem>>, vector<16xi32>,
    %swap3A_634 = vector.shape_cast %swap3A_633 : vector<16xi32> to vector<16xi32>
    %swap3A_635 = vector.shape_cast %add3A_631 : vector<16xi32> to vector<16xi32>
    tpu.vector_store %arg7[%swap3A_632], %swap3A_635 {strides = array<i32>} : memref<128xi32, #tpu.memory_space<vmem>>, vector<16xi32>,
    %get3A_636 = arith.constant 16 : index
    %get3A_637 = tpu.vector_load %arg7[%get3A_636] {strides = array<i32>} : memref<128xi32, #tpu.memory_space<vmem>>, vector<16xi32>,
    %get3A_638 = vector.shape_cast %get3A_637 : vector<16xi32> to vector<16xi32>
    %add3A_639 = arith.constant 4 : i32
    %add3A_640 = vector.broadcast %add3A_639 : i32 to vector<16xi32>
    %add3A_641 = arith.addi %get3A_638, %add3A_640 : vector<16xi32>
    %swap3A_642 = arith.constant 16 : index
    %swap3A_643 = tpu.vector_load %arg7[%swap3A_642] {strides = array<i32>} : memref<128xi32, #tpu.memory_space<vmem>>, vector<16xi32>,
    %swap3A_644 = vector.shape_cast %swap3A_643 : vector<16xi32> to vector<16xi32>
    %swap3A_645 = vector.shape_cast %add3A_641 : vector<16xi32> to vector<16xi32>
    tpu.vector_store %arg7[%swap3A_642], %swap3A_645 {strides = array<i32>} : memref<128xi32, #tpu.memory_space<vmem>>, vector<16xi32>,
    %get3A_646 = arith.constant 32 : index
    %get3A_647 = tpu.vector_load %arg7[%get3A_646] {strides = array<i32>} : memref<128xi32, #tpu.memory_space<vmem>>, vector<16xi32>,
    %get3A_648 = vector.shape_cast %get3A_647 : vector<16xi32> to vector<16xi32>
    %add3A_649 = arith.constant 4 : i32
    %add3A_650 = vector.broadcast %add3A_649 : i32 to vector<16xi32>
    %add3A_651 = arith.addi %get3A_648, %add3A_650 : vector<16xi32>
    %swap3A_652 = arith.constant 32 : index
    %swap3A_653 = tpu.vector_load %arg7[%swap3A_652] {strides = array<i32>} : memref<128xi32, #tpu.memory_space<vmem>>, vector<16xi32>,
    %swap3A_654 = vector.shape_cast %swap3A_653 : vector<16xi32> to vector<16xi32>
    %swap3A_655 = vector.shape_cast %add3A_651 : vector<16xi32> to vector<16xi32>
    tpu.vector_store %arg7[%swap3A_652], %swap3A_655 {strides = array<i32>} : memref<128xi32, #tpu.memory_space<vmem>>, vector<16xi32>,
    %get3A_656 = arith.constant 48 : index
    %get3A_657 = tpu.vector_load %arg7[%get3A_656] {strides = array<i32>} : memref<128xi32, #tpu.memory_space<vmem>>, vector<16xi32>,
    %get3A_658 = vector.shape_cast %get3A_657 : vector<16xi32> to vector<16xi32>
    %add3A_659 = arith.constant 4 : i32
    %add3A_660 = vector.broadcast %add3A_659 : i32 to vector<16xi32>
    %add3A_661 = arith.addi %get3A_658, %add3A_660 : vector<16xi32>
    %swap3A_662 = arith.constant 48 : index
    %swap3A_663 = tpu.vector_load %arg7[%swap3A_662] {strides = array<i32>} : memref<128xi32, #tpu.memory_space<vmem>>, vector<16xi32>,
    %swap3A_664 = vector.shape_cast %swap3A_663 : vector<16xi32> to vector<16xi32>
    %swap3A_665 = vector.shape_cast %add3A_661 : vector<16xi32> to vector<16xi32>
    tpu.vector_store %arg7[%swap3A_662], %swap3A_665 {strides = array<i32>} : memref<128xi32, #tpu.memory_space<vmem>>, vector<16xi32>,
    %get3A_666 = arith.constant 64 : index
    %get3A_667 = tpu.vector_load %arg7[%get3A_666] {strides = array<i32>} : memref<128xi32, #tpu.memory_space<vmem>>, vector<16xi32>,
    %get3A_668 = vector.shape_cast %get3A_667 : vector<16xi32> to vector<16xi32>
    %add3A_669 = arith.constant 4 : i32
    %add3A_670 = vector.broadcast %add3A_669 : i32 to vector<16xi32>
    %add3A_671 = arith.addi %get3A_668, %add3A_670 : vector<16xi32>
    %swap3A_672 = arith.constant 64 : index
    %swap3A_673 = tpu.vector_load %arg7[%swap3A_672] {strides = array<i32>} : memref<128xi32, #tpu.memory_space<vmem>>, vector<16xi32>,
    %swap3A_674 = vector.shape_cast %swap3A_673 : vector<16xi32> to vector<16xi32>
    %swap3A_675 = vector.shape_cast %add3A_671 : vector<16xi32> to vector<16xi32>
    tpu.vector_store %arg7[%swap3A_672], %swap3A_675 {strides = array<i32>} : memref<128xi32, #tpu.memory_space<vmem>>, vector<16xi32>,
    %get3A_676 = arith.constant 80 : index
    %get3A_677 = tpu.vector_load %arg7[%get3A_676] {strides = array<i32>} : memref<128xi32, #tpu.memory_space<vmem>>, vector<16xi32>,
    %get3A_678 = vector.shape_cast %get3A_677 : vector<16xi32> to vector<16xi32>
    %add3A_679 = arith.constant 4 : i32
    %add3A_680 = vector.broadcast %add3A_679 : i32 to vector<16xi32>
    %add3A_681 = arith.addi %get3A_678, %add3A_680 : vector<16xi32>
    %swap3A_682 = arith.constant 80 : index
    %swap3A_683 = tpu.vector_load %arg7[%swap3A_682] {strides = array<i32>} : memref<128xi32, #tpu.memory_space<vmem>>, vector<16xi32>,
    %swap3A_684 = vector.shape_cast %swap3A_683 : vector<16xi32> to vector<16xi32>
    %swap3A_685 = vector.shape_cast %add3A_681 : vector<16xi32> to vector<16xi32>
    tpu.vector_store %arg7[%swap3A_682], %swap3A_685 {strides = array<i32>} : memref<128xi32, #tpu.memory_space<vmem>>, vector<16xi32>,
    %get3A_686 = arith.constant 96 : index
    %get3A_687 = tpu.vector_load %arg7[%get3A_686] {strides = array<i32>} : memref<128xi32, #tpu.memory_space<vmem>>, vector<16xi32>,
    %get3A_688 = vector.shape_cast %get3A_687 : vector<16xi32> to vector<16xi32>
    %add3A_689 = arith.constant 4 : i32
    %add3A_690 = vector.broadcast %add3A_689 : i32 to vector<16xi32>
    %add3A_691 = arith.addi %get3A_688, %add3A_690 : vector<16xi32>
    %swap3A_692 = arith.constant 96 : index
    %swap3A_693 = tpu.vector_load %arg7[%swap3A_692] {strides = array<i32>} : memref<128xi32, #tpu.memory_space<vmem>>, vector<16xi32>,
    %swap3A_694 = vector.shape_cast %swap3A_693 : vector<16xi32> to vector<16xi32>
    %swap3A_695 = vector.shape_cast %add3A_691 : vector<16xi32> to vector<16xi32>
    tpu.vector_store %arg7[%swap3A_692], %swap3A_695 {strides = array<i32>} : memref<128xi32, #tpu.memory_space<vmem>>, vector<16xi32>,
    %get3A_696 = arith.constant 112 : index
    %get3A_697 = tpu.vector_load %arg7[%get3A_696] {strides = array<i32>} : memref<128xi32, #tpu.memory_space<vmem>>, vector<16xi32>,
    %get3A_698 = vector.shape_cast %get3A_697 : vector<16xi32> to vector<16xi32>
    %add3A_699 = arith.constant 4 : i32
    %add3A_700 = vector.broadcast %add3A_699 : i32 to vector<16xi32>
    %add3A_701 = arith.addi %get3A_698, %add3A_700 : vector<16xi32>
    %swap3A_702 = arith.constant 112 : index
    %swap3A_703 = tpu.vector_load %arg7[%swap3A_702] {strides = array<i32>} : memref<128xi32, #tpu.memory_space<vmem>>, vector<16xi32>,
    %swap3A_704 = vector.shape_cast %swap3A_703 : vector<16xi32> to vector<16xi32>
    %swap3A_705 = vector.shape_cast %add3A_701 : vector<16xi32> to vector<16xi32>
    tpu.vector_store %arg7[%swap3A_702], %swap3A_705 {strides = array<i32>} : memref<128xi32, #tpu.memory_space<vmem>>, vector<16xi32>,
    "tpu.region"() ({
      %run_scoped3A = tpu.sem_alloc : memref<!tpu.dma_semaphore, #tpu.memory_space<semaphore_mem>>
      %dma_start3A_1800 = arith.constant 128 : i32
      %dma_start3A_1801 = arith.constant 0 : i32
      %dma_start3A_1802 = tpu.memref_slice %arg6[%dma_start3A_1800, %dma_start3A_1801] : memref<256x128xf32, #tpu.memory_space<vmem>> -> memref<128x128xf32, #tpu.memory_space<vmem>>
      %dma_start3A_1803 = arith.constant 0 : i32
      %dma_start3A_1804 = arith.constant 0 : i32
      %dma_start3A_1805 = tpu.memref_slice %arg8[%dma_start3A_1803, %dma_start3A_1804] : memref<1280x128xf32, #tpu.memory_space<vmem_shared>> -> memref<1280x128xf32, #tpu.memory_space<vmem_shared>>
      tpu.enqueue_indirect_dma source(%dma_start3A_1802 : memref<128x128xf32, #tpu.memory_space<vmem>>) target(%dma_start3A_1805 : memref<1280x128xf32, #tpu.memory_space<vmem_shared>>) offsets(%arg7 : memref<128xi32, #tpu.memory_space<vmem>>) semaphore(%run_scoped3A : memref<!tpu.dma_semaphore, #tpu.memory_space<semaphore_mem>>) {add = true}
      %dma_wait3A_1806 = arith.constant 128 : i32
      %dma_wait3A_1807 = arith.constant 0 : i32
      %dma_wait3A_1808 = tpu.memref_slice %arg6[%dma_wait3A_1806, %dma_wait3A_1807] : memref<256x128xf32, #tpu.memory_space<vmem>> -> memref<128x128xf32, #tpu.memory_space<vmem>>
      %dma_wait3A_1809 = arith.constant 0 : i32
      %dma_wait3A_1810 = arith.constant 0 : i32
      %dma_wait3A_1811 = tpu.memref_slice %arg8[%dma_wait3A_1809, %dma_wait3A_1810] : memref<1280x128xf32, #tpu.memory_space<vmem_shared>> -> memref<1280x128xf32, #tpu.memory_space<vmem_shared>>
      tpu.wait_indirect_dma semaphore(%run_scoped3A : memref<!tpu.dma_semaphore, #tpu.memory_space<semaphore_mem>>) src(%dma_wait3A_1808 : memref<128x128xf32, #tpu.memory_space<vmem>>) dst(%dma_wait3A_1811 : memref<1280x128xf32, #tpu.memory_space<vmem_shared>>)
      tpu.yield
    }) : () -> ()
    %get3A_706 = arith.constant 0 : index
    %get3A_707 = tpu.vector_load %arg7[%get3A_706] {strides = array<i32>} : memref<128xi32, #tpu.memory_space<vmem>>, vector<16xi32>,
    %get3A_708 = vector.shape_cast %get3A_707 : vector<16xi32> to vector<16xi32>
    %add3A_709 = arith.constant 4 : i32
    %add3A_710 = vector.broadcast %add3A_709 : i32 to vector<16xi32>
    %add3A_711 = arith.addi %get3A_708, %add3A_710 : vector<16xi32>
    %swap3A_712 = arith.constant 0 : index
    %swap3A_713 = tpu.vector_load %arg7[%swap3A_712] {strides = array<i32>} : memref<128xi32, #tpu.memory_space<vmem>>, vector<16xi32>,
    %swap3A_714 = vector.shape_cast %swap3A_713 : vector<16xi32> to vector<16xi32>
    %swap3A_715 = vector.shape_cast %add3A_711 : vector<16xi32> to vector<16xi32>
    tpu.vector_store %arg7[%swap3A_712], %swap3A_715 {strides = array<i32>} : memref<128xi32, #tpu.memory_space<vmem>>, vector<16xi32>,
    %get3A_716 = arith.constant 16 : index
    %get3A_717 = tpu.vector_load %arg7[%get3A_716] {strides = array<i32>} : memref<128xi32, #tpu.memory_space<vmem>>, vector<16xi32>,
    %get3A_718 = vector.shape_cast %get3A_717 : vector<16xi32> to vector<16xi32>
    %add3A_719 = arith.constant 4 : i32
    %add3A_720 = vector.broadcast %add3A_719 : i32 to vector<16xi32>
    %add3A_721 = arith.addi %get3A_718, %add3A_720 : vector<16xi32>
    %swap3A_722 = arith.constant 16 : index
    %swap3A_723 = tpu.vector_load %arg7[%swap3A_722] {strides = array<i32>} : memref<128xi32, #tpu.memory_space<vmem>>, vector<16xi32>,
    %swap3A_724 = vector.shape_cast %swap3A_723 : vector<16xi32> to vector<16xi32>
    %swap3A_725 = vector.shape_cast %add3A_721 : vector<16xi32> to vector<16xi32>
    tpu.vector_store %arg7[%swap3A_722], %swap3A_725 {strides = array<i32>} : memref<128xi32, #tpu.memory_space<vmem>>, vector<16xi32>,
    %get3A_726 = arith.constant 32 : index
    %get3A_727 = tpu.vector_load %arg7[%get3A_726] {strides = array<i32>} : memref<128xi32, #tpu.memory_space<vmem>>, vector<16xi32>,
    %get3A_728 = vector.shape_cast %get3A_727 : vector<16xi32> to vector<16xi32>
    %add3A_729 = arith.constant 4 : i32
    %add3A_730 = vector.broadcast %add3A_729 : i32 to vector<16xi32>
    %add3A_731 = arith.addi %get3A_728, %add3A_730 : vector<16xi32>
    %swap3A_732 = arith.constant 32 : index
    %swap3A_733 = tpu.vector_load %arg7[%swap3A_732] {strides = array<i32>} : memref<128xi32, #tpu.memory_space<vmem>>, vector<16xi32>,
    %swap3A_734 = vector.shape_cast %swap3A_733 : vector<16xi32> to vector<16xi32>
    %swap3A_735 = vector.shape_cast %add3A_731 : vector<16xi32> to vector<16xi32>
    tpu.vector_store %arg7[%swap3A_732], %swap3A_735 {strides = array<i32>} : memref<128xi32, #tpu.memory_space<vmem>>, vector<16xi32>,
    %get3A_736 = arith.constant 48 : index
    %get3A_737 = tpu.vector_load %arg7[%get3A_736] {strides = array<i32>} : memref<128xi32, #tpu.memory_space<vmem>>, vector<16xi32>,
    %get3A_738 = vector.shape_cast %get3A_737 : vector<16xi32> to vector<16xi32>
    %add3A_739 = arith.constant 4 : i32
    %add3A_740 = vector.broadcast %add3A_739 : i32 to vector<16xi32>
    %add3A_741 = arith.addi %get3A_738, %add3A_740 : vector<16xi32>
    %swap3A_742 = arith.constant 48 : index
    %swap3A_743 = tpu.vector_load %arg7[%swap3A_742] {strides = array<i32>} : memref<128xi32, #tpu.memory_space<vmem>>, vector<16xi32>,
    %swap3A_744 = vector.shape_cast %swap3A_743 : vector<16xi32> to vector<16xi32>
    %swap3A_745 = vector.shape_cast %add3A_741 : vector<16xi32> to vector<16xi32>
    tpu.vector_store %arg7[%swap3A_742], %swap3A_745 {strides = array<i32>} : memref<128xi32, #tpu.memory_space<vmem>>, vector<16xi32>,
    %get3A_746 = arith.constant 64 : index
    %get3A_747 = tpu.vector_load %arg7[%get3A_746] {strides = array<i32>} : memref<128xi32, #tpu.memory_space<vmem>>, vector<16xi32>,
    %get3A_748 = vector.shape_cast %get3A_747 : vector<16xi32> to vector<16xi32>
    %add3A_749 = arith.constant 4 : i32
    %add3A_750 = vector.broadcast %add3A_749 : i32 to vector<16xi32>
    %add3A_751 = arith.addi %get3A_748, %add3A_750 : vector<16xi32>
    %swap3A_752 = arith.constant 64 : index
    %swap3A_753 = tpu.vector_load %arg7[%swap3A_752] {strides = array<i32>} : memref<128xi32, #tpu.memory_space<vmem>>, vector<16xi32>,
    %swap3A_754 = vector.shape_cast %swap3A_753 : vector<16xi32> to vector<16xi32>
    %swap3A_755 = vector.shape_cast %add3A_751 : vector<16xi32> to vector<16xi32>
    tpu.vector_store %arg7[%swap3A_752], %swap3A_755 {strides = array<i32>} : memref<128xi32, #tpu.memory_space<vmem>>, vector<16xi32>,
    %get3A_756 = arith.constant 80 : index
    %get3A_757 = tpu.vector_load %arg7[%get3A_756] {strides = array<i32>} : memref<128xi32, #tpu.memory_space<vmem>>, vector<16xi32>,
    %get3A_758 = vector.shape_cast %get3A_757 : vector<16xi32> to vector<16xi32>
    %add3A_759 = arith.constant 4 : i32
    %add3A_760 = vector.broadcast %add3A_759 : i32 to vector<16xi32>
    %add3A_761 = arith.addi %get3A_758, %add3A_760 : vector<16xi32>
    %swap3A_762 = arith.constant 80 : index
    %swap3A_763 = tpu.vector_load %arg7[%swap3A_762] {strides = array<i32>} : memref<128xi32, #tpu.memory_space<vmem>>, vector<16xi32>,
    %swap3A_764 = vector.shape_cast %swap3A_763 : vector<16xi32> to vector<16xi32>
    %swap3A_765 = vector.shape_cast %add3A_761 : vector<16xi32> to vector<16xi32>
    tpu.vector_store %arg7[%swap3A_762], %swap3A_765 {strides = array<i32>} : memref<128xi32, #tpu.memory_space<vmem>>, vector<16xi32>,
    %get3A_766 = arith.constant 96 : index
    %get3A_767 = tpu.vector_load %arg7[%get3A_766] {strides = array<i32>} : memref<128xi32, #tpu.memory_space<vmem>>, vector<16xi32>,
    %get3A_768 = vector.shape_cast %get3A_767 : vector<16xi32> to vector<16xi32>
    %add3A_769 = arith.constant 4 : i32
    %add3A_770 = vector.broadcast %add3A_769 : i32 to vector<16xi32>
    %add3A_771 = arith.addi %get3A_768, %add3A_770 : vector<16xi32>
    %swap3A_772 = arith.constant 96 : index
    %swap3A_773 = tpu.vector_load %arg7[%swap3A_772] {strides = array<i32>} : memref<128xi32, #tpu.memory_space<vmem>>, vector<16xi32>,
    %swap3A_774 = vector.shape_cast %swap3A_773 : vector<16xi32> to vector<16xi32>
    %swap3A_775 = vector.shape_cast %add3A_771 : vector<16xi32> to vector<16xi32>
    tpu.vector_store %arg7[%swap3A_772], %swap3A_775 {strides = array<i32>} : memref<128xi32, #tpu.memory_space<vmem>>, vector<16xi32>,
    %get3A_776 = arith.constant 112 : index
    %get3A_777 = tpu.vector_load %arg7[%get3A_776] {strides = array<i32>} : memref<128xi32, #tpu.memory_space<vmem>>, vector<16xi32>,
    %get3A_778 = vector.shape_cast %get3A_777 : vector<16xi32> to vector<16xi32>
    %add3A_779 = arith.constant 4 : i32
    %add3A_780 = vector.broadcast %add3A_779 : i32 to vector<16xi32>
    %add3A_781 = arith.addi %get3A_778, %add3A_780 : vector<16xi32>
    %swap3A_782 = arith.constant 112 : index
    %swap3A_783 = tpu.vector_load %arg7[%swap3A_782] {strides = array<i32>} : memref<128xi32, #tpu.memory_space<vmem>>, vector<16xi32>,
    %swap3A_784 = vector.shape_cast %swap3A_783 : vector<16xi32> to vector<16xi32>
    %swap3A_785 = vector.shape_cast %add3A_781 : vector<16xi32> to vector<16xi32>
    tpu.vector_store %arg7[%swap3A_782], %swap3A_785 {strides = array<i32>} : memref<128xi32, #tpu.memory_space<vmem>>, vector<16xi32>,
    %add3A_786 = arith.constant 1280 : i32
    %add3A_787 = arith.addi %mul3A_8, %add3A_786 : i32
    %dma_start3A_788 = arith.constant 0 : i32
    %dma_start3A_789 = tpu.memref_slice %arg2[%add3A_787, %dma_start3A_788] : memref<320000x128xf32, #tpu.memory_space<hbm>> -> memref<256x128xf32, #tpu.memory_space<hbm>>
    %dma_start3A_790 = arith.constant 0 : i32
    %dma_start3A_791 = tpu.memref_slice %arg2[%add3A_787, %dma_start3A_790] : memref<320000x128xf32, #tpu.memory_space<hbm>> -> memref<256x128xf32, #tpu.memory_space<hbm>>
    tpu.enqueue_dma source(%dma_start3A_791 : memref<256x128xf32, #tpu.memory_space<hbm>>) target(%arg6 : memref<256x128xf32, #tpu.memory_space<vmem>>) target_semaphore(%arg10 : memref<!tpu.dma_semaphore, #tpu.memory_space<semaphore_mem>>)
    %dma_wait3A_792 = arith.constant 0 : i32
    %dma_wait3A_793 = tpu.memref_slice %arg2[%add3A_617, %dma_wait3A_792] : memref<320000x128xf32, #tpu.memory_space<hbm>> -> memref<256x128xf32, #tpu.memory_space<hbm>>
    %dma_wait3A_794 = arith.constant 0 : i32
    %dma_wait3A_795 = tpu.memref_slice %arg2[%add3A_617, %dma_wait3A_794] : memref<320000x128xf32, #tpu.memory_space<hbm>> -> memref<256x128xf32, #tpu.memory_space<hbm>>
    tpu.wait_dma2 semaphore(%arg9 : memref<!tpu.dma_semaphore, #tpu.memory_space<semaphore_mem>>) src(%dma_wait3A_795 : memref<256x128xf32, #tpu.memory_space<hbm>>) dst(%arg5 : memref<256x128xf32, #tpu.memory_space<vmem>>)
    "tpu.region"() ({
      %run_scoped3A = tpu.sem_alloc : memref<!tpu.dma_semaphore, #tpu.memory_space<semaphore_mem>>
      %dma_start3A_1800 = arith.constant 0 : i32
      %dma_start3A_1801 = arith.constant 0 : i32
      %dma_start3A_1802 = tpu.memref_slice %arg5[%dma_start3A_1800, %dma_start3A_1801] : memref<256x128xf32, #tpu.memory_space<vmem>> -> memref<128x128xf32, #tpu.memory_space<vmem>>
      %dma_start3A_1803 = arith.constant 0 : i32
      %dma_start3A_1804 = arith.constant 0 : i32
      %dma_start3A_1805 = tpu.memref_slice %arg8[%dma_start3A_1803, %dma_start3A_1804] : memref<1280x128xf32, #tpu.memory_space<vmem_shared>> -> memref<1280x128xf32, #tpu.memory_space<vmem_shared>>
      tpu.enqueue_indirect_dma source(%dma_start3A_1802 : memref<128x128xf32, #tpu.memory_space<vmem>>) target(%dma_start3A_1805 : memref<1280x128xf32, #tpu.memory_space<vmem_shared>>) offsets(%arg7 : memref<128xi32, #tpu.memory_space<vmem>>) semaphore(%run_scoped3A : memref<!tpu.dma_semaphore, #tpu.memory_space<semaphore_mem>>) {add = true}
      %dma_wait3A_1806 = arith.constant 0 : i32
      %dma_wait3A_1807 = arith.constant 0 : i32
      %dma_wait3A_1808 = tpu.memref_slice %arg5[%dma_wait3A_1806, %dma_wait3A_1807] : memref<256x128xf32, #tpu.memory_space<vmem>> -> memref<128x128xf32, #tpu.memory_space<vmem>>
      %dma_wait3A_1809 = arith.constant 0 : i32
      %dma_wait3A_1810 = arith.constant 0 : i32
      %dma_wait3A_1811 = tpu.memref_slice %arg8[%dma_wait3A_1809, %dma_wait3A_1810] : memref<1280x128xf32, #tpu.memory_space<vmem_shared>> -> memref<1280x128xf32, #tpu.memory_space<vmem_shared>>
      tpu.wait_indirect_dma semaphore(%run_scoped3A : memref<!tpu.dma_semaphore, #tpu.memory_space<semaphore_mem>>) src(%dma_wait3A_1808 : memref<128x128xf32, #tpu.memory_space<vmem>>) dst(%dma_wait3A_1811 : memref<1280x128xf32, #tpu.memory_space<vmem_shared>>)
      tpu.yield
    }) : () -> ()
    %get3A_796 = arith.constant 0 : index
    %get3A_797 = tpu.vector_load %arg7[%get3A_796] {strides = array<i32>} : memref<128xi32, #tpu.memory_space<vmem>>, vector<16xi32>,
    %get3A_798 = vector.shape_cast %get3A_797 : vector<16xi32> to vector<16xi32>
    %add3A_799 = arith.constant 4 : i32
    %add3A_800 = vector.broadcast %add3A_799 : i32 to vector<16xi32>
    %add3A_801 = arith.addi %get3A_798, %add3A_800 : vector<16xi32>
    %swap3A_802 = arith.constant 0 : index
    %swap3A_803 = tpu.vector_load %arg7[%swap3A_802] {strides = array<i32>} : memref<128xi32, #tpu.memory_space<vmem>>, vector<16xi32>,
    %swap3A_804 = vector.shape_cast %swap3A_803 : vector<16xi32> to vector<16xi32>
    %swap3A_805 = vector.shape_cast %add3A_801 : vector<16xi32> to vector<16xi32>
    tpu.vector_store %arg7[%swap3A_802], %swap3A_805 {strides = array<i32>} : memref<128xi32, #tpu.memory_space<vmem>>, vector<16xi32>,
    %get3A_806 = arith.constant 16 : index
    %get3A_807 = tpu.vector_load %arg7[%get3A_806] {strides = array<i32>} : memref<128xi32, #tpu.memory_space<vmem>>, vector<16xi32>,
    %get3A_808 = vector.shape_cast %get3A_807 : vector<16xi32> to vector<16xi32>
    %add3A_809 = arith.constant 4 : i32
    %add3A_810 = vector.broadcast %add3A_809 : i32 to vector<16xi32>
    %add3A_811 = arith.addi %get3A_808, %add3A_810 : vector<16xi32>
    %swap3A_812 = arith.constant 16 : index
    %swap3A_813 = tpu.vector_load %arg7[%swap3A_812] {strides = array<i32>} : memref<128xi32, #tpu.memory_space<vmem>>, vector<16xi32>,
    %swap3A_814 = vector.shape_cast %swap3A_813 : vector<16xi32> to vector<16xi32>
    %swap3A_815 = vector.shape_cast %add3A_811 : vector<16xi32> to vector<16xi32>
    tpu.vector_store %arg7[%swap3A_812], %swap3A_815 {strides = array<i32>} : memref<128xi32, #tpu.memory_space<vmem>>, vector<16xi32>,
    %get3A_816 = arith.constant 32 : index
    %get3A_817 = tpu.vector_load %arg7[%get3A_816] {strides = array<i32>} : memref<128xi32, #tpu.memory_space<vmem>>, vector<16xi32>,
    %get3A_818 = vector.shape_cast %get3A_817 : vector<16xi32> to vector<16xi32>
    %add3A_819 = arith.constant 4 : i32
    %add3A_820 = vector.broadcast %add3A_819 : i32 to vector<16xi32>
    %add3A_821 = arith.addi %get3A_818, %add3A_820 : vector<16xi32>
    %swap3A_822 = arith.constant 32 : index
    %swap3A_823 = tpu.vector_load %arg7[%swap3A_822] {strides = array<i32>} : memref<128xi32, #tpu.memory_space<vmem>>, vector<16xi32>,
    %swap3A_824 = vector.shape_cast %swap3A_823 : vector<16xi32> to vector<16xi32>
    %swap3A_825 = vector.shape_cast %add3A_821 : vector<16xi32> to vector<16xi32>
    tpu.vector_store %arg7[%swap3A_822], %swap3A_825 {strides = array<i32>} : memref<128xi32, #tpu.memory_space<vmem>>, vector<16xi32>,
    %get3A_826 = arith.constant 48 : index
    %get3A_827 = tpu.vector_load %arg7[%get3A_826] {strides = array<i32>} : memref<128xi32, #tpu.memory_space<vmem>>, vector<16xi32>,
    %get3A_828 = vector.shape_cast %get3A_827 : vector<16xi32> to vector<16xi32>
    %add3A_829 = arith.constant 4 : i32
    %add3A_830 = vector.broadcast %add3A_829 : i32 to vector<16xi32>
    %add3A_831 = arith.addi %get3A_828, %add3A_830 : vector<16xi32>
    %swap3A_832 = arith.constant 48 : index
    %swap3A_833 = tpu.vector_load %arg7[%swap3A_832] {strides = array<i32>} : memref<128xi32, #tpu.memory_space<vmem>>, vector<16xi32>,
    %swap3A_834 = vector.shape_cast %swap3A_833 : vector<16xi32> to vector<16xi32>
    %swap3A_835 = vector.shape_cast %add3A_831 : vector<16xi32> to vector<16xi32>
    tpu.vector_store %arg7[%swap3A_832], %swap3A_835 {strides = array<i32>} : memref<128xi32, #tpu.memory_space<vmem>>, vector<16xi32>,
    %get3A_836 = arith.constant 64 : index
    %get3A_837 = tpu.vector_load %arg7[%get3A_836] {strides = array<i32>} : memref<128xi32, #tpu.memory_space<vmem>>, vector<16xi32>,
    %get3A_838 = vector.shape_cast %get3A_837 : vector<16xi32> to vector<16xi32>
    %add3A_839 = arith.constant 4 : i32
    %add3A_840 = vector.broadcast %add3A_839 : i32 to vector<16xi32>
    %add3A_841 = arith.addi %get3A_838, %add3A_840 : vector<16xi32>
    %swap3A_842 = arith.constant 64 : index
    %swap3A_843 = tpu.vector_load %arg7[%swap3A_842] {strides = array<i32>} : memref<128xi32, #tpu.memory_space<vmem>>, vector<16xi32>,
    %swap3A_844 = vector.shape_cast %swap3A_843 : vector<16xi32> to vector<16xi32>
    %swap3A_845 = vector.shape_cast %add3A_841 : vector<16xi32> to vector<16xi32>
    tpu.vector_store %arg7[%swap3A_842], %swap3A_845 {strides = array<i32>} : memref<128xi32, #tpu.memory_space<vmem>>, vector<16xi32>,
    %get3A_846 = arith.constant 80 : index
    %get3A_847 = tpu.vector_load %arg7[%get3A_846] {strides = array<i32>} : memref<128xi32, #tpu.memory_space<vmem>>, vector<16xi32>,
    %get3A_848 = vector.shape_cast %get3A_847 : vector<16xi32> to vector<16xi32>
    %add3A_849 = arith.constant 4 : i32
    %add3A_850 = vector.broadcast %add3A_849 : i32 to vector<16xi32>
    %add3A_851 = arith.addi %get3A_848, %add3A_850 : vector<16xi32>
    %swap3A_852 = arith.constant 80 : index
    %swap3A_853 = tpu.vector_load %arg7[%swap3A_852] {strides = array<i32>} : memref<128xi32, #tpu.memory_space<vmem>>, vector<16xi32>,
    %swap3A_854 = vector.shape_cast %swap3A_853 : vector<16xi32> to vector<16xi32>
    %swap3A_855 = vector.shape_cast %add3A_851 : vector<16xi32> to vector<16xi32>
    tpu.vector_store %arg7[%swap3A_852], %swap3A_855 {strides = array<i32>} : memref<128xi32, #tpu.memory_space<vmem>>, vector<16xi32>,
    %get3A_856 = arith.constant 96 : index
    %get3A_857 = tpu.vector_load %arg7[%get3A_856] {strides = array<i32>} : memref<128xi32, #tpu.memory_space<vmem>>, vector<16xi32>,
    %get3A_858 = vector.shape_cast %get3A_857 : vector<16xi32> to vector<16xi32>
    %add3A_859 = arith.constant 4 : i32
    %add3A_860 = vector.broadcast %add3A_859 : i32 to vector<16xi32>
    %add3A_861 = arith.addi %get3A_858, %add3A_860 : vector<16xi32>
    %swap3A_862 = arith.constant 96 : index
    %swap3A_863 = tpu.vector_load %arg7[%swap3A_862] {strides = array<i32>} : memref<128xi32, #tpu.memory_space<vmem>>, vector<16xi32>,
    %swap3A_864 = vector.shape_cast %swap3A_863 : vector<16xi32> to vector<16xi32>
    %swap3A_865 = vector.shape_cast %add3A_861 : vector<16xi32> to vector<16xi32>
    tpu.vector_store %arg7[%swap3A_862], %swap3A_865 {strides = array<i32>} : memref<128xi32, #tpu.memory_space<vmem>>, vector<16xi32>,
    %get3A_866 = arith.constant 112 : index
    %get3A_867 = tpu.vector_load %arg7[%get3A_866] {strides = array<i32>} : memref<128xi32, #tpu.memory_space<vmem>>, vector<16xi32>,
    %get3A_868 = vector.shape_cast %get3A_867 : vector<16xi32> to vector<16xi32>
    %add3A_869 = arith.constant 4 : i32
    %add3A_870 = vector.broadcast %add3A_869 : i32 to vector<16xi32>
    %add3A_871 = arith.addi %get3A_868, %add3A_870 : vector<16xi32>
    %swap3A_872 = arith.constant 112 : index
    %swap3A_873 = tpu.vector_load %arg7[%swap3A_872] {strides = array<i32>} : memref<128xi32, #tpu.memory_space<vmem>>, vector<16xi32>,
    %swap3A_874 = vector.shape_cast %swap3A_873 : vector<16xi32> to vector<16xi32>
    %swap3A_875 = vector.shape_cast %add3A_871 : vector<16xi32> to vector<16xi32>
    tpu.vector_store %arg7[%swap3A_872], %swap3A_875 {strides = array<i32>} : memref<128xi32, #tpu.memory_space<vmem>>, vector<16xi32>,
    "tpu.region"() ({
      %run_scoped3A = tpu.sem_alloc : memref<!tpu.dma_semaphore, #tpu.memory_space<semaphore_mem>>
      %dma_start3A_1800 = arith.constant 128 : i32
      %dma_start3A_1801 = arith.constant 0 : i32
      %dma_start3A_1802 = tpu.memref_slice %arg5[%dma_start3A_1800, %dma_start3A_1801] : memref<256x128xf32, #tpu.memory_space<vmem>> -> memref<128x128xf32, #tpu.memory_space<vmem>>
      %dma_start3A_1803 = arith.constant 0 : i32
      %dma_start3A_1804 = arith.constant 0 : i32
      %dma_start3A_1805 = tpu.memref_slice %arg8[%dma_start3A_1803, %dma_start3A_1804] : memref<1280x128xf32, #tpu.memory_space<vmem_shared>> -> memref<1280x128xf32, #tpu.memory_space<vmem_shared>>
      tpu.enqueue_indirect_dma source(%dma_start3A_1802 : memref<128x128xf32, #tpu.memory_space<vmem>>) target(%dma_start3A_1805 : memref<1280x128xf32, #tpu.memory_space<vmem_shared>>) offsets(%arg7 : memref<128xi32, #tpu.memory_space<vmem>>) semaphore(%run_scoped3A : memref<!tpu.dma_semaphore, #tpu.memory_space<semaphore_mem>>) {add = true}
      %dma_wait3A_1806 = arith.constant 128 : i32
      %dma_wait3A_1807 = arith.constant 0 : i32
      %dma_wait3A_1808 = tpu.memref_slice %arg5[%dma_wait3A_1806, %dma_wait3A_1807] : memref<256x128xf32, #tpu.memory_space<vmem>> -> memref<128x128xf32, #tpu.memory_space<vmem>>
      %dma_wait3A_1809 = arith.constant 0 : i32
      %dma_wait3A_1810 = arith.constant 0 : i32
      %dma_wait3A_1811 = tpu.memref_slice %arg8[%dma_wait3A_1809, %dma_wait3A_1810] : memref<1280x128xf32, #tpu.memory_space<vmem_shared>> -> memref<1280x128xf32, #tpu.memory_space<vmem_shared>>
      tpu.wait_indirect_dma semaphore(%run_scoped3A : memref<!tpu.dma_semaphore, #tpu.memory_space<semaphore_mem>>) src(%dma_wait3A_1808 : memref<128x128xf32, #tpu.memory_space<vmem>>) dst(%dma_wait3A_1811 : memref<1280x128xf32, #tpu.memory_space<vmem_shared>>)
      tpu.yield
    }) : () -> ()
    %get3A_876 = arith.constant 0 : index
    %get3A_877 = tpu.vector_load %arg7[%get3A_876] {strides = array<i32>} : memref<128xi32, #tpu.memory_space<vmem>>, vector<16xi32>,
    %get3A_878 = vector.shape_cast %get3A_877 : vector<16xi32> to vector<16xi32>
    %add3A_879 = arith.constant 4 : i32
    %add3A_880 = vector.broadcast %add3A_879 : i32 to vector<16xi32>
    %add3A_881 = arith.addi %get3A_878, %add3A_880 : vector<16xi32>
    %swap3A_882 = arith.constant 0 : index
    %swap3A_883 = tpu.vector_load %arg7[%swap3A_882] {strides = array<i32>} : memref<128xi32, #tpu.memory_space<vmem>>, vector<16xi32>,
    %swap3A_884 = vector.shape_cast %swap3A_883 : vector<16xi32> to vector<16xi32>
    %swap3A_885 = vector.shape_cast %add3A_881 : vector<16xi32> to vector<16xi32>
    tpu.vector_store %arg7[%swap3A_882], %swap3A_885 {strides = array<i32>} : memref<128xi32, #tpu.memory_space<vmem>>, vector<16xi32>,
    %get3A_886 = arith.constant 16 : index
    %get3A_887 = tpu.vector_load %arg7[%get3A_886] {strides = array<i32>} : memref<128xi32, #tpu.memory_space<vmem>>, vector<16xi32>,
    %get3A_888 = vector.shape_cast %get3A_887 : vector<16xi32> to vector<16xi32>
    %add3A_889 = arith.constant 4 : i32
    %add3A_890 = vector.broadcast %add3A_889 : i32 to vector<16xi32>
    %add3A_891 = arith.addi %get3A_888, %add3A_890 : vector<16xi32>
    %swap3A_892 = arith.constant 16 : index
    %swap3A_893 = tpu.vector_load %arg7[%swap3A_892] {strides = array<i32>} : memref<128xi32, #tpu.memory_space<vmem>>, vector<16xi32>,
    %swap3A_894 = vector.shape_cast %swap3A_893 : vector<16xi32> to vector<16xi32>
    %swap3A_895 = vector.shape_cast %add3A_891 : vector<16xi32> to vector<16xi32>
    tpu.vector_store %arg7[%swap3A_892], %swap3A_895 {strides = array<i32>} : memref<128xi32, #tpu.memory_space<vmem>>, vector<16xi32>,
    %get3A_896 = arith.constant 32 : index
    %get3A_897 = tpu.vector_load %arg7[%get3A_896] {strides = array<i32>} : memref<128xi32, #tpu.memory_space<vmem>>, vector<16xi32>,
    %get3A_898 = vector.shape_cast %get3A_897 : vector<16xi32> to vector<16xi32>
    %add3A_899 = arith.constant 4 : i32
    %add3A_900 = vector.broadcast %add3A_899 : i32 to vector<16xi32>
    %add3A_901 = arith.addi %get3A_898, %add3A_900 : vector<16xi32>
    %swap3A_902 = arith.constant 32 : index
    %swap3A_903 = tpu.vector_load %arg7[%swap3A_902] {strides = array<i32>} : memref<128xi32, #tpu.memory_space<vmem>>, vector<16xi32>,
    %swap3A_904 = vector.shape_cast %swap3A_903 : vector<16xi32> to vector<16xi32>
    %swap3A_905 = vector.shape_cast %add3A_901 : vector<16xi32> to vector<16xi32>
    tpu.vector_store %arg7[%swap3A_902], %swap3A_905 {strides = array<i32>} : memref<128xi32, #tpu.memory_space<vmem>>, vector<16xi32>,
    %get3A_906 = arith.constant 48 : index
    %get3A_907 = tpu.vector_load %arg7[%get3A_906] {strides = array<i32>} : memref<128xi32, #tpu.memory_space<vmem>>, vector<16xi32>,
    %get3A_908 = vector.shape_cast %get3A_907 : vector<16xi32> to vector<16xi32>
    %add3A_909 = arith.constant 4 : i32
    %add3A_910 = vector.broadcast %add3A_909 : i32 to vector<16xi32>
    %add3A_911 = arith.addi %get3A_908, %add3A_910 : vector<16xi32>
    %swap3A_912 = arith.constant 48 : index
    %swap3A_913 = tpu.vector_load %arg7[%swap3A_912] {strides = array<i32>} : memref<128xi32, #tpu.memory_space<vmem>>, vector<16xi32>,
    %swap3A_914 = vector.shape_cast %swap3A_913 : vector<16xi32> to vector<16xi32>
    %swap3A_915 = vector.shape_cast %add3A_911 : vector<16xi32> to vector<16xi32>
    tpu.vector_store %arg7[%swap3A_912], %swap3A_915 {strides = array<i32>} : memref<128xi32, #tpu.memory_space<vmem>>, vector<16xi32>,
    %get3A_916 = arith.constant 64 : index
    %get3A_917 = tpu.vector_load %arg7[%get3A_916] {strides = array<i32>} : memref<128xi32, #tpu.memory_space<vmem>>, vector<16xi32>,
    %get3A_918 = vector.shape_cast %get3A_917 : vector<16xi32> to vector<16xi32>
    %add3A_919 = arith.constant 4 : i32
    %add3A_920 = vector.broadcast %add3A_919 : i32 to vector<16xi32>
    %add3A_921 = arith.addi %get3A_918, %add3A_920 : vector<16xi32>
    %swap3A_922 = arith.constant 64 : index
    %swap3A_923 = tpu.vector_load %arg7[%swap3A_922] {strides = array<i32>} : memref<128xi32, #tpu.memory_space<vmem>>, vector<16xi32>,
    %swap3A_924 = vector.shape_cast %swap3A_923 : vector<16xi32> to vector<16xi32>
    %swap3A_925 = vector.shape_cast %add3A_921 : vector<16xi32> to vector<16xi32>
    tpu.vector_store %arg7[%swap3A_922], %swap3A_925 {strides = array<i32>} : memref<128xi32, #tpu.memory_space<vmem>>, vector<16xi32>,
    %get3A_926 = arith.constant 80 : index
    %get3A_927 = tpu.vector_load %arg7[%get3A_926] {strides = array<i32>} : memref<128xi32, #tpu.memory_space<vmem>>, vector<16xi32>,
    %get3A_928 = vector.shape_cast %get3A_927 : vector<16xi32> to vector<16xi32>
    %add3A_929 = arith.constant 4 : i32
    %add3A_930 = vector.broadcast %add3A_929 : i32 to vector<16xi32>
    %add3A_931 = arith.addi %get3A_928, %add3A_930 : vector<16xi32>
    %swap3A_932 = arith.constant 80 : index
    %swap3A_933 = tpu.vector_load %arg7[%swap3A_932] {strides = array<i32>} : memref<128xi32, #tpu.memory_space<vmem>>, vector<16xi32>,
    %swap3A_934 = vector.shape_cast %swap3A_933 : vector<16xi32> to vector<16xi32>
    %swap3A_935 = vector.shape_cast %add3A_931 : vector<16xi32> to vector<16xi32>
    tpu.vector_store %arg7[%swap3A_932], %swap3A_935 {strides = array<i32>} : memref<128xi32, #tpu.memory_space<vmem>>, vector<16xi32>,
    %get3A_936 = arith.constant 96 : index
    %get3A_937 = tpu.vector_load %arg7[%get3A_936] {strides = array<i32>} : memref<128xi32, #tpu.memory_space<vmem>>, vector<16xi32>,
    %get3A_938 = vector.shape_cast %get3A_937 : vector<16xi32> to vector<16xi32>
    %add3A_939 = arith.constant 4 : i32
    %add3A_940 = vector.broadcast %add3A_939 : i32 to vector<16xi32>
    %add3A_941 = arith.addi %get3A_938, %add3A_940 : vector<16xi32>
    %swap3A_942 = arith.constant 96 : index
    %swap3A_943 = tpu.vector_load %arg7[%swap3A_942] {strides = array<i32>} : memref<128xi32, #tpu.memory_space<vmem>>, vector<16xi32>,
    %swap3A_944 = vector.shape_cast %swap3A_943 : vector<16xi32> to vector<16xi32>
    %swap3A_945 = vector.shape_cast %add3A_941 : vector<16xi32> to vector<16xi32>
    tpu.vector_store %arg7[%swap3A_942], %swap3A_945 {strides = array<i32>} : memref<128xi32, #tpu.memory_space<vmem>>, vector<16xi32>,
    %get3A_946 = arith.constant 112 : index
    %get3A_947 = tpu.vector_load %arg7[%get3A_946] {strides = array<i32>} : memref<128xi32, #tpu.memory_space<vmem>>, vector<16xi32>,
    %get3A_948 = vector.shape_cast %get3A_947 : vector<16xi32> to vector<16xi32>
    %add3A_949 = arith.constant 4 : i32
    %add3A_950 = vector.broadcast %add3A_949 : i32 to vector<16xi32>
    %add3A_951 = arith.addi %get3A_948, %add3A_950 : vector<16xi32>
    %swap3A_952 = arith.constant 112 : index
    %swap3A_953 = tpu.vector_load %arg7[%swap3A_952] {strides = array<i32>} : memref<128xi32, #tpu.memory_space<vmem>>, vector<16xi32>,
    %swap3A_954 = vector.shape_cast %swap3A_953 : vector<16xi32> to vector<16xi32>
    %swap3A_955 = vector.shape_cast %add3A_951 : vector<16xi32> to vector<16xi32>
    tpu.vector_store %arg7[%swap3A_952], %swap3A_955 {strides = array<i32>} : memref<128xi32, #tpu.memory_space<vmem>>, vector<16xi32>,
    %add3A_956 = arith.constant 1536 : i32
    %add3A_957 = arith.addi %mul3A_8, %add3A_956 : i32
    %dma_start3A_958 = arith.constant 0 : i32
    %dma_start3A_959 = tpu.memref_slice %arg2[%add3A_957, %dma_start3A_958] : memref<320000x128xf32, #tpu.memory_space<hbm>> -> memref<256x128xf32, #tpu.memory_space<hbm>>
    %dma_start3A_960 = arith.constant 0 : i32
    %dma_start3A_961 = tpu.memref_slice %arg2[%add3A_957, %dma_start3A_960] : memref<320000x128xf32, #tpu.memory_space<hbm>> -> memref<256x128xf32, #tpu.memory_space<hbm>>
    tpu.enqueue_dma source(%dma_start3A_961 : memref<256x128xf32, #tpu.memory_space<hbm>>) target(%arg5 : memref<256x128xf32, #tpu.memory_space<vmem>>) target_semaphore(%arg9 : memref<!tpu.dma_semaphore, #tpu.memory_space<semaphore_mem>>)
    %dma_wait3A_962 = arith.constant 0 : i32
    %dma_wait3A_963 = tpu.memref_slice %arg2[%add3A_787, %dma_wait3A_962] : memref<320000x128xf32, #tpu.memory_space<hbm>> -> memref<256x128xf32, #tpu.memory_space<hbm>>
    %dma_wait3A_964 = arith.constant 0 : i32
    %dma_wait3A_965 = tpu.memref_slice %arg2[%add3A_787, %dma_wait3A_964] : memref<320000x128xf32, #tpu.memory_space<hbm>> -> memref<256x128xf32, #tpu.memory_space<hbm>>
    tpu.wait_dma2 semaphore(%arg10 : memref<!tpu.dma_semaphore, #tpu.memory_space<semaphore_mem>>) src(%dma_wait3A_965 : memref<256x128xf32, #tpu.memory_space<hbm>>) dst(%arg6 : memref<256x128xf32, #tpu.memory_space<vmem>>)
    "tpu.region"() ({
      %run_scoped3A = tpu.sem_alloc : memref<!tpu.dma_semaphore, #tpu.memory_space<semaphore_mem>>
      %dma_start3A_1800 = arith.constant 0 : i32
      %dma_start3A_1801 = arith.constant 0 : i32
      %dma_start3A_1802 = tpu.memref_slice %arg6[%dma_start3A_1800, %dma_start3A_1801] : memref<256x128xf32, #tpu.memory_space<vmem>> -> memref<128x128xf32, #tpu.memory_space<vmem>>
      %dma_start3A_1803 = arith.constant 0 : i32
      %dma_start3A_1804 = arith.constant 0 : i32
      %dma_start3A_1805 = tpu.memref_slice %arg8[%dma_start3A_1803, %dma_start3A_1804] : memref<1280x128xf32, #tpu.memory_space<vmem_shared>> -> memref<1280x128xf32, #tpu.memory_space<vmem_shared>>
      tpu.enqueue_indirect_dma source(%dma_start3A_1802 : memref<128x128xf32, #tpu.memory_space<vmem>>) target(%dma_start3A_1805 : memref<1280x128xf32, #tpu.memory_space<vmem_shared>>) offsets(%arg7 : memref<128xi32, #tpu.memory_space<vmem>>) semaphore(%run_scoped3A : memref<!tpu.dma_semaphore, #tpu.memory_space<semaphore_mem>>) {add = true}
      %dma_wait3A_1806 = arith.constant 0 : i32
      %dma_wait3A_1807 = arith.constant 0 : i32
      %dma_wait3A_1808 = tpu.memref_slice %arg6[%dma_wait3A_1806, %dma_wait3A_1807] : memref<256x128xf32, #tpu.memory_space<vmem>> -> memref<128x128xf32, #tpu.memory_space<vmem>>
      %dma_wait3A_1809 = arith.constant 0 : i32
      %dma_wait3A_1810 = arith.constant 0 : i32
      %dma_wait3A_1811 = tpu.memref_slice %arg8[%dma_wait3A_1809, %dma_wait3A_1810] : memref<1280x128xf32, #tpu.memory_space<vmem_shared>> -> memref<1280x128xf32, #tpu.memory_space<vmem_shared>>
      tpu.wait_indirect_dma semaphore(%run_scoped3A : memref<!tpu.dma_semaphore, #tpu.memory_space<semaphore_mem>>) src(%dma_wait3A_1808 : memref<128x128xf32, #tpu.memory_space<vmem>>) dst(%dma_wait3A_1811 : memref<1280x128xf32, #tpu.memory_space<vmem_shared>>)
      tpu.yield
    }) : () -> ()
    %get3A_966 = arith.constant 0 : index
    %get3A_967 = tpu.vector_load %arg7[%get3A_966] {strides = array<i32>} : memref<128xi32, #tpu.memory_space<vmem>>, vector<16xi32>,
    %get3A_968 = vector.shape_cast %get3A_967 : vector<16xi32> to vector<16xi32>
    %add3A_969 = arith.constant 4 : i32
    %add3A_970 = vector.broadcast %add3A_969 : i32 to vector<16xi32>
    %add3A_971 = arith.addi %get3A_968, %add3A_970 : vector<16xi32>
    %swap3A_972 = arith.constant 0 : index
    %swap3A_973 = tpu.vector_load %arg7[%swap3A_972] {strides = array<i32>} : memref<128xi32, #tpu.memory_space<vmem>>, vector<16xi32>,
    %swap3A_974 = vector.shape_cast %swap3A_973 : vector<16xi32> to vector<16xi32>
    %swap3A_975 = vector.shape_cast %add3A_971 : vector<16xi32> to vector<16xi32>
    tpu.vector_store %arg7[%swap3A_972], %swap3A_975 {strides = array<i32>} : memref<128xi32, #tpu.memory_space<vmem>>, vector<16xi32>,
    %get3A_976 = arith.constant 16 : index
    %get3A_977 = tpu.vector_load %arg7[%get3A_976] {strides = array<i32>} : memref<128xi32, #tpu.memory_space<vmem>>, vector<16xi32>,
    %get3A_978 = vector.shape_cast %get3A_977 : vector<16xi32> to vector<16xi32>
    %add3A_979 = arith.constant 4 : i32
    %add3A_980 = vector.broadcast %add3A_979 : i32 to vector<16xi32>
    %add3A_981 = arith.addi %get3A_978, %add3A_980 : vector<16xi32>
    %swap3A_982 = arith.constant 16 : index
    %swap3A_983 = tpu.vector_load %arg7[%swap3A_982] {strides = array<i32>} : memref<128xi32, #tpu.memory_space<vmem>>, vector<16xi32>,
    %swap3A_984 = vector.shape_cast %swap3A_983 : vector<16xi32> to vector<16xi32>
    %swap3A_985 = vector.shape_cast %add3A_981 : vector<16xi32> to vector<16xi32>
    tpu.vector_store %arg7[%swap3A_982], %swap3A_985 {strides = array<i32>} : memref<128xi32, #tpu.memory_space<vmem>>, vector<16xi32>,
    %get3A_986 = arith.constant 32 : index
    %get3A_987 = tpu.vector_load %arg7[%get3A_986] {strides = array<i32>} : memref<128xi32, #tpu.memory_space<vmem>>, vector<16xi32>,
    %get3A_988 = vector.shape_cast %get3A_987 : vector<16xi32> to vector<16xi32>
    %add3A_989 = arith.constant 4 : i32
    %add3A_990 = vector.broadcast %add3A_989 : i32 to vector<16xi32>
    %add3A_991 = arith.addi %get3A_988, %add3A_990 : vector<16xi32>
    %swap3A_992 = arith.constant 32 : index
    %swap3A_993 = tpu.vector_load %arg7[%swap3A_992] {strides = array<i32>} : memref<128xi32, #tpu.memory_space<vmem>>, vector<16xi32>,
    %swap3A_994 = vector.shape_cast %swap3A_993 : vector<16xi32> to vector<16xi32>
    %swap3A_995 = vector.shape_cast %add3A_991 : vector<16xi32> to vector<16xi32>
    tpu.vector_store %arg7[%swap3A_992], %swap3A_995 {strides = array<i32>} : memref<128xi32, #tpu.memory_space<vmem>>, vector<16xi32>,
    %get3A_996 = arith.constant 48 : index
    %get3A_997 = tpu.vector_load %arg7[%get3A_996] {strides = array<i32>} : memref<128xi32, #tpu.memory_space<vmem>>, vector<16xi32>,
    %get3A_998 = vector.shape_cast %get3A_997 : vector<16xi32> to vector<16xi32>
    %add3A_999 = arith.constant 4 : i32
    %add3A_1000 = vector.broadcast %add3A_999 : i32 to vector<16xi32>
    %add3A_1001 = arith.addi %get3A_998, %add3A_1000 : vector<16xi32>
    %swap3A_1002 = arith.constant 48 : index
    %swap3A_1003 = tpu.vector_load %arg7[%swap3A_1002] {strides = array<i32>} : memref<128xi32, #tpu.memory_space<vmem>>, vector<16xi32>,
    %swap3A_1004 = vector.shape_cast %swap3A_1003 : vector<16xi32> to vector<16xi32>
    %swap3A_1005 = vector.shape_cast %add3A_1001 : vector<16xi32> to vector<16xi32>
    tpu.vector_store %arg7[%swap3A_1002], %swap3A_1005 {strides = array<i32>} : memref<128xi32, #tpu.memory_space<vmem>>, vector<16xi32>,
    %get3A_1006 = arith.constant 64 : index
    %get3A_1007 = tpu.vector_load %arg7[%get3A_1006] {strides = array<i32>} : memref<128xi32, #tpu.memory_space<vmem>>, vector<16xi32>,
    %get3A_1008 = vector.shape_cast %get3A_1007 : vector<16xi32> to vector<16xi32>
    %add3A_1009 = arith.constant 4 : i32
    %add3A_1010 = vector.broadcast %add3A_1009 : i32 to vector<16xi32>
    %add3A_1011 = arith.addi %get3A_1008, %add3A_1010 : vector<16xi32>
    %swap3A_1012 = arith.constant 64 : index
    %swap3A_1013 = tpu.vector_load %arg7[%swap3A_1012] {strides = array<i32>} : memref<128xi32, #tpu.memory_space<vmem>>, vector<16xi32>,
    %swap3A_1014 = vector.shape_cast %swap3A_1013 : vector<16xi32> to vector<16xi32>
    %swap3A_1015 = vector.shape_cast %add3A_1011 : vector<16xi32> to vector<16xi32>
    tpu.vector_store %arg7[%swap3A_1012], %swap3A_1015 {strides = array<i32>} : memref<128xi32, #tpu.memory_space<vmem>>, vector<16xi32>,
    %get3A_1016 = arith.constant 80 : index
    %get3A_1017 = tpu.vector_load %arg7[%get3A_1016] {strides = array<i32>} : memref<128xi32, #tpu.memory_space<vmem>>, vector<16xi32>,
    %get3A_1018 = vector.shape_cast %get3A_1017 : vector<16xi32> to vector<16xi32>
    %add3A_1019 = arith.constant 4 : i32
    %add3A_1020 = vector.broadcast %add3A_1019 : i32 to vector<16xi32>
    %add3A_1021 = arith.addi %get3A_1018, %add3A_1020 : vector<16xi32>
    %swap3A_1022 = arith.constant 80 : index
    %swap3A_1023 = tpu.vector_load %arg7[%swap3A_1022] {strides = array<i32>} : memref<128xi32, #tpu.memory_space<vmem>>, vector<16xi32>,
    %swap3A_1024 = vector.shape_cast %swap3A_1023 : vector<16xi32> to vector<16xi32>
    %swap3A_1025 = vector.shape_cast %add3A_1021 : vector<16xi32> to vector<16xi32>
    tpu.vector_store %arg7[%swap3A_1022], %swap3A_1025 {strides = array<i32>} : memref<128xi32, #tpu.memory_space<vmem>>, vector<16xi32>,
    %get3A_1026 = arith.constant 96 : index
    %get3A_1027 = tpu.vector_load %arg7[%get3A_1026] {strides = array<i32>} : memref<128xi32, #tpu.memory_space<vmem>>, vector<16xi32>,
    %get3A_1028 = vector.shape_cast %get3A_1027 : vector<16xi32> to vector<16xi32>
    %add3A_1029 = arith.constant 4 : i32
    %add3A_1030 = vector.broadcast %add3A_1029 : i32 to vector<16xi32>
    %add3A_1031 = arith.addi %get3A_1028, %add3A_1030 : vector<16xi32>
    %swap3A_1032 = arith.constant 96 : index
    %swap3A_1033 = tpu.vector_load %arg7[%swap3A_1032] {strides = array<i32>} : memref<128xi32, #tpu.memory_space<vmem>>, vector<16xi32>,
    %swap3A_1034 = vector.shape_cast %swap3A_1033 : vector<16xi32> to vector<16xi32>
    %swap3A_1035 = vector.shape_cast %add3A_1031 : vector<16xi32> to vector<16xi32>
    tpu.vector_store %arg7[%swap3A_1032], %swap3A_1035 {strides = array<i32>} : memref<128xi32, #tpu.memory_space<vmem>>, vector<16xi32>,
    %get3A_1036 = arith.constant 112 : index
    %get3A_1037 = tpu.vector_load %arg7[%get3A_1036] {strides = array<i32>} : memref<128xi32, #tpu.memory_space<vmem>>, vector<16xi32>,
    %get3A_1038 = vector.shape_cast %get3A_1037 : vector<16xi32> to vector<16xi32>
    %add3A_1039 = arith.constant 4 : i32
    %add3A_1040 = vector.broadcast %add3A_1039 : i32 to vector<16xi32>
    %add3A_1041 = arith.addi %get3A_1038, %add3A_1040 : vector<16xi32>
    %swap3A_1042 = arith.constant 112 : index
    %swap3A_1043 = tpu.vector_load %arg7[%swap3A_1042] {strides = array<i32>} : memref<128xi32, #tpu.memory_space<vmem>>, vector<16xi32>,
    %swap3A_1044 = vector.shape_cast %swap3A_1043 : vector<16xi32> to vector<16xi32>
    %swap3A_1045 = vector.shape_cast %add3A_1041 : vector<16xi32> to vector<16xi32>
    tpu.vector_store %arg7[%swap3A_1042], %swap3A_1045 {strides = array<i32>} : memref<128xi32, #tpu.memory_space<vmem>>, vector<16xi32>,
    "tpu.region"() ({
      %run_scoped3A = tpu.sem_alloc : memref<!tpu.dma_semaphore, #tpu.memory_space<semaphore_mem>>
      %dma_start3A_1800 = arith.constant 128 : i32
      %dma_start3A_1801 = arith.constant 0 : i32
      %dma_start3A_1802 = tpu.memref_slice %arg6[%dma_start3A_1800, %dma_start3A_1801] : memref<256x128xf32, #tpu.memory_space<vmem>> -> memref<128x128xf32, #tpu.memory_space<vmem>>
      %dma_start3A_1803 = arith.constant 0 : i32
      %dma_start3A_1804 = arith.constant 0 : i32
      %dma_start3A_1805 = tpu.memref_slice %arg8[%dma_start3A_1803, %dma_start3A_1804] : memref<1280x128xf32, #tpu.memory_space<vmem_shared>> -> memref<1280x128xf32, #tpu.memory_space<vmem_shared>>
      tpu.enqueue_indirect_dma source(%dma_start3A_1802 : memref<128x128xf32, #tpu.memory_space<vmem>>) target(%dma_start3A_1805 : memref<1280x128xf32, #tpu.memory_space<vmem_shared>>) offsets(%arg7 : memref<128xi32, #tpu.memory_space<vmem>>) semaphore(%run_scoped3A : memref<!tpu.dma_semaphore, #tpu.memory_space<semaphore_mem>>) {add = true}
      %dma_wait3A_1806 = arith.constant 128 : i32
      %dma_wait3A_1807 = arith.constant 0 : i32
      %dma_wait3A_1808 = tpu.memref_slice %arg6[%dma_wait3A_1806, %dma_wait3A_1807] : memref<256x128xf32, #tpu.memory_space<vmem>> -> memref<128x128xf32, #tpu.memory_space<vmem>>
      %dma_wait3A_1809 = arith.constant 0 : i32
      %dma_wait3A_1810 = arith.constant 0 : i32
      %dma_wait3A_1811 = tpu.memref_slice %arg8[%dma_wait3A_1809, %dma_wait3A_1810] : memref<1280x128xf32, #tpu.memory_space<vmem_shared>> -> memref<1280x128xf32, #tpu.memory_space<vmem_shared>>
      tpu.wait_indirect_dma semaphore(%run_scoped3A : memref<!tpu.dma_semaphore, #tpu.memory_space<semaphore_mem>>) src(%dma_wait3A_1808 : memref<128x128xf32, #tpu.memory_space<vmem>>) dst(%dma_wait3A_1811 : memref<1280x128xf32, #tpu.memory_space<vmem_shared>>)
      tpu.yield
    }) : () -> ()
    %get3A_1046 = arith.constant 0 : index
    %get3A_1047 = tpu.vector_load %arg7[%get3A_1046] {strides = array<i32>} : memref<128xi32, #tpu.memory_space<vmem>>, vector<16xi32>,
    %get3A_1048 = vector.shape_cast %get3A_1047 : vector<16xi32> to vector<16xi32>
    %add3A_1049 = arith.constant 4 : i32
    %add3A_1050 = vector.broadcast %add3A_1049 : i32 to vector<16xi32>
    %add3A_1051 = arith.addi %get3A_1048, %add3A_1050 : vector<16xi32>
    %swap3A_1052 = arith.constant 0 : index
    %swap3A_1053 = tpu.vector_load %arg7[%swap3A_1052] {strides = array<i32>} : memref<128xi32, #tpu.memory_space<vmem>>, vector<16xi32>,
    %swap3A_1054 = vector.shape_cast %swap3A_1053 : vector<16xi32> to vector<16xi32>
    %swap3A_1055 = vector.shape_cast %add3A_1051 : vector<16xi32> to vector<16xi32>
    tpu.vector_store %arg7[%swap3A_1052], %swap3A_1055 {strides = array<i32>} : memref<128xi32, #tpu.memory_space<vmem>>, vector<16xi32>,
    %get3A_1056 = arith.constant 16 : index
    %get3A_1057 = tpu.vector_load %arg7[%get3A_1056] {strides = array<i32>} : memref<128xi32, #tpu.memory_space<vmem>>, vector<16xi32>,
    %get3A_1058 = vector.shape_cast %get3A_1057 : vector<16xi32> to vector<16xi32>
    %add3A_1059 = arith.constant 4 : i32
    %add3A_1060 = vector.broadcast %add3A_1059 : i32 to vector<16xi32>
    %add3A_1061 = arith.addi %get3A_1058, %add3A_1060 : vector<16xi32>
    %swap3A_1062 = arith.constant 16 : index
    %swap3A_1063 = tpu.vector_load %arg7[%swap3A_1062] {strides = array<i32>} : memref<128xi32, #tpu.memory_space<vmem>>, vector<16xi32>,
    %swap3A_1064 = vector.shape_cast %swap3A_1063 : vector<16xi32> to vector<16xi32>
    %swap3A_1065 = vector.shape_cast %add3A_1061 : vector<16xi32> to vector<16xi32>
    tpu.vector_store %arg7[%swap3A_1062], %swap3A_1065 {strides = array<i32>} : memref<128xi32, #tpu.memory_space<vmem>>, vector<16xi32>,
    %get3A_1066 = arith.constant 32 : index
    %get3A_1067 = tpu.vector_load %arg7[%get3A_1066] {strides = array<i32>} : memref<128xi32, #tpu.memory_space<vmem>>, vector<16xi32>,
    %get3A_1068 = vector.shape_cast %get3A_1067 : vector<16xi32> to vector<16xi32>
    %add3A_1069 = arith.constant 4 : i32
    %add3A_1070 = vector.broadcast %add3A_1069 : i32 to vector<16xi32>
    %add3A_1071 = arith.addi %get3A_1068, %add3A_1070 : vector<16xi32>
    %swap3A_1072 = arith.constant 32 : index
    %swap3A_1073 = tpu.vector_load %arg7[%swap3A_1072] {strides = array<i32>} : memref<128xi32, #tpu.memory_space<vmem>>, vector<16xi32>,
    %swap3A_1074 = vector.shape_cast %swap3A_1073 : vector<16xi32> to vector<16xi32>
    %swap3A_1075 = vector.shape_cast %add3A_1071 : vector<16xi32> to vector<16xi32>
    tpu.vector_store %arg7[%swap3A_1072], %swap3A_1075 {strides = array<i32>} : memref<128xi32, #tpu.memory_space<vmem>>, vector<16xi32>,
    %get3A_1076 = arith.constant 48 : index
    %get3A_1077 = tpu.vector_load %arg7[%get3A_1076] {strides = array<i32>} : memref<128xi32, #tpu.memory_space<vmem>>, vector<16xi32>,
    %get3A_1078 = vector.shape_cast %get3A_1077 : vector<16xi32> to vector<16xi32>
    %add3A_1079 = arith.constant 4 : i32
    %add3A_1080 = vector.broadcast %add3A_1079 : i32 to vector<16xi32>
    %add3A_1081 = arith.addi %get3A_1078, %add3A_1080 : vector<16xi32>
    %swap3A_1082 = arith.constant 48 : index
    %swap3A_1083 = tpu.vector_load %arg7[%swap3A_1082] {strides = array<i32>} : memref<128xi32, #tpu.memory_space<vmem>>, vector<16xi32>,
    %swap3A_1084 = vector.shape_cast %swap3A_1083 : vector<16xi32> to vector<16xi32>
    %swap3A_1085 = vector.shape_cast %add3A_1081 : vector<16xi32> to vector<16xi32>
    tpu.vector_store %arg7[%swap3A_1082], %swap3A_1085 {strides = array<i32>} : memref<128xi32, #tpu.memory_space<vmem>>, vector<16xi32>,
    %get3A_1086 = arith.constant 64 : index
    %get3A_1087 = tpu.vector_load %arg7[%get3A_1086] {strides = array<i32>} : memref<128xi32, #tpu.memory_space<vmem>>, vector<16xi32>,
    %get3A_1088 = vector.shape_cast %get3A_1087 : vector<16xi32> to vector<16xi32>
    %add3A_1089 = arith.constant 4 : i32
    %add3A_1090 = vector.broadcast %add3A_1089 : i32 to vector<16xi32>
    %add3A_1091 = arith.addi %get3A_1088, %add3A_1090 : vector<16xi32>
    %swap3A_1092 = arith.constant 64 : index
    %swap3A_1093 = tpu.vector_load %arg7[%swap3A_1092] {strides = array<i32>} : memref<128xi32, #tpu.memory_space<vmem>>, vector<16xi32>,
    %swap3A_1094 = vector.shape_cast %swap3A_1093 : vector<16xi32> to vector<16xi32>
    %swap3A_1095 = vector.shape_cast %add3A_1091 : vector<16xi32> to vector<16xi32>
    tpu.vector_store %arg7[%swap3A_1092], %swap3A_1095 {strides = array<i32>} : memref<128xi32, #tpu.memory_space<vmem>>, vector<16xi32>,
    %get3A_1096 = arith.constant 80 : index
    %get3A_1097 = tpu.vector_load %arg7[%get3A_1096] {strides = array<i32>} : memref<128xi32, #tpu.memory_space<vmem>>, vector<16xi32>,
    %get3A_1098 = vector.shape_cast %get3A_1097 : vector<16xi32> to vector<16xi32>
    %add3A_1099 = arith.constant 4 : i32
    %add3A_1100 = vector.broadcast %add3A_1099 : i32 to vector<16xi32>
    %add3A_1101 = arith.addi %get3A_1098, %add3A_1100 : vector<16xi32>
    %swap3A_1102 = arith.constant 80 : index
    %swap3A_1103 = tpu.vector_load %arg7[%swap3A_1102] {strides = array<i32>} : memref<128xi32, #tpu.memory_space<vmem>>, vector<16xi32>,
    %swap3A_1104 = vector.shape_cast %swap3A_1103 : vector<16xi32> to vector<16xi32>
    %swap3A_1105 = vector.shape_cast %add3A_1101 : vector<16xi32> to vector<16xi32>
    tpu.vector_store %arg7[%swap3A_1102], %swap3A_1105 {strides = array<i32>} : memref<128xi32, #tpu.memory_space<vmem>>, vector<16xi32>,
    %get3A_1106 = arith.constant 96 : index
    %get3A_1107 = tpu.vector_load %arg7[%get3A_1106] {strides = array<i32>} : memref<128xi32, #tpu.memory_space<vmem>>, vector<16xi32>,
    %get3A_1108 = vector.shape_cast %get3A_1107 : vector<16xi32> to vector<16xi32>
    %add3A_1109 = arith.constant 4 : i32
    %add3A_1110 = vector.broadcast %add3A_1109 : i32 to vector<16xi32>
    %add3A_1111 = arith.addi %get3A_1108, %add3A_1110 : vector<16xi32>
    %swap3A_1112 = arith.constant 96 : index
    %swap3A_1113 = tpu.vector_load %arg7[%swap3A_1112] {strides = array<i32>} : memref<128xi32, #tpu.memory_space<vmem>>, vector<16xi32>,
    %swap3A_1114 = vector.shape_cast %swap3A_1113 : vector<16xi32> to vector<16xi32>
    %swap3A_1115 = vector.shape_cast %add3A_1111 : vector<16xi32> to vector<16xi32>
    tpu.vector_store %arg7[%swap3A_1112], %swap3A_1115 {strides = array<i32>} : memref<128xi32, #tpu.memory_space<vmem>>, vector<16xi32>,
    %get3A_1116 = arith.constant 112 : index
    %get3A_1117 = tpu.vector_load %arg7[%get3A_1116] {strides = array<i32>} : memref<128xi32, #tpu.memory_space<vmem>>, vector<16xi32>,
    %get3A_1118 = vector.shape_cast %get3A_1117 : vector<16xi32> to vector<16xi32>
    %add3A_1119 = arith.constant 4 : i32
    %add3A_1120 = vector.broadcast %add3A_1119 : i32 to vector<16xi32>
    %add3A_1121 = arith.addi %get3A_1118, %add3A_1120 : vector<16xi32>
    %swap3A_1122 = arith.constant 112 : index
    %swap3A_1123 = tpu.vector_load %arg7[%swap3A_1122] {strides = array<i32>} : memref<128xi32, #tpu.memory_space<vmem>>, vector<16xi32>,
    %swap3A_1124 = vector.shape_cast %swap3A_1123 : vector<16xi32> to vector<16xi32>
    %swap3A_1125 = vector.shape_cast %add3A_1121 : vector<16xi32> to vector<16xi32>
    tpu.vector_store %arg7[%swap3A_1122], %swap3A_1125 {strides = array<i32>} : memref<128xi32, #tpu.memory_space<vmem>>, vector<16xi32>,
    %add3A_1126 = arith.constant 1792 : i32
    %add3A_1127 = arith.addi %mul3A_8, %add3A_1126 : i32
    %dma_start3A_1128 = arith.constant 0 : i32
    %dma_start3A_1129 = tpu.memref_slice %arg2[%add3A_1127, %dma_start3A_1128] : memref<320000x128xf32, #tpu.memory_space<hbm>> -> memref<256x128xf32, #tpu.memory_space<hbm>>
    %dma_start3A_1130 = arith.constant 0 : i32
    %dma_start3A_1131 = tpu.memref_slice %arg2[%add3A_1127, %dma_start3A_1130] : memref<320000x128xf32, #tpu.memory_space<hbm>> -> memref<256x128xf32, #tpu.memory_space<hbm>>
    tpu.enqueue_dma source(%dma_start3A_1131 : memref<256x128xf32, #tpu.memory_space<hbm>>) target(%arg6 : memref<256x128xf32, #tpu.memory_space<vmem>>) target_semaphore(%arg10 : memref<!tpu.dma_semaphore, #tpu.memory_space<semaphore_mem>>)
    %dma_wait3A_1132 = arith.constant 0 : i32
    %dma_wait3A_1133 = tpu.memref_slice %arg2[%add3A_957, %dma_wait3A_1132] : memref<320000x128xf32, #tpu.memory_space<hbm>> -> memref<256x128xf32, #tpu.memory_space<hbm>>
    %dma_wait3A_1134 = arith.constant 0 : i32
    %dma_wait3A_1135 = tpu.memref_slice %arg2[%add3A_957, %dma_wait3A_1134] : memref<320000x128xf32, #tpu.memory_space<hbm>> -> memref<256x128xf32, #tpu.memory_space<hbm>>
    tpu.wait_dma2 semaphore(%arg9 : memref<!tpu.dma_semaphore, #tpu.memory_space<semaphore_mem>>) src(%dma_wait3A_1135 : memref<256x128xf32, #tpu.memory_space<hbm>>) dst(%arg5 : memref<256x128xf32, #tpu.memory_space<vmem>>)
    "tpu.region"() ({
      %run_scoped3A = tpu.sem_alloc : memref<!tpu.dma_semaphore, #tpu.memory_space<semaphore_mem>>
      %dma_start3A_1800 = arith.constant 0 : i32
      %dma_start3A_1801 = arith.constant 0 : i32
      %dma_start3A_1802 = tpu.memref_slice %arg5[%dma_start3A_1800, %dma_start3A_1801] : memref<256x128xf32, #tpu.memory_space<vmem>> -> memref<128x128xf32, #tpu.memory_space<vmem>>
      %dma_start3A_1803 = arith.constant 0 : i32
      %dma_start3A_1804 = arith.constant 0 : i32
      %dma_start3A_1805 = tpu.memref_slice %arg8[%dma_start3A_1803, %dma_start3A_1804] : memref<1280x128xf32, #tpu.memory_space<vmem_shared>> -> memref<1280x128xf32, #tpu.memory_space<vmem_shared>>
      tpu.enqueue_indirect_dma source(%dma_start3A_1802 : memref<128x128xf32, #tpu.memory_space<vmem>>) target(%dma_start3A_1805 : memref<1280x128xf32, #tpu.memory_space<vmem_shared>>) offsets(%arg7 : memref<128xi32, #tpu.memory_space<vmem>>) semaphore(%run_scoped3A : memref<!tpu.dma_semaphore, #tpu.memory_space<semaphore_mem>>) {add = true}
      %dma_wait3A_1806 = arith.constant 0 : i32
      %dma_wait3A_1807 = arith.constant 0 : i32
      %dma_wait3A_1808 = tpu.memref_slice %arg5[%dma_wait3A_1806, %dma_wait3A_1807] : memref<256x128xf32, #tpu.memory_space<vmem>> -> memref<128x128xf32, #tpu.memory_space<vmem>>
      %dma_wait3A_1809 = arith.constant 0 : i32
      %dma_wait3A_1810 = arith.constant 0 : i32
      %dma_wait3A_1811 = tpu.memref_slice %arg8[%dma_wait3A_1809, %dma_wait3A_1810] : memref<1280x128xf32, #tpu.memory_space<vmem_shared>> -> memref<1280x128xf32, #tpu.memory_space<vmem_shared>>
      tpu.wait_indirect_dma semaphore(%run_scoped3A : memref<!tpu.dma_semaphore, #tpu.memory_space<semaphore_mem>>) src(%dma_wait3A_1808 : memref<128x128xf32, #tpu.memory_space<vmem>>) dst(%dma_wait3A_1811 : memref<1280x128xf32, #tpu.memory_space<vmem_shared>>)
      tpu.yield
    }) : () -> ()
    %get3A_1136 = arith.constant 0 : index
    %get3A_1137 = tpu.vector_load %arg7[%get3A_1136] {strides = array<i32>} : memref<128xi32, #tpu.memory_space<vmem>>, vector<16xi32>,
    %get3A_1138 = vector.shape_cast %get3A_1137 : vector<16xi32> to vector<16xi32>
    %add3A_1139 = arith.constant 4 : i32
    %add3A_1140 = vector.broadcast %add3A_1139 : i32 to vector<16xi32>
    %add3A_1141 = arith.addi %get3A_1138, %add3A_1140 : vector<16xi32>
    %swap3A_1142 = arith.constant 0 : index
    %swap3A_1143 = tpu.vector_load %arg7[%swap3A_1142] {strides = array<i32>} : memref<128xi32, #tpu.memory_space<vmem>>, vector<16xi32>,
    %swap3A_1144 = vector.shape_cast %swap3A_1143 : vector<16xi32> to vector<16xi32>
    %swap3A_1145 = vector.shape_cast %add3A_1141 : vector<16xi32> to vector<16xi32>
    tpu.vector_store %arg7[%swap3A_1142], %swap3A_1145 {strides = array<i32>} : memref<128xi32, #tpu.memory_space<vmem>>, vector<16xi32>,
    %get3A_1146 = arith.constant 16 : index
    %get3A_1147 = tpu.vector_load %arg7[%get3A_1146] {strides = array<i32>} : memref<128xi32, #tpu.memory_space<vmem>>, vector<16xi32>,
    %get3A_1148 = vector.shape_cast %get3A_1147 : vector<16xi32> to vector<16xi32>
    %add3A_1149 = arith.constant 4 : i32
    %add3A_1150 = vector.broadcast %add3A_1149 : i32 to vector<16xi32>
    %add3A_1151 = arith.addi %get3A_1148, %add3A_1150 : vector<16xi32>
    %swap3A_1152 = arith.constant 16 : index
    %swap3A_1153 = tpu.vector_load %arg7[%swap3A_1152] {strides = array<i32>} : memref<128xi32, #tpu.memory_space<vmem>>, vector<16xi32>,
    %swap3A_1154 = vector.shape_cast %swap3A_1153 : vector<16xi32> to vector<16xi32>
    %swap3A_1155 = vector.shape_cast %add3A_1151 : vector<16xi32> to vector<16xi32>
    tpu.vector_store %arg7[%swap3A_1152], %swap3A_1155 {strides = array<i32>} : memref<128xi32, #tpu.memory_space<vmem>>, vector<16xi32>,
    %get3A_1156 = arith.constant 32 : index
    %get3A_1157 = tpu.vector_load %arg7[%get3A_1156] {strides = array<i32>} : memref<128xi32, #tpu.memory_space<vmem>>, vector<16xi32>,
    %get3A_1158 = vector.shape_cast %get3A_1157 : vector<16xi32> to vector<16xi32>
    %add3A_1159 = arith.constant 4 : i32
    %add3A_1160 = vector.broadcast %add3A_1159 : i32 to vector<16xi32>
    %add3A_1161 = arith.addi %get3A_1158, %add3A_1160 : vector<16xi32>
    %swap3A_1162 = arith.constant 32 : index
    %swap3A_1163 = tpu.vector_load %arg7[%swap3A_1162] {strides = array<i32>} : memref<128xi32, #tpu.memory_space<vmem>>, vector<16xi32>,
    %swap3A_1164 = vector.shape_cast %swap3A_1163 : vector<16xi32> to vector<16xi32>
    %swap3A_1165 = vector.shape_cast %add3A_1161 : vector<16xi32> to vector<16xi32>
    tpu.vector_store %arg7[%swap3A_1162], %swap3A_1165 {strides = array<i32>} : memref<128xi32, #tpu.memory_space<vmem>>, vector<16xi32>,
    %get3A_1166 = arith.constant 48 : index
    %get3A_1167 = tpu.vector_load %arg7[%get3A_1166] {strides = array<i32>} : memref<128xi32, #tpu.memory_space<vmem>>, vector<16xi32>,
    %get3A_1168 = vector.shape_cast %get3A_1167 : vector<16xi32> to vector<16xi32>
    %add3A_1169 = arith.constant 4 : i32
    %add3A_1170 = vector.broadcast %add3A_1169 : i32 to vector<16xi32>
    %add3A_1171 = arith.addi %get3A_1168, %add3A_1170 : vector<16xi32>
    %swap3A_1172 = arith.constant 48 : index
    %swap3A_1173 = tpu.vector_load %arg7[%swap3A_1172] {strides = array<i32>} : memref<128xi32, #tpu.memory_space<vmem>>, vector<16xi32>,
    %swap3A_1174 = vector.shape_cast %swap3A_1173 : vector<16xi32> to vector<16xi32>
    %swap3A_1175 = vector.shape_cast %add3A_1171 : vector<16xi32> to vector<16xi32>
    tpu.vector_store %arg7[%swap3A_1172], %swap3A_1175 {strides = array<i32>} : memref<128xi32, #tpu.memory_space<vmem>>, vector<16xi32>,
    %get3A_1176 = arith.constant 64 : index
    %get3A_1177 = tpu.vector_load %arg7[%get3A_1176] {strides = array<i32>} : memref<128xi32, #tpu.memory_space<vmem>>, vector<16xi32>,
    %get3A_1178 = vector.shape_cast %get3A_1177 : vector<16xi32> to vector<16xi32>
    %add3A_1179 = arith.constant 4 : i32
    %add3A_1180 = vector.broadcast %add3A_1179 : i32 to vector<16xi32>
    %add3A_1181 = arith.addi %get3A_1178, %add3A_1180 : vector<16xi32>
    %swap3A_1182 = arith.constant 64 : index
    %swap3A_1183 = tpu.vector_load %arg7[%swap3A_1182] {strides = array<i32>} : memref<128xi32, #tpu.memory_space<vmem>>, vector<16xi32>,
    %swap3A_1184 = vector.shape_cast %swap3A_1183 : vector<16xi32> to vector<16xi32>
    %swap3A_1185 = vector.shape_cast %add3A_1181 : vector<16xi32> to vector<16xi32>
    tpu.vector_store %arg7[%swap3A_1182], %swap3A_1185 {strides = array<i32>} : memref<128xi32, #tpu.memory_space<vmem>>, vector<16xi32>,
    %get3A_1186 = arith.constant 80 : index
    %get3A_1187 = tpu.vector_load %arg7[%get3A_1186] {strides = array<i32>} : memref<128xi32, #tpu.memory_space<vmem>>, vector<16xi32>,
    %get3A_1188 = vector.shape_cast %get3A_1187 : vector<16xi32> to vector<16xi32>
    %add3A_1189 = arith.constant 4 : i32
    %add3A_1190 = vector.broadcast %add3A_1189 : i32 to vector<16xi32>
    %add3A_1191 = arith.addi %get3A_1188, %add3A_1190 : vector<16xi32>
    %swap3A_1192 = arith.constant 80 : index
    %swap3A_1193 = tpu.vector_load %arg7[%swap3A_1192] {strides = array<i32>} : memref<128xi32, #tpu.memory_space<vmem>>, vector<16xi32>,
    %swap3A_1194 = vector.shape_cast %swap3A_1193 : vector<16xi32> to vector<16xi32>
    %swap3A_1195 = vector.shape_cast %add3A_1191 : vector<16xi32> to vector<16xi32>
    tpu.vector_store %arg7[%swap3A_1192], %swap3A_1195 {strides = array<i32>} : memref<128xi32, #tpu.memory_space<vmem>>, vector<16xi32>,
    %get3A_1196 = arith.constant 96 : index
    %get3A_1197 = tpu.vector_load %arg7[%get3A_1196] {strides = array<i32>} : memref<128xi32, #tpu.memory_space<vmem>>, vector<16xi32>,
    %get3A_1198 = vector.shape_cast %get3A_1197 : vector<16xi32> to vector<16xi32>
    %add3A_1199 = arith.constant 4 : i32
    %add3A_1200 = vector.broadcast %add3A_1199 : i32 to vector<16xi32>
    %add3A_1201 = arith.addi %get3A_1198, %add3A_1200 : vector<16xi32>
    %swap3A_1202 = arith.constant 96 : index
    %swap3A_1203 = tpu.vector_load %arg7[%swap3A_1202] {strides = array<i32>} : memref<128xi32, #tpu.memory_space<vmem>>, vector<16xi32>,
    %swap3A_1204 = vector.shape_cast %swap3A_1203 : vector<16xi32> to vector<16xi32>
    %swap3A_1205 = vector.shape_cast %add3A_1201 : vector<16xi32> to vector<16xi32>
    tpu.vector_store %arg7[%swap3A_1202], %swap3A_1205 {strides = array<i32>} : memref<128xi32, #tpu.memory_space<vmem>>, vector<16xi32>,
    %get3A_1206 = arith.constant 112 : index
    %get3A_1207 = tpu.vector_load %arg7[%get3A_1206] {strides = array<i32>} : memref<128xi32, #tpu.memory_space<vmem>>, vector<16xi32>,
    %get3A_1208 = vector.shape_cast %get3A_1207 : vector<16xi32> to vector<16xi32>
    %add3A_1209 = arith.constant 4 : i32
    %add3A_1210 = vector.broadcast %add3A_1209 : i32 to vector<16xi32>
    %add3A_1211 = arith.addi %get3A_1208, %add3A_1210 : vector<16xi32>
    %swap3A_1212 = arith.constant 112 : index
    %swap3A_1213 = tpu.vector_load %arg7[%swap3A_1212] {strides = array<i32>} : memref<128xi32, #tpu.memory_space<vmem>>, vector<16xi32>,
    %swap3A_1214 = vector.shape_cast %swap3A_1213 : vector<16xi32> to vector<16xi32>
    %swap3A_1215 = vector.shape_cast %add3A_1211 : vector<16xi32> to vector<16xi32>
    tpu.vector_store %arg7[%swap3A_1212], %swap3A_1215 {strides = array<i32>} : memref<128xi32, #tpu.memory_space<vmem>>, vector<16xi32>,
    "tpu.region"() ({
      %run_scoped3A = tpu.sem_alloc : memref<!tpu.dma_semaphore, #tpu.memory_space<semaphore_mem>>
      %dma_start3A_1800 = arith.constant 128 : i32
      %dma_start3A_1801 = arith.constant 0 : i32
      %dma_start3A_1802 = tpu.memref_slice %arg5[%dma_start3A_1800, %dma_start3A_1801] : memref<256x128xf32, #tpu.memory_space<vmem>> -> memref<128x128xf32, #tpu.memory_space<vmem>>
      %dma_start3A_1803 = arith.constant 0 : i32
      %dma_start3A_1804 = arith.constant 0 : i32
      %dma_start3A_1805 = tpu.memref_slice %arg8[%dma_start3A_1803, %dma_start3A_1804] : memref<1280x128xf32, #tpu.memory_space<vmem_shared>> -> memref<1280x128xf32, #tpu.memory_space<vmem_shared>>
      tpu.enqueue_indirect_dma source(%dma_start3A_1802 : memref<128x128xf32, #tpu.memory_space<vmem>>) target(%dma_start3A_1805 : memref<1280x128xf32, #tpu.memory_space<vmem_shared>>) offsets(%arg7 : memref<128xi32, #tpu.memory_space<vmem>>) semaphore(%run_scoped3A : memref<!tpu.dma_semaphore, #tpu.memory_space<semaphore_mem>>) {add = true}
      %dma_wait3A_1806 = arith.constant 128 : i32
      %dma_wait3A_1807 = arith.constant 0 : i32
      %dma_wait3A_1808 = tpu.memref_slice %arg5[%dma_wait3A_1806, %dma_wait3A_1807] : memref<256x128xf32, #tpu.memory_space<vmem>> -> memref<128x128xf32, #tpu.memory_space<vmem>>
      %dma_wait3A_1809 = arith.constant 0 : i32
      %dma_wait3A_1810 = arith.constant 0 : i32
      %dma_wait3A_1811 = tpu.memref_slice %arg8[%dma_wait3A_1809, %dma_wait3A_1810] : memref<1280x128xf32, #tpu.memory_space<vmem_shared>> -> memref<1280x128xf32, #tpu.memory_space<vmem_shared>>
      tpu.wait_indirect_dma semaphore(%run_scoped3A : memref<!tpu.dma_semaphore, #tpu.memory_space<semaphore_mem>>) src(%dma_wait3A_1808 : memref<128x128xf32, #tpu.memory_space<vmem>>) dst(%dma_wait3A_1811 : memref<1280x128xf32, #tpu.memory_space<vmem_shared>>)
      tpu.yield
    }) : () -> ()
    %get3A_1216 = arith.constant 0 : index
    %get3A_1217 = tpu.vector_load %arg7[%get3A_1216] {strides = array<i32>} : memref<128xi32, #tpu.memory_space<vmem>>, vector<16xi32>,
    %get3A_1218 = vector.shape_cast %get3A_1217 : vector<16xi32> to vector<16xi32>
    %add3A_1219 = arith.constant 4 : i32
    %add3A_1220 = vector.broadcast %add3A_1219 : i32 to vector<16xi32>
    %add3A_1221 = arith.addi %get3A_1218, %add3A_1220 : vector<16xi32>
    %swap3A_1222 = arith.constant 0 : index
    %swap3A_1223 = tpu.vector_load %arg7[%swap3A_1222] {strides = array<i32>} : memref<128xi32, #tpu.memory_space<vmem>>, vector<16xi32>,
    %swap3A_1224 = vector.shape_cast %swap3A_1223 : vector<16xi32> to vector<16xi32>
    %swap3A_1225 = vector.shape_cast %add3A_1221 : vector<16xi32> to vector<16xi32>
    tpu.vector_store %arg7[%swap3A_1222], %swap3A_1225 {strides = array<i32>} : memref<128xi32, #tpu.memory_space<vmem>>, vector<16xi32>,
    %get3A_1226 = arith.constant 16 : index
    %get3A_1227 = tpu.vector_load %arg7[%get3A_1226] {strides = array<i32>} : memref<128xi32, #tpu.memory_space<vmem>>, vector<16xi32>,
    %get3A_1228 = vector.shape_cast %get3A_1227 : vector<16xi32> to vector<16xi32>
    %add3A_1229 = arith.constant 4 : i32
    %add3A_1230 = vector.broadcast %add3A_1229 : i32 to vector<16xi32>
    %add3A_1231 = arith.addi %get3A_1228, %add3A_1230 : vector<16xi32>
    %swap3A_1232 = arith.constant 16 : index
    %swap3A_1233 = tpu.vector_load %arg7[%swap3A_1232] {strides = array<i32>} : memref<128xi32, #tpu.memory_space<vmem>>, vector<16xi32>,
    %swap3A_1234 = vector.shape_cast %swap3A_1233 : vector<16xi32> to vector<16xi32>
    %swap3A_1235 = vector.shape_cast %add3A_1231 : vector<16xi32> to vector<16xi32>
    tpu.vector_store %arg7[%swap3A_1232], %swap3A_1235 {strides = array<i32>} : memref<128xi32, #tpu.memory_space<vmem>>, vector<16xi32>,
    %get3A_1236 = arith.constant 32 : index
    %get3A_1237 = tpu.vector_load %arg7[%get3A_1236] {strides = array<i32>} : memref<128xi32, #tpu.memory_space<vmem>>, vector<16xi32>,
    %get3A_1238 = vector.shape_cast %get3A_1237 : vector<16xi32> to vector<16xi32>
    %add3A_1239 = arith.constant 4 : i32
    %add3A_1240 = vector.broadcast %add3A_1239 : i32 to vector<16xi32>
    %add3A_1241 = arith.addi %get3A_1238, %add3A_1240 : vector<16xi32>
    %swap3A_1242 = arith.constant 32 : index
    %swap3A_1243 = tpu.vector_load %arg7[%swap3A_1242] {strides = array<i32>} : memref<128xi32, #tpu.memory_space<vmem>>, vector<16xi32>,
    %swap3A_1244 = vector.shape_cast %swap3A_1243 : vector<16xi32> to vector<16xi32>
    %swap3A_1245 = vector.shape_cast %add3A_1241 : vector<16xi32> to vector<16xi32>
    tpu.vector_store %arg7[%swap3A_1242], %swap3A_1245 {strides = array<i32>} : memref<128xi32, #tpu.memory_space<vmem>>, vector<16xi32>,
    %get3A_1246 = arith.constant 48 : index
    %get3A_1247 = tpu.vector_load %arg7[%get3A_1246] {strides = array<i32>} : memref<128xi32, #tpu.memory_space<vmem>>, vector<16xi32>,
    %get3A_1248 = vector.shape_cast %get3A_1247 : vector<16xi32> to vector<16xi32>
    %add3A_1249 = arith.constant 4 : i32
    %add3A_1250 = vector.broadcast %add3A_1249 : i32 to vector<16xi32>
    %add3A_1251 = arith.addi %get3A_1248, %add3A_1250 : vector<16xi32>
    %swap3A_1252 = arith.constant 48 : index
    %swap3A_1253 = tpu.vector_load %arg7[%swap3A_1252] {strides = array<i32>} : memref<128xi32, #tpu.memory_space<vmem>>, vector<16xi32>,
    %swap3A_1254 = vector.shape_cast %swap3A_1253 : vector<16xi32> to vector<16xi32>
    %swap3A_1255 = vector.shape_cast %add3A_1251 : vector<16xi32> to vector<16xi32>
    tpu.vector_store %arg7[%swap3A_1252], %swap3A_1255 {strides = array<i32>} : memref<128xi32, #tpu.memory_space<vmem>>, vector<16xi32>,
    %get3A_1256 = arith.constant 64 : index
    %get3A_1257 = tpu.vector_load %arg7[%get3A_1256] {strides = array<i32>} : memref<128xi32, #tpu.memory_space<vmem>>, vector<16xi32>,
    %get3A_1258 = vector.shape_cast %get3A_1257 : vector<16xi32> to vector<16xi32>
    %add3A_1259 = arith.constant 4 : i32
    %add3A_1260 = vector.broadcast %add3A_1259 : i32 to vector<16xi32>
    %add3A_1261 = arith.addi %get3A_1258, %add3A_1260 : vector<16xi32>
    %swap3A_1262 = arith.constant 64 : index
    %swap3A_1263 = tpu.vector_load %arg7[%swap3A_1262] {strides = array<i32>} : memref<128xi32, #tpu.memory_space<vmem>>, vector<16xi32>,
    %swap3A_1264 = vector.shape_cast %swap3A_1263 : vector<16xi32> to vector<16xi32>
    %swap3A_1265 = vector.shape_cast %add3A_1261 : vector<16xi32> to vector<16xi32>
    tpu.vector_store %arg7[%swap3A_1262], %swap3A_1265 {strides = array<i32>} : memref<128xi32, #tpu.memory_space<vmem>>, vector<16xi32>,
    %get3A_1266 = arith.constant 80 : index
    %get3A_1267 = tpu.vector_load %arg7[%get3A_1266] {strides = array<i32>} : memref<128xi32, #tpu.memory_space<vmem>>, vector<16xi32>,
    %get3A_1268 = vector.shape_cast %get3A_1267 : vector<16xi32> to vector<16xi32>
    %add3A_1269 = arith.constant 4 : i32
    %add3A_1270 = vector.broadcast %add3A_1269 : i32 to vector<16xi32>
    %add3A_1271 = arith.addi %get3A_1268, %add3A_1270 : vector<16xi32>
    %swap3A_1272 = arith.constant 80 : index
    %swap3A_1273 = tpu.vector_load %arg7[%swap3A_1272] {strides = array<i32>} : memref<128xi32, #tpu.memory_space<vmem>>, vector<16xi32>,
    %swap3A_1274 = vector.shape_cast %swap3A_1273 : vector<16xi32> to vector<16xi32>
    %swap3A_1275 = vector.shape_cast %add3A_1271 : vector<16xi32> to vector<16xi32>
    tpu.vector_store %arg7[%swap3A_1272], %swap3A_1275 {strides = array<i32>} : memref<128xi32, #tpu.memory_space<vmem>>, vector<16xi32>,
    %get3A_1276 = arith.constant 96 : index
    %get3A_1277 = tpu.vector_load %arg7[%get3A_1276] {strides = array<i32>} : memref<128xi32, #tpu.memory_space<vmem>>, vector<16xi32>,
    %get3A_1278 = vector.shape_cast %get3A_1277 : vector<16xi32> to vector<16xi32>
    %add3A_1279 = arith.constant 4 : i32
    %add3A_1280 = vector.broadcast %add3A_1279 : i32 to vector<16xi32>
    %add3A_1281 = arith.addi %get3A_1278, %add3A_1280 : vector<16xi32>
    %swap3A_1282 = arith.constant 96 : index
    %swap3A_1283 = tpu.vector_load %arg7[%swap3A_1282] {strides = array<i32>} : memref<128xi32, #tpu.memory_space<vmem>>, vector<16xi32>,
    %swap3A_1284 = vector.shape_cast %swap3A_1283 : vector<16xi32> to vector<16xi32>
    %swap3A_1285 = vector.shape_cast %add3A_1281 : vector<16xi32> to vector<16xi32>
    tpu.vector_store %arg7[%swap3A_1282], %swap3A_1285 {strides = array<i32>} : memref<128xi32, #tpu.memory_space<vmem>>, vector<16xi32>,
    %get3A_1286 = arith.constant 112 : index
    %get3A_1287 = tpu.vector_load %arg7[%get3A_1286] {strides = array<i32>} : memref<128xi32, #tpu.memory_space<vmem>>, vector<16xi32>,
    %get3A_1288 = vector.shape_cast %get3A_1287 : vector<16xi32> to vector<16xi32>
    %add3A_1289 = arith.constant 4 : i32
    %add3A_1290 = vector.broadcast %add3A_1289 : i32 to vector<16xi32>
    %add3A_1291 = arith.addi %get3A_1288, %add3A_1290 : vector<16xi32>
    %swap3A_1292 = arith.constant 112 : index
    %swap3A_1293 = tpu.vector_load %arg7[%swap3A_1292] {strides = array<i32>} : memref<128xi32, #tpu.memory_space<vmem>>, vector<16xi32>,
    %swap3A_1294 = vector.shape_cast %swap3A_1293 : vector<16xi32> to vector<16xi32>
    %swap3A_1295 = vector.shape_cast %add3A_1291 : vector<16xi32> to vector<16xi32>
    tpu.vector_store %arg7[%swap3A_1292], %swap3A_1295 {strides = array<i32>} : memref<128xi32, #tpu.memory_space<vmem>>, vector<16xi32>,
    %add3A_1296 = arith.constant 2048 : i32
    %add3A_1297 = arith.addi %mul3A_8, %add3A_1296 : i32
    %dma_start3A_1298 = arith.constant 0 : i32
    %dma_start3A_1299 = tpu.memref_slice %arg2[%add3A_1297, %dma_start3A_1298] : memref<320000x128xf32, #tpu.memory_space<hbm>> -> memref<256x128xf32, #tpu.memory_space<hbm>>
    %dma_start3A_1300 = arith.constant 0 : i32
    %dma_start3A_1301 = tpu.memref_slice %arg2[%add3A_1297, %dma_start3A_1300] : memref<320000x128xf32, #tpu.memory_space<hbm>> -> memref<256x128xf32, #tpu.memory_space<hbm>>
    tpu.enqueue_dma source(%dma_start3A_1301 : memref<256x128xf32, #tpu.memory_space<hbm>>) target(%arg5 : memref<256x128xf32, #tpu.memory_space<vmem>>) target_semaphore(%arg9 : memref<!tpu.dma_semaphore, #tpu.memory_space<semaphore_mem>>)
    %dma_wait3A_1302 = arith.constant 0 : i32
    %dma_wait3A_1303 = tpu.memref_slice %arg2[%add3A_1127, %dma_wait3A_1302] : memref<320000x128xf32, #tpu.memory_space<hbm>> -> memref<256x128xf32, #tpu.memory_space<hbm>>
    %dma_wait3A_1304 = arith.constant 0 : i32
    %dma_wait3A_1305 = tpu.memref_slice %arg2[%add3A_1127, %dma_wait3A_1304] : memref<320000x128xf32, #tpu.memory_space<hbm>> -> memref<256x128xf32, #tpu.memory_space<hbm>>
    tpu.wait_dma2 semaphore(%arg10 : memref<!tpu.dma_semaphore, #tpu.memory_space<semaphore_mem>>) src(%dma_wait3A_1305 : memref<256x128xf32, #tpu.memory_space<hbm>>) dst(%arg6 : memref<256x128xf32, #tpu.memory_space<vmem>>)
    "tpu.region"() ({
      %run_scoped3A = tpu.sem_alloc : memref<!tpu.dma_semaphore, #tpu.memory_space<semaphore_mem>>
      %dma_start3A_1800 = arith.constant 0 : i32
      %dma_start3A_1801 = arith.constant 0 : i32
      %dma_start3A_1802 = tpu.memref_slice %arg6[%dma_start3A_1800, %dma_start3A_1801] : memref<256x128xf32, #tpu.memory_space<vmem>> -> memref<128x128xf32, #tpu.memory_space<vmem>>
      %dma_start3A_1803 = arith.constant 0 : i32
      %dma_start3A_1804 = arith.constant 0 : i32
      %dma_start3A_1805 = tpu.memref_slice %arg8[%dma_start3A_1803, %dma_start3A_1804] : memref<1280x128xf32, #tpu.memory_space<vmem_shared>> -> memref<1280x128xf32, #tpu.memory_space<vmem_shared>>
      tpu.enqueue_indirect_dma source(%dma_start3A_1802 : memref<128x128xf32, #tpu.memory_space<vmem>>) target(%dma_start3A_1805 : memref<1280x128xf32, #tpu.memory_space<vmem_shared>>) offsets(%arg7 : memref<128xi32, #tpu.memory_space<vmem>>) semaphore(%run_scoped3A : memref<!tpu.dma_semaphore, #tpu.memory_space<semaphore_mem>>) {add = true}
      %dma_wait3A_1806 = arith.constant 0 : i32
      %dma_wait3A_1807 = arith.constant 0 : i32
      %dma_wait3A_1808 = tpu.memref_slice %arg6[%dma_wait3A_1806, %dma_wait3A_1807] : memref<256x128xf32, #tpu.memory_space<vmem>> -> memref<128x128xf32, #tpu.memory_space<vmem>>
      %dma_wait3A_1809 = arith.constant 0 : i32
      %dma_wait3A_1810 = arith.constant 0 : i32
      %dma_wait3A_1811 = tpu.memref_slice %arg8[%dma_wait3A_1809, %dma_wait3A_1810] : memref<1280x128xf32, #tpu.memory_space<vmem_shared>> -> memref<1280x128xf32, #tpu.memory_space<vmem_shared>>
      tpu.wait_indirect_dma semaphore(%run_scoped3A : memref<!tpu.dma_semaphore, #tpu.memory_space<semaphore_mem>>) src(%dma_wait3A_1808 : memref<128x128xf32, #tpu.memory_space<vmem>>) dst(%dma_wait3A_1811 : memref<1280x128xf32, #tpu.memory_space<vmem_shared>>)
      tpu.yield
    }) : () -> ()
    %get3A_1306 = arith.constant 0 : index
    %get3A_1307 = tpu.vector_load %arg7[%get3A_1306] {strides = array<i32>} : memref<128xi32, #tpu.memory_space<vmem>>, vector<16xi32>,
    %get3A_1308 = vector.shape_cast %get3A_1307 : vector<16xi32> to vector<16xi32>
    %add3A_1309 = arith.constant 4 : i32
    %add3A_1310 = vector.broadcast %add3A_1309 : i32 to vector<16xi32>
    %add3A_1311 = arith.addi %get3A_1308, %add3A_1310 : vector<16xi32>
    %swap3A_1312 = arith.constant 0 : index
    %swap3A_1313 = tpu.vector_load %arg7[%swap3A_1312] {strides = array<i32>} : memref<128xi32, #tpu.memory_space<vmem>>, vector<16xi32>,
    %swap3A_1314 = vector.shape_cast %swap3A_1313 : vector<16xi32> to vector<16xi32>
    %swap3A_1315 = vector.shape_cast %add3A_1311 : vector<16xi32> to vector<16xi32>
    tpu.vector_store %arg7[%swap3A_1312], %swap3A_1315 {strides = array<i32>} : memref<128xi32, #tpu.memory_space<vmem>>, vector<16xi32>,
    %get3A_1316 = arith.constant 16 : index
    %get3A_1317 = tpu.vector_load %arg7[%get3A_1316] {strides = array<i32>} : memref<128xi32, #tpu.memory_space<vmem>>, vector<16xi32>,
    %get3A_1318 = vector.shape_cast %get3A_1317 : vector<16xi32> to vector<16xi32>
    %add3A_1319 = arith.constant 4 : i32
    %add3A_1320 = vector.broadcast %add3A_1319 : i32 to vector<16xi32>
    %add3A_1321 = arith.addi %get3A_1318, %add3A_1320 : vector<16xi32>
    %swap3A_1322 = arith.constant 16 : index
    %swap3A_1323 = tpu.vector_load %arg7[%swap3A_1322] {strides = array<i32>} : memref<128xi32, #tpu.memory_space<vmem>>, vector<16xi32>,
    %swap3A_1324 = vector.shape_cast %swap3A_1323 : vector<16xi32> to vector<16xi32>
    %swap3A_1325 = vector.shape_cast %add3A_1321 : vector<16xi32> to vector<16xi32>
    tpu.vector_store %arg7[%swap3A_1322], %swap3A_1325 {strides = array<i32>} : memref<128xi32, #tpu.memory_space<vmem>>, vector<16xi32>,
    %get3A_1326 = arith.constant 32 : index
    %get3A_1327 = tpu.vector_load %arg7[%get3A_1326] {strides = array<i32>} : memref<128xi32, #tpu.memory_space<vmem>>, vector<16xi32>,
    %get3A_1328 = vector.shape_cast %get3A_1327 : vector<16xi32> to vector<16xi32>
    %add3A_1329 = arith.constant 4 : i32
    %add3A_1330 = vector.broadcast %add3A_1329 : i32 to vector<16xi32>
    %add3A_1331 = arith.addi %get3A_1328, %add3A_1330 : vector<16xi32>
    %swap3A_1332 = arith.constant 32 : index
    %swap3A_1333 = tpu.vector_load %arg7[%swap3A_1332] {strides = array<i32>} : memref<128xi32, #tpu.memory_space<vmem>>, vector<16xi32>,
    %swap3A_1334 = vector.shape_cast %swap3A_1333 : vector<16xi32> to vector<16xi32>
    %swap3A_1335 = vector.shape_cast %add3A_1331 : vector<16xi32> to vector<16xi32>
    tpu.vector_store %arg7[%swap3A_1332], %swap3A_1335 {strides = array<i32>} : memref<128xi32, #tpu.memory_space<vmem>>, vector<16xi32>,
    %get3A_1336 = arith.constant 48 : index
    %get3A_1337 = tpu.vector_load %arg7[%get3A_1336] {strides = array<i32>} : memref<128xi32, #tpu.memory_space<vmem>>, vector<16xi32>,
    %get3A_1338 = vector.shape_cast %get3A_1337 : vector<16xi32> to vector<16xi32>
    %add3A_1339 = arith.constant 4 : i32
    %add3A_1340 = vector.broadcast %add3A_1339 : i32 to vector<16xi32>
    %add3A_1341 = arith.addi %get3A_1338, %add3A_1340 : vector<16xi32>
    %swap3A_1342 = arith.constant 48 : index
    %swap3A_1343 = tpu.vector_load %arg7[%swap3A_1342] {strides = array<i32>} : memref<128xi32, #tpu.memory_space<vmem>>, vector<16xi32>,
    %swap3A_1344 = vector.shape_cast %swap3A_1343 : vector<16xi32> to vector<16xi32>
    %swap3A_1345 = vector.shape_cast %add3A_1341 : vector<16xi32> to vector<16xi32>
    tpu.vector_store %arg7[%swap3A_1342], %swap3A_1345 {strides = array<i32>} : memref<128xi32, #tpu.memory_space<vmem>>, vector<16xi32>,
    %get3A_1346 = arith.constant 64 : index
    %get3A_1347 = tpu.vector_load %arg7[%get3A_1346] {strides = array<i32>} : memref<128xi32, #tpu.memory_space<vmem>>, vector<16xi32>,
    %get3A_1348 = vector.shape_cast %get3A_1347 : vector<16xi32> to vector<16xi32>
    %add3A_1349 = arith.constant 4 : i32
    %add3A_1350 = vector.broadcast %add3A_1349 : i32 to vector<16xi32>
    %add3A_1351 = arith.addi %get3A_1348, %add3A_1350 : vector<16xi32>
    %swap3A_1352 = arith.constant 64 : index
    %swap3A_1353 = tpu.vector_load %arg7[%swap3A_1352] {strides = array<i32>} : memref<128xi32, #tpu.memory_space<vmem>>, vector<16xi32>,
    %swap3A_1354 = vector.shape_cast %swap3A_1353 : vector<16xi32> to vector<16xi32>
    %swap3A_1355 = vector.shape_cast %add3A_1351 : vector<16xi32> to vector<16xi32>
    tpu.vector_store %arg7[%swap3A_1352], %swap3A_1355 {strides = array<i32>} : memref<128xi32, #tpu.memory_space<vmem>>, vector<16xi32>,
    %get3A_1356 = arith.constant 80 : index
    %get3A_1357 = tpu.vector_load %arg7[%get3A_1356] {strides = array<i32>} : memref<128xi32, #tpu.memory_space<vmem>>, vector<16xi32>,
    %get3A_1358 = vector.shape_cast %get3A_1357 : vector<16xi32> to vector<16xi32>
    %add3A_1359 = arith.constant 4 : i32
    %add3A_1360 = vector.broadcast %add3A_1359 : i32 to vector<16xi32>
    %add3A_1361 = arith.addi %get3A_1358, %add3A_1360 : vector<16xi32>
    %swap3A_1362 = arith.constant 80 : index
    %swap3A_1363 = tpu.vector_load %arg7[%swap3A_1362] {strides = array<i32>} : memref<128xi32, #tpu.memory_space<vmem>>, vector<16xi32>,
    %swap3A_1364 = vector.shape_cast %swap3A_1363 : vector<16xi32> to vector<16xi32>
    %swap3A_1365 = vector.shape_cast %add3A_1361 : vector<16xi32> to vector<16xi32>
    tpu.vector_store %arg7[%swap3A_1362], %swap3A_1365 {strides = array<i32>} : memref<128xi32, #tpu.memory_space<vmem>>, vector<16xi32>,
    %get3A_1366 = arith.constant 96 : index
    %get3A_1367 = tpu.vector_load %arg7[%get3A_1366] {strides = array<i32>} : memref<128xi32, #tpu.memory_space<vmem>>, vector<16xi32>,
    %get3A_1368 = vector.shape_cast %get3A_1367 : vector<16xi32> to vector<16xi32>
    %add3A_1369 = arith.constant 4 : i32
    %add3A_1370 = vector.broadcast %add3A_1369 : i32 to vector<16xi32>
    %add3A_1371 = arith.addi %get3A_1368, %add3A_1370 : vector<16xi32>
    %swap3A_1372 = arith.constant 96 : index
    %swap3A_1373 = tpu.vector_load %arg7[%swap3A_1372] {strides = array<i32>} : memref<128xi32, #tpu.memory_space<vmem>>, vector<16xi32>,
    %swap3A_1374 = vector.shape_cast %swap3A_1373 : vector<16xi32> to vector<16xi32>
    %swap3A_1375 = vector.shape_cast %add3A_1371 : vector<16xi32> to vector<16xi32>
    tpu.vector_store %arg7[%swap3A_1372], %swap3A_1375 {strides = array<i32>} : memref<128xi32, #tpu.memory_space<vmem>>, vector<16xi32>,
    %get3A_1376 = arith.constant 112 : index
    %get3A_1377 = tpu.vector_load %arg7[%get3A_1376] {strides = array<i32>} : memref<128xi32, #tpu.memory_space<vmem>>, vector<16xi32>,
    %get3A_1378 = vector.shape_cast %get3A_1377 : vector<16xi32> to vector<16xi32>
    %add3A_1379 = arith.constant 4 : i32
    %add3A_1380 = vector.broadcast %add3A_1379 : i32 to vector<16xi32>
    %add3A_1381 = arith.addi %get3A_1378, %add3A_1380 : vector<16xi32>
    %swap3A_1382 = arith.constant 112 : index
    %swap3A_1383 = tpu.vector_load %arg7[%swap3A_1382] {strides = array<i32>} : memref<128xi32, #tpu.memory_space<vmem>>, vector<16xi32>,
    %swap3A_1384 = vector.shape_cast %swap3A_1383 : vector<16xi32> to vector<16xi32>
    %swap3A_1385 = vector.shape_cast %add3A_1381 : vector<16xi32> to vector<16xi32>
    tpu.vector_store %arg7[%swap3A_1382], %swap3A_1385 {strides = array<i32>} : memref<128xi32, #tpu.memory_space<vmem>>, vector<16xi32>,
    "tpu.region"() ({
      %run_scoped3A = tpu.sem_alloc : memref<!tpu.dma_semaphore, #tpu.memory_space<semaphore_mem>>
      %dma_start3A_1800 = arith.constant 128 : i32
      %dma_start3A_1801 = arith.constant 0 : i32
      %dma_start3A_1802 = tpu.memref_slice %arg6[%dma_start3A_1800, %dma_start3A_1801] : memref<256x128xf32, #tpu.memory_space<vmem>> -> memref<128x128xf32, #tpu.memory_space<vmem>>
      %dma_start3A_1803 = arith.constant 0 : i32
      %dma_start3A_1804 = arith.constant 0 : i32
      %dma_start3A_1805 = tpu.memref_slice %arg8[%dma_start3A_1803, %dma_start3A_1804] : memref<1280x128xf32, #tpu.memory_space<vmem_shared>> -> memref<1280x128xf32, #tpu.memory_space<vmem_shared>>
      tpu.enqueue_indirect_dma source(%dma_start3A_1802 : memref<128x128xf32, #tpu.memory_space<vmem>>) target(%dma_start3A_1805 : memref<1280x128xf32, #tpu.memory_space<vmem_shared>>) offsets(%arg7 : memref<128xi32, #tpu.memory_space<vmem>>) semaphore(%run_scoped3A : memref<!tpu.dma_semaphore, #tpu.memory_space<semaphore_mem>>) {add = true}
      %dma_wait3A_1806 = arith.constant 128 : i32
      %dma_wait3A_1807 = arith.constant 0 : i32
      %dma_wait3A_1808 = tpu.memref_slice %arg6[%dma_wait3A_1806, %dma_wait3A_1807] : memref<256x128xf32, #tpu.memory_space<vmem>> -> memref<128x128xf32, #tpu.memory_space<vmem>>
      %dma_wait3A_1809 = arith.constant 0 : i32
      %dma_wait3A_1810 = arith.constant 0 : i32
      %dma_wait3A_1811 = tpu.memref_slice %arg8[%dma_wait3A_1809, %dma_wait3A_1810] : memref<1280x128xf32, #tpu.memory_space<vmem_shared>> -> memref<1280x128xf32, #tpu.memory_space<vmem_shared>>
      tpu.wait_indirect_dma semaphore(%run_scoped3A : memref<!tpu.dma_semaphore, #tpu.memory_space<semaphore_mem>>) src(%dma_wait3A_1808 : memref<128x128xf32, #tpu.memory_space<vmem>>) dst(%dma_wait3A_1811 : memref<1280x128xf32, #tpu.memory_space<vmem_shared>>)
      tpu.yield
    }) : () -> ()
    %get3A_1386 = arith.constant 0 : index
    %get3A_1387 = tpu.vector_load %arg7[%get3A_1386] {strides = array<i32>} : memref<128xi32, #tpu.memory_space<vmem>>, vector<16xi32>,
    %get3A_1388 = vector.shape_cast %get3A_1387 : vector<16xi32> to vector<16xi32>
    %add3A_1389 = arith.constant 4 : i32
    %add3A_1390 = vector.broadcast %add3A_1389 : i32 to vector<16xi32>
    %add3A_1391 = arith.addi %get3A_1388, %add3A_1390 : vector<16xi32>
    %swap3A_1392 = arith.constant 0 : index
    %swap3A_1393 = tpu.vector_load %arg7[%swap3A_1392] {strides = array<i32>} : memref<128xi32, #tpu.memory_space<vmem>>, vector<16xi32>,
    %swap3A_1394 = vector.shape_cast %swap3A_1393 : vector<16xi32> to vector<16xi32>
    %swap3A_1395 = vector.shape_cast %add3A_1391 : vector<16xi32> to vector<16xi32>
    tpu.vector_store %arg7[%swap3A_1392], %swap3A_1395 {strides = array<i32>} : memref<128xi32, #tpu.memory_space<vmem>>, vector<16xi32>,
    %get3A_1396 = arith.constant 16 : index
    %get3A_1397 = tpu.vector_load %arg7[%get3A_1396] {strides = array<i32>} : memref<128xi32, #tpu.memory_space<vmem>>, vector<16xi32>,
    %get3A_1398 = vector.shape_cast %get3A_1397 : vector<16xi32> to vector<16xi32>
    %add3A_1399 = arith.constant 4 : i32
    %add3A_1400 = vector.broadcast %add3A_1399 : i32 to vector<16xi32>
    %add3A_1401 = arith.addi %get3A_1398, %add3A_1400 : vector<16xi32>
    %swap3A_1402 = arith.constant 16 : index
    %swap3A_1403 = tpu.vector_load %arg7[%swap3A_1402] {strides = array<i32>} : memref<128xi32, #tpu.memory_space<vmem>>, vector<16xi32>,
    %swap3A_1404 = vector.shape_cast %swap3A_1403 : vector<16xi32> to vector<16xi32>
    %swap3A_1405 = vector.shape_cast %add3A_1401 : vector<16xi32> to vector<16xi32>
    tpu.vector_store %arg7[%swap3A_1402], %swap3A_1405 {strides = array<i32>} : memref<128xi32, #tpu.memory_space<vmem>>, vector<16xi32>,
    %get3A_1406 = arith.constant 32 : index
    %get3A_1407 = tpu.vector_load %arg7[%get3A_1406] {strides = array<i32>} : memref<128xi32, #tpu.memory_space<vmem>>, vector<16xi32>,
    %get3A_1408 = vector.shape_cast %get3A_1407 : vector<16xi32> to vector<16xi32>
    %add3A_1409 = arith.constant 4 : i32
    %add3A_1410 = vector.broadcast %add3A_1409 : i32 to vector<16xi32>
    %add3A_1411 = arith.addi %get3A_1408, %add3A_1410 : vector<16xi32>
    %swap3A_1412 = arith.constant 32 : index
    %swap3A_1413 = tpu.vector_load %arg7[%swap3A_1412] {strides = array<i32>} : memref<128xi32, #tpu.memory_space<vmem>>, vector<16xi32>,
    %swap3A_1414 = vector.shape_cast %swap3A_1413 : vector<16xi32> to vector<16xi32>
    %swap3A_1415 = vector.shape_cast %add3A_1411 : vector<16xi32> to vector<16xi32>
    tpu.vector_store %arg7[%swap3A_1412], %swap3A_1415 {strides = array<i32>} : memref<128xi32, #tpu.memory_space<vmem>>, vector<16xi32>,
    %get3A_1416 = arith.constant 48 : index
    %get3A_1417 = tpu.vector_load %arg7[%get3A_1416] {strides = array<i32>} : memref<128xi32, #tpu.memory_space<vmem>>, vector<16xi32>,
    %get3A_1418 = vector.shape_cast %get3A_1417 : vector<16xi32> to vector<16xi32>
    %add3A_1419 = arith.constant 4 : i32
    %add3A_1420 = vector.broadcast %add3A_1419 : i32 to vector<16xi32>
    %add3A_1421 = arith.addi %get3A_1418, %add3A_1420 : vector<16xi32>
    %swap3A_1422 = arith.constant 48 : index
    %swap3A_1423 = tpu.vector_load %arg7[%swap3A_1422] {strides = array<i32>} : memref<128xi32, #tpu.memory_space<vmem>>, vector<16xi32>,
    %swap3A_1424 = vector.shape_cast %swap3A_1423 : vector<16xi32> to vector<16xi32>
    %swap3A_1425 = vector.shape_cast %add3A_1421 : vector<16xi32> to vector<16xi32>
    tpu.vector_store %arg7[%swap3A_1422], %swap3A_1425 {strides = array<i32>} : memref<128xi32, #tpu.memory_space<vmem>>, vector<16xi32>,
    %get3A_1426 = arith.constant 64 : index
    %get3A_1427 = tpu.vector_load %arg7[%get3A_1426] {strides = array<i32>} : memref<128xi32, #tpu.memory_space<vmem>>, vector<16xi32>,
    %get3A_1428 = vector.shape_cast %get3A_1427 : vector<16xi32> to vector<16xi32>
    %add3A_1429 = arith.constant 4 : i32
    %add3A_1430 = vector.broadcast %add3A_1429 : i32 to vector<16xi32>
    %add3A_1431 = arith.addi %get3A_1428, %add3A_1430 : vector<16xi32>
    %swap3A_1432 = arith.constant 64 : index
    %swap3A_1433 = tpu.vector_load %arg7[%swap3A_1432] {strides = array<i32>} : memref<128xi32, #tpu.memory_space<vmem>>, vector<16xi32>,
    %swap3A_1434 = vector.shape_cast %swap3A_1433 : vector<16xi32> to vector<16xi32>
    %swap3A_1435 = vector.shape_cast %add3A_1431 : vector<16xi32> to vector<16xi32>
    tpu.vector_store %arg7[%swap3A_1432], %swap3A_1435 {strides = array<i32>} : memref<128xi32, #tpu.memory_space<vmem>>, vector<16xi32>,
    %get3A_1436 = arith.constant 80 : index
    %get3A_1437 = tpu.vector_load %arg7[%get3A_1436] {strides = array<i32>} : memref<128xi32, #tpu.memory_space<vmem>>, vector<16xi32>,
    %get3A_1438 = vector.shape_cast %get3A_1437 : vector<16xi32> to vector<16xi32>
    %add3A_1439 = arith.constant 4 : i32
    %add3A_1440 = vector.broadcast %add3A_1439 : i32 to vector<16xi32>
    %add3A_1441 = arith.addi %get3A_1438, %add3A_1440 : vector<16xi32>
    %swap3A_1442 = arith.constant 80 : index
    %swap3A_1443 = tpu.vector_load %arg7[%swap3A_1442] {strides = array<i32>} : memref<128xi32, #tpu.memory_space<vmem>>, vector<16xi32>,
    %swap3A_1444 = vector.shape_cast %swap3A_1443 : vector<16xi32> to vector<16xi32>
    %swap3A_1445 = vector.shape_cast %add3A_1441 : vector<16xi32> to vector<16xi32>
    tpu.vector_store %arg7[%swap3A_1442], %swap3A_1445 {strides = array<i32>} : memref<128xi32, #tpu.memory_space<vmem>>, vector<16xi32>,
    %get3A_1446 = arith.constant 96 : index
    %get3A_1447 = tpu.vector_load %arg7[%get3A_1446] {strides = array<i32>} : memref<128xi32, #tpu.memory_space<vmem>>, vector<16xi32>,
    %get3A_1448 = vector.shape_cast %get3A_1447 : vector<16xi32> to vector<16xi32>
    %add3A_1449 = arith.constant 4 : i32
    %add3A_1450 = vector.broadcast %add3A_1449 : i32 to vector<16xi32>
    %add3A_1451 = arith.addi %get3A_1448, %add3A_1450 : vector<16xi32>
    %swap3A_1452 = arith.constant 96 : index
    %swap3A_1453 = tpu.vector_load %arg7[%swap3A_1452] {strides = array<i32>} : memref<128xi32, #tpu.memory_space<vmem>>, vector<16xi32>,
    %swap3A_1454 = vector.shape_cast %swap3A_1453 : vector<16xi32> to vector<16xi32>
    %swap3A_1455 = vector.shape_cast %add3A_1451 : vector<16xi32> to vector<16xi32>
    tpu.vector_store %arg7[%swap3A_1452], %swap3A_1455 {strides = array<i32>} : memref<128xi32, #tpu.memory_space<vmem>>, vector<16xi32>,
    %get3A_1456 = arith.constant 112 : index
    %get3A_1457 = tpu.vector_load %arg7[%get3A_1456] {strides = array<i32>} : memref<128xi32, #tpu.memory_space<vmem>>, vector<16xi32>,
    %get3A_1458 = vector.shape_cast %get3A_1457 : vector<16xi32> to vector<16xi32>
    %add3A_1459 = arith.constant 4 : i32
    %add3A_1460 = vector.broadcast %add3A_1459 : i32 to vector<16xi32>
    %add3A_1461 = arith.addi %get3A_1458, %add3A_1460 : vector<16xi32>
    %swap3A_1462 = arith.constant 112 : index
    %swap3A_1463 = tpu.vector_load %arg7[%swap3A_1462] {strides = array<i32>} : memref<128xi32, #tpu.memory_space<vmem>>, vector<16xi32>,
    %swap3A_1464 = vector.shape_cast %swap3A_1463 : vector<16xi32> to vector<16xi32>
    %swap3A_1465 = vector.shape_cast %add3A_1461 : vector<16xi32> to vector<16xi32>
    tpu.vector_store %arg7[%swap3A_1462], %swap3A_1465 {strides = array<i32>} : memref<128xi32, #tpu.memory_space<vmem>>, vector<16xi32>,
    %add3A_1466 = arith.constant 2304 : i32
    %add3A_1467 = arith.addi %mul3A_8, %add3A_1466 : i32
    %dma_start3A_1468 = arith.constant 0 : i32
    %dma_start3A_1469 = tpu.memref_slice %arg2[%add3A_1467, %dma_start3A_1468] : memref<320000x128xf32, #tpu.memory_space<hbm>> -> memref<256x128xf32, #tpu.memory_space<hbm>>
    %dma_start3A_1470 = arith.constant 0 : i32
    %dma_start3A_1471 = tpu.memref_slice %arg2[%add3A_1467, %dma_start3A_1470] : memref<320000x128xf32, #tpu.memory_space<hbm>> -> memref<256x128xf32, #tpu.memory_space<hbm>>
    tpu.enqueue_dma source(%dma_start3A_1471 : memref<256x128xf32, #tpu.memory_space<hbm>>) target(%arg6 : memref<256x128xf32, #tpu.memory_space<vmem>>) target_semaphore(%arg10 : memref<!tpu.dma_semaphore, #tpu.memory_space<semaphore_mem>>)
    %dma_wait3A_1472 = arith.constant 0 : i32
    %dma_wait3A_1473 = tpu.memref_slice %arg2[%add3A_1297, %dma_wait3A_1472] : memref<320000x128xf32, #tpu.memory_space<hbm>> -> memref<256x128xf32, #tpu.memory_space<hbm>>
    %dma_wait3A_1474 = arith.constant 0 : i32
    %dma_wait3A_1475 = tpu.memref_slice %arg2[%add3A_1297, %dma_wait3A_1474] : memref<320000x128xf32, #tpu.memory_space<hbm>> -> memref<256x128xf32, #tpu.memory_space<hbm>>
    tpu.wait_dma2 semaphore(%arg9 : memref<!tpu.dma_semaphore, #tpu.memory_space<semaphore_mem>>) src(%dma_wait3A_1475 : memref<256x128xf32, #tpu.memory_space<hbm>>) dst(%arg5 : memref<256x128xf32, #tpu.memory_space<vmem>>)
    "tpu.region"() ({
      %run_scoped3A = tpu.sem_alloc : memref<!tpu.dma_semaphore, #tpu.memory_space<semaphore_mem>>
      %dma_start3A_1800 = arith.constant 0 : i32
      %dma_start3A_1801 = arith.constant 0 : i32
      %dma_start3A_1802 = tpu.memref_slice %arg5[%dma_start3A_1800, %dma_start3A_1801] : memref<256x128xf32, #tpu.memory_space<vmem>> -> memref<128x128xf32, #tpu.memory_space<vmem>>
      %dma_start3A_1803 = arith.constant 0 : i32
      %dma_start3A_1804 = arith.constant 0 : i32
      %dma_start3A_1805 = tpu.memref_slice %arg8[%dma_start3A_1803, %dma_start3A_1804] : memref<1280x128xf32, #tpu.memory_space<vmem_shared>> -> memref<1280x128xf32, #tpu.memory_space<vmem_shared>>
      tpu.enqueue_indirect_dma source(%dma_start3A_1802 : memref<128x128xf32, #tpu.memory_space<vmem>>) target(%dma_start3A_1805 : memref<1280x128xf32, #tpu.memory_space<vmem_shared>>) offsets(%arg7 : memref<128xi32, #tpu.memory_space<vmem>>) semaphore(%run_scoped3A : memref<!tpu.dma_semaphore, #tpu.memory_space<semaphore_mem>>) {add = true}
      %dma_wait3A_1806 = arith.constant 0 : i32
      %dma_wait3A_1807 = arith.constant 0 : i32
      %dma_wait3A_1808 = tpu.memref_slice %arg5[%dma_wait3A_1806, %dma_wait3A_1807] : memref<256x128xf32, #tpu.memory_space<vmem>> -> memref<128x128xf32, #tpu.memory_space<vmem>>
      %dma_wait3A_1809 = arith.constant 0 : i32
      %dma_wait3A_1810 = arith.constant 0 : i32
      %dma_wait3A_1811 = tpu.memref_slice %arg8[%dma_wait3A_1809, %dma_wait3A_1810] : memref<1280x128xf32, #tpu.memory_space<vmem_shared>> -> memref<1280x128xf32, #tpu.memory_space<vmem_shared>>
      tpu.wait_indirect_dma semaphore(%run_scoped3A : memref<!tpu.dma_semaphore, #tpu.memory_space<semaphore_mem>>) src(%dma_wait3A_1808 : memref<128x128xf32, #tpu.memory_space<vmem>>) dst(%dma_wait3A_1811 : memref<1280x128xf32, #tpu.memory_space<vmem_shared>>)
      tpu.yield
    }) : () -> ()
    %get3A_1476 = arith.constant 0 : index
    %get3A_1477 = tpu.vector_load %arg7[%get3A_1476] {strides = array<i32>} : memref<128xi32, #tpu.memory_space<vmem>>, vector<16xi32>,
    %get3A_1478 = vector.shape_cast %get3A_1477 : vector<16xi32> to vector<16xi32>
    %add3A_1479 = arith.constant 4 : i32
    %add3A_1480 = vector.broadcast %add3A_1479 : i32 to vector<16xi32>
    %add3A_1481 = arith.addi %get3A_1478, %add3A_1480 : vector<16xi32>
    %swap3A_1482 = arith.constant 0 : index
    %swap3A_1483 = tpu.vector_load %arg7[%swap3A_1482] {strides = array<i32>} : memref<128xi32, #tpu.memory_space<vmem>>, vector<16xi32>,
    %swap3A_1484 = vector.shape_cast %swap3A_1483 : vector<16xi32> to vector<16xi32>
    %swap3A_1485 = vector.shape_cast %add3A_1481 : vector<16xi32> to vector<16xi32>
    tpu.vector_store %arg7[%swap3A_1482], %swap3A_1485 {strides = array<i32>} : memref<128xi32, #tpu.memory_space<vmem>>, vector<16xi32>,
    %get3A_1486 = arith.constant 16 : index
    %get3A_1487 = tpu.vector_load %arg7[%get3A_1486] {strides = array<i32>} : memref<128xi32, #tpu.memory_space<vmem>>, vector<16xi32>,
    %get3A_1488 = vector.shape_cast %get3A_1487 : vector<16xi32> to vector<16xi32>
    %add3A_1489 = arith.constant 4 : i32
    %add3A_1490 = vector.broadcast %add3A_1489 : i32 to vector<16xi32>
    %add3A_1491 = arith.addi %get3A_1488, %add3A_1490 : vector<16xi32>
    %swap3A_1492 = arith.constant 16 : index
    %swap3A_1493 = tpu.vector_load %arg7[%swap3A_1492] {strides = array<i32>} : memref<128xi32, #tpu.memory_space<vmem>>, vector<16xi32>,
    %swap3A_1494 = vector.shape_cast %swap3A_1493 : vector<16xi32> to vector<16xi32>
    %swap3A_1495 = vector.shape_cast %add3A_1491 : vector<16xi32> to vector<16xi32>
    tpu.vector_store %arg7[%swap3A_1492], %swap3A_1495 {strides = array<i32>} : memref<128xi32, #tpu.memory_space<vmem>>, vector<16xi32>,
    %get3A_1496 = arith.constant 32 : index
    %get3A_1497 = tpu.vector_load %arg7[%get3A_1496] {strides = array<i32>} : memref<128xi32, #tpu.memory_space<vmem>>, vector<16xi32>,
    %get3A_1498 = vector.shape_cast %get3A_1497 : vector<16xi32> to vector<16xi32>
    %add3A_1499 = arith.constant 4 : i32
    %add3A_1500 = vector.broadcast %add3A_1499 : i32 to vector<16xi32>
    %add3A_1501 = arith.addi %get3A_1498, %add3A_1500 : vector<16xi32>
    %swap3A_1502 = arith.constant 32 : index
    %swap3A_1503 = tpu.vector_load %arg7[%swap3A_1502] {strides = array<i32>} : memref<128xi32, #tpu.memory_space<vmem>>, vector<16xi32>,
    %swap3A_1504 = vector.shape_cast %swap3A_1503 : vector<16xi32> to vector<16xi32>
    %swap3A_1505 = vector.shape_cast %add3A_1501 : vector<16xi32> to vector<16xi32>
    tpu.vector_store %arg7[%swap3A_1502], %swap3A_1505 {strides = array<i32>} : memref<128xi32, #tpu.memory_space<vmem>>, vector<16xi32>,
    %get3A_1506 = arith.constant 48 : index
    %get3A_1507 = tpu.vector_load %arg7[%get3A_1506] {strides = array<i32>} : memref<128xi32, #tpu.memory_space<vmem>>, vector<16xi32>,
    %get3A_1508 = vector.shape_cast %get3A_1507 : vector<16xi32> to vector<16xi32>
    %add3A_1509 = arith.constant 4 : i32
    %add3A_1510 = vector.broadcast %add3A_1509 : i32 to vector<16xi32>
    %add3A_1511 = arith.addi %get3A_1508, %add3A_1510 : vector<16xi32>
    %swap3A_1512 = arith.constant 48 : index
    %swap3A_1513 = tpu.vector_load %arg7[%swap3A_1512] {strides = array<i32>} : memref<128xi32, #tpu.memory_space<vmem>>, vector<16xi32>,
    %swap3A_1514 = vector.shape_cast %swap3A_1513 : vector<16xi32> to vector<16xi32>
    %swap3A_1515 = vector.shape_cast %add3A_1511 : vector<16xi32> to vector<16xi32>
    tpu.vector_store %arg7[%swap3A_1512], %swap3A_1515 {strides = array<i32>} : memref<128xi32, #tpu.memory_space<vmem>>, vector<16xi32>,
    %get3A_1516 = arith.constant 64 : index
    %get3A_1517 = tpu.vector_load %arg7[%get3A_1516] {strides = array<i32>} : memref<128xi32, #tpu.memory_space<vmem>>, vector<16xi32>,
    %get3A_1518 = vector.shape_cast %get3A_1517 : vector<16xi32> to vector<16xi32>
    %add3A_1519 = arith.constant 4 : i32
    %add3A_1520 = vector.broadcast %add3A_1519 : i32 to vector<16xi32>
    %add3A_1521 = arith.addi %get3A_1518, %add3A_1520 : vector<16xi32>
    %swap3A_1522 = arith.constant 64 : index
    %swap3A_1523 = tpu.vector_load %arg7[%swap3A_1522] {strides = array<i32>} : memref<128xi32, #tpu.memory_space<vmem>>, vector<16xi32>,
    %swap3A_1524 = vector.shape_cast %swap3A_1523 : vector<16xi32> to vector<16xi32>
    %swap3A_1525 = vector.shape_cast %add3A_1521 : vector<16xi32> to vector<16xi32>
    tpu.vector_store %arg7[%swap3A_1522], %swap3A_1525 {strides = array<i32>} : memref<128xi32, #tpu.memory_space<vmem>>, vector<16xi32>,
    %get3A_1526 = arith.constant 80 : index
    %get3A_1527 = tpu.vector_load %arg7[%get3A_1526] {strides = array<i32>} : memref<128xi32, #tpu.memory_space<vmem>>, vector<16xi32>,
    %get3A_1528 = vector.shape_cast %get3A_1527 : vector<16xi32> to vector<16xi32>
    %add3A_1529 = arith.constant 4 : i32
    %add3A_1530 = vector.broadcast %add3A_1529 : i32 to vector<16xi32>
    %add3A_1531 = arith.addi %get3A_1528, %add3A_1530 : vector<16xi32>
    %swap3A_1532 = arith.constant 80 : index
    %swap3A_1533 = tpu.vector_load %arg7[%swap3A_1532] {strides = array<i32>} : memref<128xi32, #tpu.memory_space<vmem>>, vector<16xi32>,
    %swap3A_1534 = vector.shape_cast %swap3A_1533 : vector<16xi32> to vector<16xi32>
    %swap3A_1535 = vector.shape_cast %add3A_1531 : vector<16xi32> to vector<16xi32>
    tpu.vector_store %arg7[%swap3A_1532], %swap3A_1535 {strides = array<i32>} : memref<128xi32, #tpu.memory_space<vmem>>, vector<16xi32>,
    %get3A_1536 = arith.constant 96 : index
    %get3A_1537 = tpu.vector_load %arg7[%get3A_1536] {strides = array<i32>} : memref<128xi32, #tpu.memory_space<vmem>>, vector<16xi32>,
    %get3A_1538 = vector.shape_cast %get3A_1537 : vector<16xi32> to vector<16xi32>
    %add3A_1539 = arith.constant 4 : i32
    %add3A_1540 = vector.broadcast %add3A_1539 : i32 to vector<16xi32>
    %add3A_1541 = arith.addi %get3A_1538, %add3A_1540 : vector<16xi32>
    %swap3A_1542 = arith.constant 96 : index
    %swap3A_1543 = tpu.vector_load %arg7[%swap3A_1542] {strides = array<i32>} : memref<128xi32, #tpu.memory_space<vmem>>, vector<16xi32>,
    %swap3A_1544 = vector.shape_cast %swap3A_1543 : vector<16xi32> to vector<16xi32>
    %swap3A_1545 = vector.shape_cast %add3A_1541 : vector<16xi32> to vector<16xi32>
    tpu.vector_store %arg7[%swap3A_1542], %swap3A_1545 {strides = array<i32>} : memref<128xi32, #tpu.memory_space<vmem>>, vector<16xi32>,
    %get3A_1546 = arith.constant 112 : index
    %get3A_1547 = tpu.vector_load %arg7[%get3A_1546] {strides = array<i32>} : memref<128xi32, #tpu.memory_space<vmem>>, vector<16xi32>,
    %get3A_1548 = vector.shape_cast %get3A_1547 : vector<16xi32> to vector<16xi32>
    %add3A_1549 = arith.constant 4 : i32
    %add3A_1550 = vector.broadcast %add3A_1549 : i32 to vector<16xi32>
    %add3A_1551 = arith.addi %get3A_1548, %add3A_1550 : vector<16xi32>
    %swap3A_1552 = arith.constant 112 : index
    %swap3A_1553 = tpu.vector_load %arg7[%swap3A_1552] {strides = array<i32>} : memref<128xi32, #tpu.memory_space<vmem>>, vector<16xi32>,
    %swap3A_1554 = vector.shape_cast %swap3A_1553 : vector<16xi32> to vector<16xi32>
    %swap3A_1555 = vector.shape_cast %add3A_1551 : vector<16xi32> to vector<16xi32>
    tpu.vector_store %arg7[%swap3A_1552], %swap3A_1555 {strides = array<i32>} : memref<128xi32, #tpu.memory_space<vmem>>, vector<16xi32>,
    "tpu.region"() ({
      %run_scoped3A = tpu.sem_alloc : memref<!tpu.dma_semaphore, #tpu.memory_space<semaphore_mem>>
      %dma_start3A_1800 = arith.constant 128 : i32
      %dma_start3A_1801 = arith.constant 0 : i32
      %dma_start3A_1802 = tpu.memref_slice %arg5[%dma_start3A_1800, %dma_start3A_1801] : memref<256x128xf32, #tpu.memory_space<vmem>> -> memref<128x128xf32, #tpu.memory_space<vmem>>
      %dma_start3A_1803 = arith.constant 0 : i32
      %dma_start3A_1804 = arith.constant 0 : i32
      %dma_start3A_1805 = tpu.memref_slice %arg8[%dma_start3A_1803, %dma_start3A_1804] : memref<1280x128xf32, #tpu.memory_space<vmem_shared>> -> memref<1280x128xf32, #tpu.memory_space<vmem_shared>>
      tpu.enqueue_indirect_dma source(%dma_start3A_1802 : memref<128x128xf32, #tpu.memory_space<vmem>>) target(%dma_start3A_1805 : memref<1280x128xf32, #tpu.memory_space<vmem_shared>>) offsets(%arg7 : memref<128xi32, #tpu.memory_space<vmem>>) semaphore(%run_scoped3A : memref<!tpu.dma_semaphore, #tpu.memory_space<semaphore_mem>>) {add = true}
      %dma_wait3A_1806 = arith.constant 128 : i32
      %dma_wait3A_1807 = arith.constant 0 : i32
      %dma_wait3A_1808 = tpu.memref_slice %arg5[%dma_wait3A_1806, %dma_wait3A_1807] : memref<256x128xf32, #tpu.memory_space<vmem>> -> memref<128x128xf32, #tpu.memory_space<vmem>>
      %dma_wait3A_1809 = arith.constant 0 : i32
      %dma_wait3A_1810 = arith.constant 0 : i32
      %dma_wait3A_1811 = tpu.memref_slice %arg8[%dma_wait3A_1809, %dma_wait3A_1810] : memref<1280x128xf32, #tpu.memory_space<vmem_shared>> -> memref<1280x128xf32, #tpu.memory_space<vmem_shared>>
      tpu.wait_indirect_dma semaphore(%run_scoped3A : memref<!tpu.dma_semaphore, #tpu.memory_space<semaphore_mem>>) src(%dma_wait3A_1808 : memref<128x128xf32, #tpu.memory_space<vmem>>) dst(%dma_wait3A_1811 : memref<1280x128xf32, #tpu.memory_space<vmem_shared>>)
      tpu.yield
    }) : () -> ()
    %get3A_1556 = arith.constant 0 : index
    %get3A_1557 = tpu.vector_load %arg7[%get3A_1556] {strides = array<i32>} : memref<128xi32, #tpu.memory_space<vmem>>, vector<16xi32>,
    %get3A_1558 = vector.shape_cast %get3A_1557 : vector<16xi32> to vector<16xi32>
    %add3A_1559 = arith.constant 4 : i32
    %add3A_1560 = vector.broadcast %add3A_1559 : i32 to vector<16xi32>
    %add3A_1561 = arith.addi %get3A_1558, %add3A_1560 : vector<16xi32>
    %swap3A_1562 = arith.constant 0 : index
    %swap3A_1563 = tpu.vector_load %arg7[%swap3A_1562] {strides = array<i32>} : memref<128xi32, #tpu.memory_space<vmem>>, vector<16xi32>,
    %swap3A_1564 = vector.shape_cast %swap3A_1563 : vector<16xi32> to vector<16xi32>
    %swap3A_1565 = vector.shape_cast %add3A_1561 : vector<16xi32> to vector<16xi32>
    tpu.vector_store %arg7[%swap3A_1562], %swap3A_1565 {strides = array<i32>} : memref<128xi32, #tpu.memory_space<vmem>>, vector<16xi32>,
    %get3A_1566 = arith.constant 16 : index
    %get3A_1567 = tpu.vector_load %arg7[%get3A_1566] {strides = array<i32>} : memref<128xi32, #tpu.memory_space<vmem>>, vector<16xi32>,
    %get3A_1568 = vector.shape_cast %get3A_1567 : vector<16xi32> to vector<16xi32>
    %add3A_1569 = arith.constant 4 : i32
    %add3A_1570 = vector.broadcast %add3A_1569 : i32 to vector<16xi32>
    %add3A_1571 = arith.addi %get3A_1568, %add3A_1570 : vector<16xi32>
    %swap3A_1572 = arith.constant 16 : index
    %swap3A_1573 = tpu.vector_load %arg7[%swap3A_1572] {strides = array<i32>} : memref<128xi32, #tpu.memory_space<vmem>>, vector<16xi32>,
    %swap3A_1574 = vector.shape_cast %swap3A_1573 : vector<16xi32> to vector<16xi32>
    %swap3A_1575 = vector.shape_cast %add3A_1571 : vector<16xi32> to vector<16xi32>
    tpu.vector_store %arg7[%swap3A_1572], %swap3A_1575 {strides = array<i32>} : memref<128xi32, #tpu.memory_space<vmem>>, vector<16xi32>,
    %get3A_1576 = arith.constant 32 : index
    %get3A_1577 = tpu.vector_load %arg7[%get3A_1576] {strides = array<i32>} : memref<128xi32, #tpu.memory_space<vmem>>, vector<16xi32>,
    %get3A_1578 = vector.shape_cast %get3A_1577 : vector<16xi32> to vector<16xi32>
    %add3A_1579 = arith.constant 4 : i32
    %add3A_1580 = vector.broadcast %add3A_1579 : i32 to vector<16xi32>
    %add3A_1581 = arith.addi %get3A_1578, %add3A_1580 : vector<16xi32>
    %swap3A_1582 = arith.constant 32 : index
    %swap3A_1583 = tpu.vector_load %arg7[%swap3A_1582] {strides = array<i32>} : memref<128xi32, #tpu.memory_space<vmem>>, vector<16xi32>,
    %swap3A_1584 = vector.shape_cast %swap3A_1583 : vector<16xi32> to vector<16xi32>
    %swap3A_1585 = vector.shape_cast %add3A_1581 : vector<16xi32> to vector<16xi32>
    tpu.vector_store %arg7[%swap3A_1582], %swap3A_1585 {strides = array<i32>} : memref<128xi32, #tpu.memory_space<vmem>>, vector<16xi32>,
    %get3A_1586 = arith.constant 48 : index
    %get3A_1587 = tpu.vector_load %arg7[%get3A_1586] {strides = array<i32>} : memref<128xi32, #tpu.memory_space<vmem>>, vector<16xi32>,
    %get3A_1588 = vector.shape_cast %get3A_1587 : vector<16xi32> to vector<16xi32>
    %add3A_1589 = arith.constant 4 : i32
    %add3A_1590 = vector.broadcast %add3A_1589 : i32 to vector<16xi32>
    %add3A_1591 = arith.addi %get3A_1588, %add3A_1590 : vector<16xi32>
    %swap3A_1592 = arith.constant 48 : index
    %swap3A_1593 = tpu.vector_load %arg7[%swap3A_1592] {strides = array<i32>} : memref<128xi32, #tpu.memory_space<vmem>>, vector<16xi32>,
    %swap3A_1594 = vector.shape_cast %swap3A_1593 : vector<16xi32> to vector<16xi32>
    %swap3A_1595 = vector.shape_cast %add3A_1591 : vector<16xi32> to vector<16xi32>
    tpu.vector_store %arg7[%swap3A_1592], %swap3A_1595 {strides = array<i32>} : memref<128xi32, #tpu.memory_space<vmem>>, vector<16xi32>,
    %get3A_1596 = arith.constant 64 : index
    %get3A_1597 = tpu.vector_load %arg7[%get3A_1596] {strides = array<i32>} : memref<128xi32, #tpu.memory_space<vmem>>, vector<16xi32>,
    %get3A_1598 = vector.shape_cast %get3A_1597 : vector<16xi32> to vector<16xi32>
    %add3A_1599 = arith.constant 4 : i32
    %add3A_1600 = vector.broadcast %add3A_1599 : i32 to vector<16xi32>
    %add3A_1601 = arith.addi %get3A_1598, %add3A_1600 : vector<16xi32>
    %swap3A_1602 = arith.constant 64 : index
    %swap3A_1603 = tpu.vector_load %arg7[%swap3A_1602] {strides = array<i32>} : memref<128xi32, #tpu.memory_space<vmem>>, vector<16xi32>,
    %swap3A_1604 = vector.shape_cast %swap3A_1603 : vector<16xi32> to vector<16xi32>
    %swap3A_1605 = vector.shape_cast %add3A_1601 : vector<16xi32> to vector<16xi32>
    tpu.vector_store %arg7[%swap3A_1602], %swap3A_1605 {strides = array<i32>} : memref<128xi32, #tpu.memory_space<vmem>>, vector<16xi32>,
    %get3A_1606 = arith.constant 80 : index
    %get3A_1607 = tpu.vector_load %arg7[%get3A_1606] {strides = array<i32>} : memref<128xi32, #tpu.memory_space<vmem>>, vector<16xi32>,
    %get3A_1608 = vector.shape_cast %get3A_1607 : vector<16xi32> to vector<16xi32>
    %add3A_1609 = arith.constant 4 : i32
    %add3A_1610 = vector.broadcast %add3A_1609 : i32 to vector<16xi32>
    %add3A_1611 = arith.addi %get3A_1608, %add3A_1610 : vector<16xi32>
    %swap3A_1612 = arith.constant 80 : index
    %swap3A_1613 = tpu.vector_load %arg7[%swap3A_1612] {strides = array<i32>} : memref<128xi32, #tpu.memory_space<vmem>>, vector<16xi32>,
    %swap3A_1614 = vector.shape_cast %swap3A_1613 : vector<16xi32> to vector<16xi32>
    %swap3A_1615 = vector.shape_cast %add3A_1611 : vector<16xi32> to vector<16xi32>
    tpu.vector_store %arg7[%swap3A_1612], %swap3A_1615 {strides = array<i32>} : memref<128xi32, #tpu.memory_space<vmem>>, vector<16xi32>,
    %get3A_1616 = arith.constant 96 : index
    %get3A_1617 = tpu.vector_load %arg7[%get3A_1616] {strides = array<i32>} : memref<128xi32, #tpu.memory_space<vmem>>, vector<16xi32>,
    %get3A_1618 = vector.shape_cast %get3A_1617 : vector<16xi32> to vector<16xi32>
    %add3A_1619 = arith.constant 4 : i32
    %add3A_1620 = vector.broadcast %add3A_1619 : i32 to vector<16xi32>
    %add3A_1621 = arith.addi %get3A_1618, %add3A_1620 : vector<16xi32>
    %swap3A_1622 = arith.constant 96 : index
    %swap3A_1623 = tpu.vector_load %arg7[%swap3A_1622] {strides = array<i32>} : memref<128xi32, #tpu.memory_space<vmem>>, vector<16xi32>,
    %swap3A_1624 = vector.shape_cast %swap3A_1623 : vector<16xi32> to vector<16xi32>
    %swap3A_1625 = vector.shape_cast %add3A_1621 : vector<16xi32> to vector<16xi32>
    tpu.vector_store %arg7[%swap3A_1622], %swap3A_1625 {strides = array<i32>} : memref<128xi32, #tpu.memory_space<vmem>>, vector<16xi32>,
    %get3A_1626 = arith.constant 112 : index
    %get3A_1627 = tpu.vector_load %arg7[%get3A_1626] {strides = array<i32>} : memref<128xi32, #tpu.memory_space<vmem>>, vector<16xi32>,
    %get3A_1628 = vector.shape_cast %get3A_1627 : vector<16xi32> to vector<16xi32>
    %add3A_1629 = arith.constant 4 : i32
    %add3A_1630 = vector.broadcast %add3A_1629 : i32 to vector<16xi32>
    %add3A_1631 = arith.addi %get3A_1628, %add3A_1630 : vector<16xi32>
    %swap3A_1632 = arith.constant 112 : index
    %swap3A_1633 = tpu.vector_load %arg7[%swap3A_1632] {strides = array<i32>} : memref<128xi32, #tpu.memory_space<vmem>>, vector<16xi32>,
    %swap3A_1634 = vector.shape_cast %swap3A_1633 : vector<16xi32> to vector<16xi32>
    %swap3A_1635 = vector.shape_cast %add3A_1631 : vector<16xi32> to vector<16xi32>
    tpu.vector_store %arg7[%swap3A_1632], %swap3A_1635 {strides = array<i32>} : memref<128xi32, #tpu.memory_space<vmem>>, vector<16xi32>,
    %dma_wait3A_1636 = arith.constant 0 : i32
    %dma_wait3A_1637 = tpu.memref_slice %arg2[%add3A_1467, %dma_wait3A_1636] : memref<320000x128xf32, #tpu.memory_space<hbm>> -> memref<256x128xf32, #tpu.memory_space<hbm>>
    %dma_wait3A_1638 = arith.constant 0 : i32
    %dma_wait3A_1639 = tpu.memref_slice %arg2[%add3A_1467, %dma_wait3A_1638] : memref<320000x128xf32, #tpu.memory_space<hbm>> -> memref<256x128xf32, #tpu.memory_space<hbm>>
    tpu.wait_dma2 semaphore(%arg10 : memref<!tpu.dma_semaphore, #tpu.memory_space<semaphore_mem>>) src(%dma_wait3A_1639 : memref<256x128xf32, #tpu.memory_space<hbm>>) dst(%arg6 : memref<256x128xf32, #tpu.memory_space<vmem>>)
    "tpu.region"() ({
      %run_scoped3A = tpu.sem_alloc : memref<!tpu.dma_semaphore, #tpu.memory_space<semaphore_mem>>
      %dma_start3A_1800 = arith.constant 0 : i32
      %dma_start3A_1801 = arith.constant 0 : i32
      %dma_start3A_1802 = tpu.memref_slice %arg6[%dma_start3A_1800, %dma_start3A_1801] : memref<256x128xf32, #tpu.memory_space<vmem>> -> memref<128x128xf32, #tpu.memory_space<vmem>>
      %dma_start3A_1803 = arith.constant 0 : i32
      %dma_start3A_1804 = arith.constant 0 : i32
      %dma_start3A_1805 = tpu.memref_slice %arg8[%dma_start3A_1803, %dma_start3A_1804] : memref<1280x128xf32, #tpu.memory_space<vmem_shared>> -> memref<1280x128xf32, #tpu.memory_space<vmem_shared>>
      tpu.enqueue_indirect_dma source(%dma_start3A_1802 : memref<128x128xf32, #tpu.memory_space<vmem>>) target(%dma_start3A_1805 : memref<1280x128xf32, #tpu.memory_space<vmem_shared>>) offsets(%arg7 : memref<128xi32, #tpu.memory_space<vmem>>) semaphore(%run_scoped3A : memref<!tpu.dma_semaphore, #tpu.memory_space<semaphore_mem>>) {add = true}
      %dma_wait3A_1806 = arith.constant 0 : i32
      %dma_wait3A_1807 = arith.constant 0 : i32
      %dma_wait3A_1808 = tpu.memref_slice %arg6[%dma_wait3A_1806, %dma_wait3A_1807] : memref<256x128xf32, #tpu.memory_space<vmem>> -> memref<128x128xf32, #tpu.memory_space<vmem>>
      %dma_wait3A_1809 = arith.constant 0 : i32
      %dma_wait3A_1810 = arith.constant 0 : i32
      %dma_wait3A_1811 = tpu.memref_slice %arg8[%dma_wait3A_1809, %dma_wait3A_1810] : memref<1280x128xf32, #tpu.memory_space<vmem_shared>> -> memref<1280x128xf32, #tpu.memory_space<vmem_shared>>
      tpu.wait_indirect_dma semaphore(%run_scoped3A : memref<!tpu.dma_semaphore, #tpu.memory_space<semaphore_mem>>) src(%dma_wait3A_1808 : memref<128x128xf32, #tpu.memory_space<vmem>>) dst(%dma_wait3A_1811 : memref<1280x128xf32, #tpu.memory_space<vmem_shared>>)
      tpu.yield
    }) : () -> ()
    %get3A_1640 = arith.constant 0 : index
    %get3A_1641 = tpu.vector_load %arg7[%get3A_1640] {strides = array<i32>} : memref<128xi32, #tpu.memory_space<vmem>>, vector<16xi32>,
    %get3A_1642 = vector.shape_cast %get3A_1641 : vector<16xi32> to vector<16xi32>
    %add3A_1643 = arith.constant 4 : i32
    %add3A_1644 = vector.broadcast %add3A_1643 : i32 to vector<16xi32>
    %add3A_1645 = arith.addi %get3A_1642, %add3A_1644 : vector<16xi32>
    %swap3A_1646 = arith.constant 0 : index
    %swap3A_1647 = tpu.vector_load %arg7[%swap3A_1646] {strides = array<i32>} : memref<128xi32, #tpu.memory_space<vmem>>, vector<16xi32>,
    %swap3A_1648 = vector.shape_cast %swap3A_1647 : vector<16xi32> to vector<16xi32>
    %swap3A_1649 = vector.shape_cast %add3A_1645 : vector<16xi32> to vector<16xi32>
    tpu.vector_store %arg7[%swap3A_1646], %swap3A_1649 {strides = array<i32>} : memref<128xi32, #tpu.memory_space<vmem>>, vector<16xi32>,
    %get3A_1650 = arith.constant 16 : index
    %get3A_1651 = tpu.vector_load %arg7[%get3A_1650] {strides = array<i32>} : memref<128xi32, #tpu.memory_space<vmem>>, vector<16xi32>,
    %get3A_1652 = vector.shape_cast %get3A_1651 : vector<16xi32> to vector<16xi32>
    %add3A_1653 = arith.constant 4 : i32
    %add3A_1654 = vector.broadcast %add3A_1653 : i32 to vector<16xi32>
    %add3A_1655 = arith.addi %get3A_1652, %add3A_1654 : vector<16xi32>
    %swap3A_1656 = arith.constant 16 : index
    %swap3A_1657 = tpu.vector_load %arg7[%swap3A_1656] {strides = array<i32>} : memref<128xi32, #tpu.memory_space<vmem>>, vector<16xi32>,
    %swap3A_1658 = vector.shape_cast %swap3A_1657 : vector<16xi32> to vector<16xi32>
    %swap3A_1659 = vector.shape_cast %add3A_1655 : vector<16xi32> to vector<16xi32>
    tpu.vector_store %arg7[%swap3A_1656], %swap3A_1659 {strides = array<i32>} : memref<128xi32, #tpu.memory_space<vmem>>, vector<16xi32>,
    %get3A_1660 = arith.constant 32 : index
    %get3A_1661 = tpu.vector_load %arg7[%get3A_1660] {strides = array<i32>} : memref<128xi32, #tpu.memory_space<vmem>>, vector<16xi32>,
    %get3A_1662 = vector.shape_cast %get3A_1661 : vector<16xi32> to vector<16xi32>
    %add3A_1663 = arith.constant 4 : i32
    %add3A_1664 = vector.broadcast %add3A_1663 : i32 to vector<16xi32>
    %add3A_1665 = arith.addi %get3A_1662, %add3A_1664 : vector<16xi32>
    %swap3A_1666 = arith.constant 32 : index
    %swap3A_1667 = tpu.vector_load %arg7[%swap3A_1666] {strides = array<i32>} : memref<128xi32, #tpu.memory_space<vmem>>, vector<16xi32>,
    %swap3A_1668 = vector.shape_cast %swap3A_1667 : vector<16xi32> to vector<16xi32>
    %swap3A_1669 = vector.shape_cast %add3A_1665 : vector<16xi32> to vector<16xi32>
    tpu.vector_store %arg7[%swap3A_1666], %swap3A_1669 {strides = array<i32>} : memref<128xi32, #tpu.memory_space<vmem>>, vector<16xi32>,
    %get3A_1670 = arith.constant 48 : index
    %get3A_1671 = tpu.vector_load %arg7[%get3A_1670] {strides = array<i32>} : memref<128xi32, #tpu.memory_space<vmem>>, vector<16xi32>,
    %get3A_1672 = vector.shape_cast %get3A_1671 : vector<16xi32> to vector<16xi32>
    %add3A_1673 = arith.constant 4 : i32
    %add3A_1674 = vector.broadcast %add3A_1673 : i32 to vector<16xi32>
    %add3A_1675 = arith.addi %get3A_1672, %add3A_1674 : vector<16xi32>
    %swap3A_1676 = arith.constant 48 : index
    %swap3A_1677 = tpu.vector_load %arg7[%swap3A_1676] {strides = array<i32>} : memref<128xi32, #tpu.memory_space<vmem>>, vector<16xi32>,
    %swap3A_1678 = vector.shape_cast %swap3A_1677 : vector<16xi32> to vector<16xi32>
    %swap3A_1679 = vector.shape_cast %add3A_1675 : vector<16xi32> to vector<16xi32>
    tpu.vector_store %arg7[%swap3A_1676], %swap3A_1679 {strides = array<i32>} : memref<128xi32, #tpu.memory_space<vmem>>, vector<16xi32>,
    %get3A_1680 = arith.constant 64 : index
    %get3A_1681 = tpu.vector_load %arg7[%get3A_1680] {strides = array<i32>} : memref<128xi32, #tpu.memory_space<vmem>>, vector<16xi32>,
    %get3A_1682 = vector.shape_cast %get3A_1681 : vector<16xi32> to vector<16xi32>
    %add3A_1683 = arith.constant 4 : i32
    %add3A_1684 = vector.broadcast %add3A_1683 : i32 to vector<16xi32>
    %add3A_1685 = arith.addi %get3A_1682, %add3A_1684 : vector<16xi32>
    %swap3A_1686 = arith.constant 64 : index
    %swap3A_1687 = tpu.vector_load %arg7[%swap3A_1686] {strides = array<i32>} : memref<128xi32, #tpu.memory_space<vmem>>, vector<16xi32>,
    %swap3A_1688 = vector.shape_cast %swap3A_1687 : vector<16xi32> to vector<16xi32>
    %swap3A_1689 = vector.shape_cast %add3A_1685 : vector<16xi32> to vector<16xi32>
    tpu.vector_store %arg7[%swap3A_1686], %swap3A_1689 {strides = array<i32>} : memref<128xi32, #tpu.memory_space<vmem>>, vector<16xi32>,
    %get3A_1690 = arith.constant 80 : index
    %get3A_1691 = tpu.vector_load %arg7[%get3A_1690] {strides = array<i32>} : memref<128xi32, #tpu.memory_space<vmem>>, vector<16xi32>,
    %get3A_1692 = vector.shape_cast %get3A_1691 : vector<16xi32> to vector<16xi32>
    %add3A_1693 = arith.constant 4 : i32
    %add3A_1694 = vector.broadcast %add3A_1693 : i32 to vector<16xi32>
    %add3A_1695 = arith.addi %get3A_1692, %add3A_1694 : vector<16xi32>
    %swap3A_1696 = arith.constant 80 : index
    %swap3A_1697 = tpu.vector_load %arg7[%swap3A_1696] {strides = array<i32>} : memref<128xi32, #tpu.memory_space<vmem>>, vector<16xi32>,
    %swap3A_1698 = vector.shape_cast %swap3A_1697 : vector<16xi32> to vector<16xi32>
    %swap3A_1699 = vector.shape_cast %add3A_1695 : vector<16xi32> to vector<16xi32>
    tpu.vector_store %arg7[%swap3A_1696], %swap3A_1699 {strides = array<i32>} : memref<128xi32, #tpu.memory_space<vmem>>, vector<16xi32>,
    %get3A_1700 = arith.constant 96 : index
    %get3A_1701 = tpu.vector_load %arg7[%get3A_1700] {strides = array<i32>} : memref<128xi32, #tpu.memory_space<vmem>>, vector<16xi32>,
    %get3A_1702 = vector.shape_cast %get3A_1701 : vector<16xi32> to vector<16xi32>
    %add3A_1703 = arith.constant 4 : i32
    %add3A_1704 = vector.broadcast %add3A_1703 : i32 to vector<16xi32>
    %add3A_1705 = arith.addi %get3A_1702, %add3A_1704 : vector<16xi32>
    %swap3A_1706 = arith.constant 96 : index
    %swap3A_1707 = tpu.vector_load %arg7[%swap3A_1706] {strides = array<i32>} : memref<128xi32, #tpu.memory_space<vmem>>, vector<16xi32>,
    %swap3A_1708 = vector.shape_cast %swap3A_1707 : vector<16xi32> to vector<16xi32>
    %swap3A_1709 = vector.shape_cast %add3A_1705 : vector<16xi32> to vector<16xi32>
    tpu.vector_store %arg7[%swap3A_1706], %swap3A_1709 {strides = array<i32>} : memref<128xi32, #tpu.memory_space<vmem>>, vector<16xi32>,
    %get3A_1710 = arith.constant 112 : index
    %get3A_1711 = tpu.vector_load %arg7[%get3A_1710] {strides = array<i32>} : memref<128xi32, #tpu.memory_space<vmem>>, vector<16xi32>,
    %get3A_1712 = vector.shape_cast %get3A_1711 : vector<16xi32> to vector<16xi32>
    %add3A_1713 = arith.constant 4 : i32
    %add3A_1714 = vector.broadcast %add3A_1713 : i32 to vector<16xi32>
    %add3A_1715 = arith.addi %get3A_1712, %add3A_1714 : vector<16xi32>
    %swap3A_1716 = arith.constant 112 : index
    %swap3A_1717 = tpu.vector_load %arg7[%swap3A_1716] {strides = array<i32>} : memref<128xi32, #tpu.memory_space<vmem>>, vector<16xi32>,
    %swap3A_1718 = vector.shape_cast %swap3A_1717 : vector<16xi32> to vector<16xi32>
    %swap3A_1719 = vector.shape_cast %add3A_1715 : vector<16xi32> to vector<16xi32>
    tpu.vector_store %arg7[%swap3A_1716], %swap3A_1719 {strides = array<i32>} : memref<128xi32, #tpu.memory_space<vmem>>, vector<16xi32>,
    "tpu.region"() ({
      %run_scoped3A = tpu.sem_alloc : memref<!tpu.dma_semaphore, #tpu.memory_space<semaphore_mem>>
      %dma_start3A_1800 = arith.constant 128 : i32
      %dma_start3A_1801 = arith.constant 0 : i32
      %dma_start3A_1802 = tpu.memref_slice %arg6[%dma_start3A_1800, %dma_start3A_1801] : memref<256x128xf32, #tpu.memory_space<vmem>> -> memref<128x128xf32, #tpu.memory_space<vmem>>
      %dma_start3A_1803 = arith.constant 0 : i32
      %dma_start3A_1804 = arith.constant 0 : i32
      %dma_start3A_1805 = tpu.memref_slice %arg8[%dma_start3A_1803, %dma_start3A_1804] : memref<1280x128xf32, #tpu.memory_space<vmem_shared>> -> memref<1280x128xf32, #tpu.memory_space<vmem_shared>>
      tpu.enqueue_indirect_dma source(%dma_start3A_1802 : memref<128x128xf32, #tpu.memory_space<vmem>>) target(%dma_start3A_1805 : memref<1280x128xf32, #tpu.memory_space<vmem_shared>>) offsets(%arg7 : memref<128xi32, #tpu.memory_space<vmem>>) semaphore(%run_scoped3A : memref<!tpu.dma_semaphore, #tpu.memory_space<semaphore_mem>>) {add = true}
      %dma_wait3A_1806 = arith.constant 128 : i32
      %dma_wait3A_1807 = arith.constant 0 : i32
      %dma_wait3A_1808 = tpu.memref_slice %arg6[%dma_wait3A_1806, %dma_wait3A_1807] : memref<256x128xf32, #tpu.memory_space<vmem>> -> memref<128x128xf32, #tpu.memory_space<vmem>>
      %dma_wait3A_1809 = arith.constant 0 : i32
      %dma_wait3A_1810 = arith.constant 0 : i32
      %dma_wait3A_1811 = tpu.memref_slice %arg8[%dma_wait3A_1809, %dma_wait3A_1810] : memref<1280x128xf32, #tpu.memory_space<vmem_shared>> -> memref<1280x128xf32, #tpu.memory_space<vmem_shared>>
      tpu.wait_indirect_dma semaphore(%run_scoped3A : memref<!tpu.dma_semaphore, #tpu.memory_space<semaphore_mem>>) src(%dma_wait3A_1808 : memref<128x128xf32, #tpu.memory_space<vmem>>) dst(%dma_wait3A_1811 : memref<1280x128xf32, #tpu.memory_space<vmem_shared>>)
      tpu.yield
    }) : () -> ()
    %get3A_1720 = arith.constant 0 : index
    %get3A_1721 = tpu.vector_load %arg7[%get3A_1720] {strides = array<i32>} : memref<128xi32, #tpu.memory_space<vmem>>, vector<16xi32>,
    %get3A_1722 = vector.shape_cast %get3A_1721 : vector<16xi32> to vector<16xi32>
    %add3A_1723 = arith.constant 4 : i32
    %add3A_1724 = vector.broadcast %add3A_1723 : i32 to vector<16xi32>
    %add3A_1725 = arith.addi %get3A_1722, %add3A_1724 : vector<16xi32>
    %swap3A_1726 = arith.constant 0 : index
    %swap3A_1727 = tpu.vector_load %arg7[%swap3A_1726] {strides = array<i32>} : memref<128xi32, #tpu.memory_space<vmem>>, vector<16xi32>,
    %swap3A_1728 = vector.shape_cast %swap3A_1727 : vector<16xi32> to vector<16xi32>
    %swap3A_1729 = vector.shape_cast %add3A_1725 : vector<16xi32> to vector<16xi32>
    tpu.vector_store %arg7[%swap3A_1726], %swap3A_1729 {strides = array<i32>} : memref<128xi32, #tpu.memory_space<vmem>>, vector<16xi32>,
    %get3A_1730 = arith.constant 16 : index
    %get3A_1731 = tpu.vector_load %arg7[%get3A_1730] {strides = array<i32>} : memref<128xi32, #tpu.memory_space<vmem>>, vector<16xi32>,
    %get3A_1732 = vector.shape_cast %get3A_1731 : vector<16xi32> to vector<16xi32>
    %add3A_1733 = arith.constant 4 : i32
    %add3A_1734 = vector.broadcast %add3A_1733 : i32 to vector<16xi32>
    %add3A_1735 = arith.addi %get3A_1732, %add3A_1734 : vector<16xi32>
    %swap3A_1736 = arith.constant 16 : index
    %swap3A_1737 = tpu.vector_load %arg7[%swap3A_1736] {strides = array<i32>} : memref<128xi32, #tpu.memory_space<vmem>>, vector<16xi32>,
    %swap3A_1738 = vector.shape_cast %swap3A_1737 : vector<16xi32> to vector<16xi32>
    %swap3A_1739 = vector.shape_cast %add3A_1735 : vector<16xi32> to vector<16xi32>
    tpu.vector_store %arg7[%swap3A_1736], %swap3A_1739 {strides = array<i32>} : memref<128xi32, #tpu.memory_space<vmem>>, vector<16xi32>,
    %get3A_1740 = arith.constant 32 : index
    %get3A_1741 = tpu.vector_load %arg7[%get3A_1740] {strides = array<i32>} : memref<128xi32, #tpu.memory_space<vmem>>, vector<16xi32>,
    %get3A_1742 = vector.shape_cast %get3A_1741 : vector<16xi32> to vector<16xi32>
    %add3A_1743 = arith.constant 4 : i32
    %add3A_1744 = vector.broadcast %add3A_1743 : i32 to vector<16xi32>
    %add3A_1745 = arith.addi %get3A_1742, %add3A_1744 : vector<16xi32>
    %swap3A_1746 = arith.constant 32 : index
    %swap3A_1747 = tpu.vector_load %arg7[%swap3A_1746] {strides = array<i32>} : memref<128xi32, #tpu.memory_space<vmem>>, vector<16xi32>,
    %swap3A_1748 = vector.shape_cast %swap3A_1747 : vector<16xi32> to vector<16xi32>
    %swap3A_1749 = vector.shape_cast %add3A_1745 : vector<16xi32> to vector<16xi32>
    tpu.vector_store %arg7[%swap3A_1746], %swap3A_1749 {strides = array<i32>} : memref<128xi32, #tpu.memory_space<vmem>>, vector<16xi32>,
    %get3A_1750 = arith.constant 48 : index
    %get3A_1751 = tpu.vector_load %arg7[%get3A_1750] {strides = array<i32>} : memref<128xi32, #tpu.memory_space<vmem>>, vector<16xi32>,
    %get3A_1752 = vector.shape_cast %get3A_1751 : vector<16xi32> to vector<16xi32>
    %add3A_1753 = arith.constant 4 : i32
    %add3A_1754 = vector.broadcast %add3A_1753 : i32 to vector<16xi32>
    %add3A_1755 = arith.addi %get3A_1752, %add3A_1754 : vector<16xi32>
    %swap3A_1756 = arith.constant 48 : index
    %swap3A_1757 = tpu.vector_load %arg7[%swap3A_1756] {strides = array<i32>} : memref<128xi32, #tpu.memory_space<vmem>>, vector<16xi32>,
    %swap3A_1758 = vector.shape_cast %swap3A_1757 : vector<16xi32> to vector<16xi32>
    %swap3A_1759 = vector.shape_cast %add3A_1755 : vector<16xi32> to vector<16xi32>
    tpu.vector_store %arg7[%swap3A_1756], %swap3A_1759 {strides = array<i32>} : memref<128xi32, #tpu.memory_space<vmem>>, vector<16xi32>,
    %get3A_1760 = arith.constant 64 : index
    %get3A_1761 = tpu.vector_load %arg7[%get3A_1760] {strides = array<i32>} : memref<128xi32, #tpu.memory_space<vmem>>, vector<16xi32>,
    %get3A_1762 = vector.shape_cast %get3A_1761 : vector<16xi32> to vector<16xi32>
    %add3A_1763 = arith.constant 4 : i32
    %add3A_1764 = vector.broadcast %add3A_1763 : i32 to vector<16xi32>
    %add3A_1765 = arith.addi %get3A_1762, %add3A_1764 : vector<16xi32>
    %swap3A_1766 = arith.constant 64 : index
    %swap3A_1767 = tpu.vector_load %arg7[%swap3A_1766] {strides = array<i32>} : memref<128xi32, #tpu.memory_space<vmem>>, vector<16xi32>,
    %swap3A_1768 = vector.shape_cast %swap3A_1767 : vector<16xi32> to vector<16xi32>
    %swap3A_1769 = vector.shape_cast %add3A_1765 : vector<16xi32> to vector<16xi32>
    tpu.vector_store %arg7[%swap3A_1766], %swap3A_1769 {strides = array<i32>} : memref<128xi32, #tpu.memory_space<vmem>>, vector<16xi32>,
    %get3A_1770 = arith.constant 80 : index
    %get3A_1771 = tpu.vector_load %arg7[%get3A_1770] {strides = array<i32>} : memref<128xi32, #tpu.memory_space<vmem>>, vector<16xi32>,
    %get3A_1772 = vector.shape_cast %get3A_1771 : vector<16xi32> to vector<16xi32>
    %add3A_1773 = arith.constant 4 : i32
    %add3A_1774 = vector.broadcast %add3A_1773 : i32 to vector<16xi32>
    %add3A_1775 = arith.addi %get3A_1772, %add3A_1774 : vector<16xi32>
    %swap3A_1776 = arith.constant 80 : index
    %swap3A_1777 = tpu.vector_load %arg7[%swap3A_1776] {strides = array<i32>} : memref<128xi32, #tpu.memory_space<vmem>>, vector<16xi32>,
    %swap3A_1778 = vector.shape_cast %swap3A_1777 : vector<16xi32> to vector<16xi32>
    %swap3A_1779 = vector.shape_cast %add3A_1775 : vector<16xi32> to vector<16xi32>
    tpu.vector_store %arg7[%swap3A_1776], %swap3A_1779 {strides = array<i32>} : memref<128xi32, #tpu.memory_space<vmem>>, vector<16xi32>,
    %get3A_1780 = arith.constant 96 : index
    %get3A_1781 = tpu.vector_load %arg7[%get3A_1780] {strides = array<i32>} : memref<128xi32, #tpu.memory_space<vmem>>, vector<16xi32>,
    %get3A_1782 = vector.shape_cast %get3A_1781 : vector<16xi32> to vector<16xi32>
    %add3A_1783 = arith.constant 4 : i32
    %add3A_1784 = vector.broadcast %add3A_1783 : i32 to vector<16xi32>
    %add3A_1785 = arith.addi %get3A_1782, %add3A_1784 : vector<16xi32>
    %swap3A_1786 = arith.constant 96 : index
    %swap3A_1787 = tpu.vector_load %arg7[%swap3A_1786] {strides = array<i32>} : memref<128xi32, #tpu.memory_space<vmem>>, vector<16xi32>,
    %swap3A_1788 = vector.shape_cast %swap3A_1787 : vector<16xi32> to vector<16xi32>
    %swap3A_1789 = vector.shape_cast %add3A_1785 : vector<16xi32> to vector<16xi32>
    tpu.vector_store %arg7[%swap3A_1786], %swap3A_1789 {strides = array<i32>} : memref<128xi32, #tpu.memory_space<vmem>>, vector<16xi32>,
    %get3A_1790 = arith.constant 112 : index
    %get3A_1791 = tpu.vector_load %arg7[%get3A_1790] {strides = array<i32>} : memref<128xi32, #tpu.memory_space<vmem>>, vector<16xi32>,
    %get3A_1792 = vector.shape_cast %get3A_1791 : vector<16xi32> to vector<16xi32>
    %add3A_1793 = arith.constant 4 : i32
    %add3A_1794 = vector.broadcast %add3A_1793 : i32 to vector<16xi32>
    %add3A_1795 = arith.addi %get3A_1792, %add3A_1794 : vector<16xi32>
    %swap3A_1796 = arith.constant 112 : index
    %swap3A_1797 = tpu.vector_load %arg7[%swap3A_1796] {strides = array<i32>} : memref<128xi32, #tpu.memory_space<vmem>>, vector<16xi32>,
    %swap3A_1798 = vector.shape_cast %swap3A_1797 : vector<16xi32> to vector<16xi32>
    %swap3A_1799 = vector.shape_cast %add3A_1795 : vector<16xi32> to vector<16xi32>
    tpu.vector_store %arg7[%swap3A_1796], %swap3A_1799 {strides = array<i32>} : memref<128xi32, #tpu.memory_space<vmem>>, vector<16xi32>,
    "tpu.region"() ({
      %run_scoped3A = tpu.sem_alloc : memref<!tpu.dma_semaphore, #tpu.memory_space<semaphore_mem>>
      %dma_start3A_1800 = arith.constant 0 : i32
      %dma_start3A_1801 = tpu.memref_slice %arg4[%add3A, %dma_start3A_1800] : memref<2560x128xf32, #tpu.memory_space<hbm>> -> memref<80x128xf32, #tpu.memory_space<hbm>>
      %dma_start3A_1802 = arith.constant 0 : i32
      %dma_start3A_1803 = tpu.memref_slice %arg8[%mul3A_0, %dma_start3A_1802] : memref<1280x128xf32, #tpu.memory_space<vmem_shared>> -> memref<80x128xf32, #tpu.memory_space<vmem_shared>>
      tpu.enqueue_dma source(%dma_start3A_1803 : memref<80x128xf32, #tpu.memory_space<vmem_shared>>) target(%dma_start3A_1801 : memref<80x128xf32, #tpu.memory_space<hbm>>) target_semaphore(%run_scoped3A : memref<!tpu.dma_semaphore, #tpu.memory_space<semaphore_mem>>)
      %dma_wait3A_1804 = arith.constant 0 : i32
      %dma_wait3A_1805 = tpu.memref_slice %arg4[%add3A, %dma_wait3A_1804] : memref<2560x128xf32, #tpu.memory_space<hbm>> -> memref<80x128xf32, #tpu.memory_space<hbm>>
      %dma_wait3A_1806 = arith.constant 0 : i32
      %dma_wait3A_1807 = tpu.memref_slice %arg8[%mul3A_0, %dma_wait3A_1806] : memref<1280x128xf32, #tpu.memory_space<vmem_shared>> -> memref<80x128xf32, #tpu.memory_space<vmem_shared>>
      tpu.wait_dma2 semaphore(%run_scoped3A : memref<!tpu.dma_semaphore, #tpu.memory_space<semaphore_mem>>) src(%dma_wait3A_1807 : memref<80x128xf32, #tpu.memory_space<vmem_shared>>) dst(%dma_wait3A_1805 : memref<80x128xf32, #tpu.memory_space<hbm>>)
      tpu.yield
    }) : () -> ()
    return
  }
}

module attributes {stable_mosaic.version = 14 : i64} {
  func.func @_tc_tail_body(%arg0: i32, %arg1: memref<10000x128xf32, #tpu.memory_space<hbm>>, %arg2: memref<2560x128xf32, #tpu.memory_space<vmem>>, %arg3: memref<256x128xf32, #tpu.memory_space<vmem>>, %arg4: memref<1x128xf32, #tpu.memory_space<vmem>>, %arg5: memref<2560x128xf32, #tpu.memory_space<vmem>>, %arg6: memref<2560x128xf32, #tpu.memory_space<vmem>>, %arg7: memref<!tpu.dma_semaphore, #tpu.memory_space<semaphore_mem>>) attributes {dimension_semantics = [#tpu.dimension_semantics<arbitrary>], iteration_bounds = array<i64: 1>, scalar_prefetch = 0 : i64, scratch_operands = 2 : i64, tpu.core_type = #tpu.core_type<tc>, window_params = [{}, {pipeline_mode = #tpu.pipeline_mode<synchronous>, transform_indices = @transform_1, window_bounds = array<i64: 2560, 128>}, {pipeline_mode = #tpu.pipeline_mode<synchronous>, transform_indices = @transform_2, window_bounds = array<i64: 256, 128>}, {pipeline_mode = #tpu.pipeline_mode<synchronous>, transform_indices = @transform_3, window_bounds = array<i64: 1, 128>}, {pipeline_mode = #tpu.pipeline_mode<synchronous>, transform_indices = @transform_4, window_bounds = array<i64: 2560, 128>}]} {
    %dma_start3A = arith.constant 7440 : i32
    %dma_start3A_0 = arith.constant 0 : i32
    %dma_start3A_1 = tpu.memref_slice %arg1[%dma_start3A, %dma_start3A_0] : memref<10000x128xf32, #tpu.memory_space<hbm>> -> memref<2560x128xf32, #tpu.memory_space<hbm>>
    tpu.enqueue_dma source(%dma_start3A_1 : memref<2560x128xf32, #tpu.memory_space<hbm>>) target(%arg6 : memref<2560x128xf32, #tpu.memory_space<vmem>>) target_semaphore(%arg7 : memref<!tpu.dma_semaphore, #tpu.memory_space<semaphore_mem>>)
    %dma_wait3A = arith.constant 7440 : i32
    %dma_wait3A_2 = arith.constant 0 : i32
    %dma_wait3A_3 = tpu.memref_slice %arg1[%dma_wait3A, %dma_wait3A_2] : memref<10000x128xf32, #tpu.memory_space<hbm>> -> memref<2560x128xf32, #tpu.memory_space<hbm>>
    tpu.wait_dma2 semaphore(%arg7 : memref<!tpu.dma_semaphore, #tpu.memory_space<semaphore_mem>>) src(%dma_wait3A_3 : memref<2560x128xf32, #tpu.memory_space<hbm>>) dst(%arg6 : memref<2560x128xf32, #tpu.memory_space<vmem>>)
    %get3A = arith.constant 0 : index
    %get3A_4 = arith.constant 0 : index
    %get3A_5 = vector.load %arg2[%get3A, %get3A_4] : memref<2560x128xf32, #tpu.memory_space<vmem>>, vector<2560x128xf32>
    %mul3A = arith.constant 3.125000e-02 : f32
    %mul3A_6 = vector.broadcast %mul3A : f32 to vector<2560x128xf32>
    %mul3A_7 = arith.mulf %get3A_5, %mul3A_6 : vector<2560x128xf32>
    %get3A_8 = arith.constant 0 : index
    %get3A_9 = arith.constant 0 : index
    %get3A_10 = vector.load %arg6[%get3A_8, %get3A_9] : memref<2560x128xf32, #tpu.memory_space<vmem>>, vector<2560x128xf32>
    %concatenate3A = tpu.concatenate %get3A_10, %mul3A_7 in 1 : vector<2560x128xf32>, vector<2560x128xf32> -> vector<2560x256xf32>
    %get3A_11 = arith.constant 0 : index
    %get3A_12 = arith.constant 0 : index
    %get3A_13 = vector.load %arg3[%get3A_11, %get3A_12] : memref<256x128xf32, #tpu.memory_space<vmem>>, vector<256x128xf32>
    %dot_general3A = arith.constant dense<0.000000e+00> : vector<2560x128xf32>
    %dot_general3A_14 = tpu.matmul %concatenate3A, %get3A_13, %dot_general3A {dimension_numbers = #tpu.dot_dimension_numbers<[1], [0], [0], [1], [0, 0, 1, 1], [], []>, transpose_lhs_hint = false} : vector<2560x256xf32>, vector<256x128xf32>, vector<2560x128xf32> -> vector<2560x128xf32>
    %get3A_15 = arith.constant 0 : index
    %get3A_16 = arith.constant 0 : index
    %get3A_17 = vector.load %arg4[%get3A_15, %get3A_16] : memref<1x128xf32, #tpu.memory_space<vmem>>, vector<1x128xf32>
    %add3A = vector.broadcast %get3A_17 : vector<1x128xf32> to vector<2560x128xf32>
    %add3A_18 = arith.addf %dot_general3A_14, %add3A : vector<2560x128xf32>
    %max3A = arith.constant 0.000000e+00 : f32
    %max3A_19 = vector.broadcast %max3A : f32 to vector<2560x128xf32>
    %max3A_20 = arith.maximumf %add3A_18, %max3A_19 : vector<2560x128xf32>
    %swap3A = arith.constant 0 : index
    %swap3A_21 = arith.constant 0 : index
    %swap3A_22 = vector.load %arg5[%swap3A, %swap3A_21] : memref<2560x128xf32, #tpu.memory_space<vmem>>, vector<2560x128xf32>
    tpu.vector_store %arg5[%swap3A, %swap3A_21], %max3A_20 {strides = array<i32>} : memref<2560x128xf32, #tpu.memory_space<vmem>>, vector<2560x128xf32>,
    return
  }
  func.func @transform_1(%arg0: i32) -> (i32, i32) {
    %c0_i32 = arith.constant 0 : i32
    %c0_i32_0 = arith.constant 0 : i32
    %c0_i32_1 = arith.constant 0 : i32
    return %c0_i32, %c0_i32_0 : i32, i32
  }
  func.func @transform_2(%arg0: i32) -> (i32, i32) {
    %c0_i32 = arith.constant 0 : i32
    %c0_i32_0 = arith.constant 0 : i32
    %c0_i32_1 = arith.constant 0 : i32
    return %c0_i32, %c0_i32_0 : i32, i32
  }
  func.func @transform_3(%arg0: i32) -> (i32, i32) {
    %c0_i32 = arith.constant 0 : i32
    %c0_i32_0 = arith.constant 0 : i32
    %c0_i32_1 = arith.constant 0 : i32
    return %c0_i32, %c0_i32_0 : i32, i32
  }
  func.func @transform_4(%arg0: i32) -> (i32, i32) {
    %c0_i32 = arith.constant 0 : i32
    %c0_i32_0 = arith.constant 0 : i32
    %c0_i32_1 = arith.constant 0 : i32
    return %c0_i32, %c0_i32_0 : i32, i32
  }
}

module attributes {stable_mosaic.version = 14 : i64} {
  func.func @_tc_main_body(%arg0: i32, %arg1: memref<496x128xf32, #tpu.memory_space<vmem>>, %arg2: memref<496x32x128xf32, #tpu.memory_space<vmem>>, %arg3: memref<256x128xf32, #tpu.memory_space<vmem>>, %arg4: memref<1x128xf32, #tpu.memory_space<vmem>>, %arg5: memref<496x128xf32, #tpu.memory_space<vmem>>) attributes {dimension_semantics = [#tpu.dimension_semantics<parallel>], iteration_bounds = array<i64: 15>, scalar_prefetch = 0 : i64, scratch_operands = 0 : i64, tpu.core_type = #tpu.core_type<tc>, window_params = [{transform_indices = @transform_0, window_bounds = array<i64: 496, 128>}, {transform_indices = @transform_1, window_bounds = array<i64: 496, 32, 128>}, {pipeline_mode = #tpu.pipeline_mode<synchronous>, transform_indices = @transform_2, window_bounds = array<i64: 256, 128>}, {pipeline_mode = #tpu.pipeline_mode<synchronous>, transform_indices = @transform_3, window_bounds = array<i64: 1, 128>}, {transform_indices = @transform_4, window_bounds = array<i64: 496, 128>}]} {
    %get3A = arith.constant 0 : index
    %get3A_0 = arith.constant 0 : index
    %get3A_1 = arith.constant 0 : index
    %get3A_2 = vector.load %arg2[%get3A, %get3A_0, %get3A_1] : memref<496x32x128xf32, #tpu.memory_space<vmem>>, vector<496x32x128xf32>
    %reduce_sum3A = arith.constant dense<0.000000e+00> : vector<496x128xf32>
    %reduce_sum3A_3 = vector.multi_reduction <add>, %get3A_2, %reduce_sum3A [1] : vector<496x32x128xf32> to vector<496x128xf32>
    %div3A = arith.constant 3.200000e+01 : f32
    %div3A_4 = vector.broadcast %div3A : f32 to vector<496x128xf32>
    %div3A_5 = arith.divf %reduce_sum3A_3, %div3A_4 : vector<496x128xf32>
    %get3A_6 = arith.constant 0 : index
    %get3A_7 = arith.constant 0 : index
    %get3A_8 = vector.load %arg1[%get3A_6, %get3A_7] : memref<496x128xf32, #tpu.memory_space<vmem>>, vector<496x128xf32>
    %concatenate3A = tpu.concatenate %get3A_8, %div3A_5 in 1 : vector<496x128xf32>, vector<496x128xf32> -> vector<496x256xf32>
    %get3A_9 = arith.constant 0 : index
    %get3A_10 = arith.constant 0 : index
    %get3A_11 = vector.load %arg3[%get3A_9, %get3A_10] : memref<256x128xf32, #tpu.memory_space<vmem>>, vector<256x128xf32>
    %dot_general3A = arith.constant dense<0.000000e+00> : vector<496x128xf32>
    %dot_general3A_12 = tpu.matmul %concatenate3A, %get3A_11, %dot_general3A {dimension_numbers = #tpu.dot_dimension_numbers<[1], [0], [0], [1], [0, 0, 1, 1], [], []>, transpose_lhs_hint = false} : vector<496x256xf32>, vector<256x128xf32>, vector<496x128xf32> -> vector<496x128xf32>
    %get3A_13 = arith.constant 0 : index
    %get3A_14 = arith.constant 0 : index
    %get3A_15 = vector.load %arg4[%get3A_13, %get3A_14] : memref<1x128xf32, #tpu.memory_space<vmem>>, vector<1x128xf32>
    %add3A = vector.broadcast %get3A_15 : vector<1x128xf32> to vector<496x128xf32>
    %add3A_16 = arith.addf %dot_general3A_12, %add3A : vector<496x128xf32>
    %max3A = arith.constant 0.000000e+00 : f32
    %max3A_17 = vector.broadcast %max3A : f32 to vector<496x128xf32>
    %max3A_18 = arith.maximumf %add3A_16, %max3A_17 : vector<496x128xf32>
    %swap3A = arith.constant 0 : index
    %swap3A_19 = arith.constant 0 : index
    %swap3A_20 = vector.load %arg5[%swap3A, %swap3A_19] : memref<496x128xf32, #tpu.memory_space<vmem>>, vector<496x128xf32>
    tpu.vector_store %arg5[%swap3A, %swap3A_19], %max3A_18 {strides = array<i32>} : memref<496x128xf32, #tpu.memory_space<vmem>>, vector<496x128xf32>,
    return
  }
  func.func @transform_0(%arg0: i32) -> (i32, i32) {
    %c0_i32 = arith.constant 0 : i32
    %c0_i32_0 = arith.constant 0 : i32
    return %arg0, %c0_i32 : i32, i32
  }
  func.func @transform_1(%arg0: i32) -> (i32, i32, i32) {
    %c0_i32 = arith.constant 0 : i32
    %c0_i32_0 = arith.constant 0 : i32
    %c0_i32_1 = arith.constant 0 : i32
    return %arg0, %c0_i32, %c0_i32_0 : i32, i32, i32
  }
  func.func @transform_2(%arg0: i32) -> (i32, i32) {
    %c0_i32 = arith.constant 0 : i32
    %c0_i32_0 = arith.constant 0 : i32
    %c0_i32_1 = arith.constant 0 : i32
    return %c0_i32, %c0_i32_0 : i32, i32
  }
  func.func @transform_3(%arg0: i32) -> (i32, i32) {
    %c0_i32 = arith.constant 0 : i32
    %c0_i32_0 = arith.constant 0 : i32
    %c0_i32_1 = arith.constant 0 : i32
    return %c0_i32, %c0_i32_0 : i32, i32
  }
  func.func @transform_4(%arg0: i32) -> (i32, i32) {
    %c0_i32 = arith.constant 0 : i32
    %c0_i32_0 = arith.constant 0 : i32
    return %arg0, %c0_i32 : i32, i32
  }
}

</mosaic_0001>

<sc_bundles>
// kernel: kernel.6.cloned.1.call-start
scs
__scs_entry_jumppad:
0x0: {  	(pc) =	sbr.rel $0x88, $3  }
0x1: {  	(tag) =	ssettag $0x0;
	lr =	simm.s32 $0x1  }
0x2: {  	[smem:$0x3F9D] =	sst lr;
	_ =	strace $0xD0000000  }
0x3: {  	_ = 	snop  }
0x4: {  	_ = 	snop  }
0x5: {  	_ = 	snop  }
0x6: {  	_ = 	snop  }
0x7: {  	_ = 	snop  }
__scs_overlays_trampoline_lowered:
0x8: {  	[smem:$0x3FAC] =	sst s0  }
0x9: {  	[smem:$0x3FAD] =	sst s1  }
0xa: {  	[smem:$0x3FAE] =	sst s2  }
0xb: {  	[smem:$0x3FAF] =	sst s3  }
0xc: {  	[smem:$0x3FB0] =	sst s4  }
0xd: {  	[smem:$0x3FB1] =	sst s5  }
0xe: {  	[smem:$0x3FB2] =	sst s6  }
0xf: {  	[smem:$0x3FB3] =	sst s7  }
0x10: {  	[smem:$0x3FB4] =	sst s8  }
0x11: {  	[smem:$0x3FB5] =	sst s9;
	s0 =	simm.s32 @!p0 $0x0  }
0x12: {  	s1 =	sld [smem:$0x3F9B];
	s0 =	simm.s32 @p0 $0x1  }
0x13: {  	[smem:$0x3FB6] =	sst s0;
	s0 =	simm.s32 @!p1 $0x0  }
0x14: {  	s2 =	sld [smem:$0x3F9A];
	s0 =	simm.s32 @p1 $0x1  }
0x15: {  	[smem:$0x3FB7] =	sst s0;
	s0 =	simm.s32 @!p2 $0x0  }
0x16: {  	s3 =	sld [smem:$0x3FDB];
	s0 =	simm.s32 @p2 $0x1  }
0x17: {  	s4 =	simm.s32 $0x1BF5;
	[smem:$0x3FB9] =	sst s0  }
0x18: {  	s0 =	sld [smem:$0x3F9C];
	_ =	swait.ge [sflag:s4], $0x0  }
0x19: {  	s7 =	sld [smem:$0x3F9D]  }
0x1a: {  	s8 =	sadd.s32 $0xFFFFE003, lr  }
0x1b: {  	s9 =	sadd.s32 $0xFFFFFEF7, lr;
	s5 =	simm.s32 $0xFFFFFFFF;
	p2 =	slt.u32 s8, $0xFFFFF086  }
0x1c: {  	p1 =	slt.u32 s9, $0xF7A;
	s5 =	simm.s32 @!p2 $0x0  }
0x1d: {  	s5 =	simm.s32 @p1 $0x1;
	p0 =	seq.s32 s7, s2  }
0x1e: {  	s7 =	smul.u32 @!p0 $0xF7A, s2;
	p2 =	seq.s32 @!p0 s5, $0x0  }
0x1f: {  	s9 =	smul.u32 $0xF7A, s1;
	s8 =	simm.s32 @!p0 $0x1BF5;
	p2 =	por !p2, p0  }
0x20: {  	[sflag:s8] =	ssyncset.s32 @!p0 $0xFFFFF086;
	s6 =	sadd.s32 @!p0 s3, s7;
	s7 =	simm.s32 @!p0 $0x108  }
0x21: {  	s3 =	sadd.s32 s3, s9;
	s6 =	sadd.s32 @!p0 $0x88, s6;
	s7 =	simm.s32 @p2 $0x1082  }
0x22: {  	[simem:s7], [sflag:s8] =	dma.local @!p0 [hbm:s6], $0xF7A  }
0x23: {  	s9 =	sor.u32 $0xD0000000, s2;
	s6 =	simm.s32 $0x108;
	_ =	swait.ge @!p0 [sflag:s8], $0x0  }
0x24: {  	s3 =	sadd.s32 $0x88, s3;
	s6 =	simm.s32 @!p1 $0x1082;
	[sflag:s4] =	ssyncset.s32 $0xFFFFF086  }
0x25: {  	[simem:s6], [sflag:s4] =	dma.local [hbm:s3], $0xF7A  }
0x26: {  	[smem:$0x3F9D] =	sst s1;
	(tag) =	ssettag s2;
	_ =	strace s9  }
0x27: {  	s1 =	sld [smem:$0x3FAD]  }
0x28: {  	s2 =	sld [smem:$0x3FAE]  }
0x29: {  	s4 =	sld [smem:$0x3FB0]  }
0x2a: {  	p0 =	seq.s32 s5, $0x0;
	s5 =	sld [smem:$0x3FB1]  }
0x2b: {  	s6 =	sld [smem:$0x3FB2]  }
0x2c: {  	s7 =	sld [smem:$0x3FB3]  }
0x2d: {  	s3 =	simm.s32 $0x108;
	s8 =	sld [smem:$0x3FB4]  }
0x2e: {  	s3 =	simm.s32 @!p0 $0x1082;
	s9 =	sld [smem:$0x3FB5]  }
0x2f: {  	lr =	sadd.s32 s0, s3;
	s0 =	sld [smem:$0x3FAC]  }
0x30: {  	s3 =	sld [smem:$0x3FAF]  }
0x31: {  	[smem:$0x3FB8] =	sst s10  }
0x32: {  	s10 =	sld [smem:$0x3FB6];
	_ =	sdelay $0x3  }
0x33: {  	p0 =	seq.s32 s10, $0x1;
	s10 =	sld [smem:$0x3FB8];
	_ =	sdelay $0x3  }
0x34: {  	[smem:$0x3FB8] =	sst s10  }
0x35: {  	s10 =	sld [smem:$0x3FB7];
	_ =	sdelay $0x3  }
0x36: {  	p1 =	seq.s32 s10, $0x1;
	s10 =	sld [smem:$0x3FB8];
	_ =	sdelay $0x3  }
0x37: {  	[smem:$0x3FB8] =	sst s10  }
0x38: {  	s10 =	sld [smem:$0x3FB9]  }
0x39: {  	_ = 	snop;
	(pc) =	sbr.ind lr, $3  }
0x3a: {  	_ = 	snop  }
0x3b: {  	_ = 	snop  }
0x3c: {  	p2 =	seq.s32 s10, $0x1;
	s10 =	sld [smem:$0x3FB8]  }
0x3d: {  	_ =	shalt  }
0x3e: {  	_ =	shalt  }
0x3f: {  	_ =	shalt  }
0x40: {  	_ =	shalt  }
0x41: {  	_ =	shalt  }
0x42: {  	_ =	shalt  }
0x43: {  	_ =	shalt  }
0x44: {  	_ =	shalt  }
0x45: {  	_ =	shalt  }
0x46: {  	_ =	shalt  }
0x47: {  	_ =	shalt  }
0x48: {  	_ =	shalt  }
0x49: {  	_ =	shalt  }
0x4a: {  	_ =	shalt  }
0x4b: {  	_ =	shalt  }
0x4c: {  	_ =	shalt  }
0x4d: {  	_ =	shalt  }
0x4e: {  	_ =	shalt  }
0x4f: {  	_ =	shalt  }
0x50: {  	_ =	shalt  }
0x51: {  	_ =	shalt  }
0x52: {  	_ =	shalt  }
0x53: {  	_ =	shalt  }
0x54: {  	_ =	shalt  }
0x55: {  	_ =	shalt  }
0x56: {  	_ =	shalt  }
0x57: {  	_ =	shalt  }
0x58: {  	_ =	shalt  }
0x59: {  	_ =	shalt  }
0x5a: {  	_ =	shalt  }
0x5b: {  	_ =	shalt  }
0x5c: {  	_ =	shalt  }
0x5d: {  	_ =	shalt  }
0x5e: {  	_ =	shalt  }
0x5f: {  	_ =	shalt  }
0x60: {  	_ =	shalt  }
0x61: {  	_ =	shalt  }
0x62: {  	_ =	shalt  }
0x63: {  	_ =	shalt  }
0x64: {  	_ =	shalt  }
0x65: {  	_ =	shalt  }
0x66: {  	_ =	shalt  }
0x67: {  	_ =	shalt  }
0x68: {  	_ =	shalt  }
0x69: {  	_ =	shalt  }
0x6a: {  	_ =	shalt  }
0x6b: {  	_ =	shalt  }
0x6c: {  	_ =	shalt  }
0x6d: {  	_ =	shalt  }
0x6e: {  	_ =	shalt  }
0x6f: {  	_ =	shalt  }
0x70: {  	_ =	shalt  }
0x71: {  	_ =	shalt  }
0x72: {  	_ =	shalt  }
0x73: {  	_ =	shalt  }
0x74: {  	_ =	shalt  }
0x75: {  	_ =	shalt  }
0x76: {  	_ =	shalt  }
0x77: {  	_ =	shalt  }
0x78: {  	_ =	shalt  }
0x79: {  	_ =	shalt  }
0x7a: {  	_ =	shalt  }
0x7b: {  	_ =	shalt  }
0x7c: {  	_ =	shalt  }
0x7d: {  	_ =	shalt  }
0x7e: {  	_ =	shalt  }
0x7f: {  	_ =	shalt  }
0x80: {  	_ =	shalt  }
0x81: {  	_ =	shalt  }
0x82: {  	_ =	shalt  }
0x83: {  	_ =	shalt  }
0x84: {  	_ =	shalt  }
0x85: {  	_ =	shalt  }
0x86: {  	_ =	shalt  }
0x87: {  	_ =	shalt  }
.Lfunc_end0:
.L_simem_size_0:
called_computation_lowered:
.L_overlay_start_0:
0x88: {  	s2 =	sld [smem:$0x3FD9]  }
0x89: {  	s3 =	sld [smem:$0x3FFE];
	_ =	sdelay $0x1  }
0x8a: {  	s1 =	srdreg.scid  }
0x8b: {  	s0 =	sand.u32 $0x1, s1  }
0x8c: {  	s17 =	sshll.u32 s0, $0xA;
	s2 =	sadd.s32 s3, s2  }
0x8d: {  	s2 =	sadd.s32 s2, s17  }
0x8e: {  	[smem:$0x3FC4] =	sst s2  }
0x8f: {  	_ = 	snop  }
0x90: {  	s2 =	sld [smem:$0x3FC8]  }
0x91: {  	s18 =	sld [smem:$0x3FD0];
	(tm) =	ssettm $0x1  }
0x92: {  	s4 =	sld [smem:$0x3FFB];
	_ =	sdelay $0x3  }
0x93: {  	_ =	strace s4  }
0x94: {  	s4 =	sld [smem:$0x3FFC];
	_ =	sdelay $0x3  }
0x95: {  	_ =	strace s4  }
0x96: {  	s4 =	sld [smem:$0x3FFD];
	_ =	sdelay $0x3  }
0x97: {  	_ =	strace s4  }
0x98: {  	_ =	strace $0x8FFFFFFF  }
0x99: {  	s19 =	sld [smem:$0x3FDB];
	_ =	sdelay $0x1  }
0x9a: {  	s5 =	simm.s32 $_scs_section_size  }
0x9b: {  	s6 =	simm.s32 $_size__tile_overlayer_lowered;
	s7 =	simm.s32 $_tile_overlayer_lowered  }
0x9c: {  	s22 =	simm.s32 $0x1BFF;
	s21 =	sshll.u32 s7, $0x1;
	s4 =	sadd.s32 s5, s19  }
0x9d: {  	s8 =	simm.s32 $0x0;
	s20 =	sshll.u32 s6, $0x1;
	s6 =	sadd.s32 s21, s4  }
0x9e: {  	[timem:s8], [sflag:s22] =	dma.local [hbm:s6], s20  }
0x9f: {  	_ =	swait.ge [sflag:s22], s20  }
0xa0: {  	s5 =	ssub.s32 $0x0, s20;
	[sflag:s22] =	ssyncset.done $0x0  }
0xa1: {  	[sflag:s22] =	ssyncadd.s32 s5;
	_ =	sdelay $0x1  }
0xa2: {  	s23 =	simm.s32 $0x1B8B  }
0xa3: {  	_ =	swait.ge [sflag:s23], $0x1  }
0xa4: {  	[sflag:s23] =	ssyncset.done $0x0  }
0xa5: {  	s25 =	simm.s32 $0x1B8E;
	s24 =	sld [smem:$0x3FFE];
	[sflag:s23] =	ssyncadd.s32 $0xFFFFFFFF  }
0xa6: {  	s26 =	simm.s32 $execute0_lowered;
	[smem:$0x3FD2] =	sst s25  }
0xa7: {  	s6 =	sshll.u32 s26, $0x1;
	_ =	strace $0x80000046;
	[dreg:$0x1] =	wrdreg $0xFFFFFFFF  }
0xa8: {  	s28 =	simm.s32 $_size_execute0_lowered;
	s4 =	sadd.s32 s4, s6;
	[dreg:$0x0] =	wrdreg $0x0  }
0xa9: {  	s6 =	sshll.u32 s28, $0x1;
	[dreg:$0x2] =	wrdreg s4  }
0xaa: {  	[dreg:$0x3] =	wrdreg s6  }
0xab: {  	[dreg:$0x4] =	wrdreg $0xC0  }
0xac: {  	_ =	task [dreg:s8], $0x5FFFF  }
0xad: {  	[dreg:$0x1] =	wrdreg $0xFFFFFFFF  }
0xae: {  	[dreg:$0x0] =	wrdreg $0x60  }
0xaf: {  	[dreg:$0x2] =	wrdreg s2  }
0xb0: {  	[dreg:$0x3] =	wrdreg s24  }
0xb1: {  	[dreg:$0x4] =	wrdreg s18  }
0xb2: {  	[dreg:$0x5] =	wrdreg $0x100800  }
0xb3: {  	[dreg:$0x6] =	wrdreg $0x9  }
0xb4: {  	_ =	task.clear_ibuf [dreg:s8], $0x7FFFF;
	_ =	strace $0x90000046  }
0xb5: {  	s29 =	simm.s32 $0x9;
	_ =	strace $0x80000048  }
0xb6: {  	_ =	swait.ge [sflag:s29], $0x1  }
0xb7: {  	[sflag:s29] =	ssyncadd.s32 $0xFFFFFFFF  }
0xb8: {  	_ =	strace $0x90000048  }
0xb9: {  	_ =	sfence  }
0xba: {  	s30 =	sld [smem:$0x0];
	_ =	sdelay $0x2  }
0xbb: {  	s31 =	sshll.u32 s1, $0xD;
	s1 =	sshrl.u32 s1, $0x2  }
0xbc: {  	s3 =	sand.u32 $0x4000, s31;
	s1 =	sadd.s32 s1, s30  }
0xbd: {  	s0 =	sor.u32 s3, s0;
	s1 =	sshll.u32 s1, $0x11  }
0xbe: {  	s0 =	sor.u32 s1, s0  }
0xbf: {  	s0 =	sadd.s32 $0x8F2B, s0  }
0xc0: {  	[sflag:s0] =	ssyncadd.remote.s32 $0x1  }
0xc1: {  	_ =	sfence.sel $0xFFFF  }
0xc2: {  	[dreg:$0x0] =	wrdreg $0xFFFFFFFF;
	(pc) =	sbr.abs _section_cstart, $3  }
0xc3: {  	[dreg:$0x1] =	wrdreg $0xFFFFFFFF  }
0xc4: {  	_ =	task.clear_ibuf [dreg:s8], $0x2FFFF;
	_ =	strace $0x9FFFFFFF  }
0xc5: {  	(tm) =	ssettm $0x7FFFFFFF  }
tec
execute0_lowered:
.L_overlay_start_1:
0x0: {  	(tag) =	ssettag $0x1  }
0x1: {  	s4 =	rddreg [dreg:$0x0]  }
0x2: {  	s5 =	rddreg [dreg:$0x1]  }
0x3: {  	s16 =	rddreg [dreg:$0x2]  }
0x4: {  	s2 =	rddreg [dreg:$0x3]  }
0x5: {  	s0 =	rddreg [dreg:$0x4]  }
0x6: {  	s1 =	stileid.u32;
	s7 =	srdreg.scid  }
0x7: {  	s3 =	simm.s32 $0x0;
	s22 =	simm.s32 $0x80;
	s23 =	simm.s32 $0x10000  }
0x8: {  	s24 =	simm.s32 $0x4000;
	s25 =	simm.s32 $0x2;
	s6 =	smul.u32 $0x500, s1  }
0x9: {  	s26 =	simm.s32 $0xC000;
	s7 =	sand.u32 $0x1, s7;
	s21 =	smul.u32 $0x50, s1  }
0xa: {  	[smem:$0x7FF] =	sst s3;
	s9 =	smul.u32 $0xA000, s1;
	s31 =	sshll.u32 s1, $0x6  }
0xb: {  	s8 =	smul.u32 $0x500, s7;
	_ =	strace $0x80000047;
	s7 =	ssub.s32 $0x2, s7  }
0xc: {  	s5 =	sadd.s32 s6, s5;
	s28 =	sshrl.u32 s7, $0x1;
	s29 =	sshrl.u32 s9, $0x2  }
0xd: {  	s15 =	sadd.s32 s21, s8;
	s17 =	ssub.s32 s7, s28;
	s18 =	sadd.s32 s29, s2  }
0xe: {  	v0 =	vmov s21;
	s21 =	simm.s32 $0x1;
	s30 =	sshll.u32 s15, $0x9;
	s20 =	sshll.u32 s15, $0x4  }
0xf: {  	s17 =	smax.u32 s17, $0x1;
	s18 =	sshrl.u32 s18, $0x3;
	s19 =	sadd.s32 s4, s30  }
0x10: {  	s4 =	sadd.s32 $0xC00, s5;
	s5 =	sor.u32 $0x1C03, s31;
	s16 =	sadd.s32 s16, s20  }
0x11: {  	s20 =	simm.s32 $0x8000;
	s6 =	sadd.s32 $0x3A2000, s19;
	s7 =	sadd.s32 $0x3A3000, s19  }
0x12: {  	s8 =	sadd.s32 $0x3A4000, s19;
	s9 =	sadd.s32 $0x3A5000, s19;
	s10 =	sadd.s32 $0x3A6000, s19  }
0x13: {  	s11 =	sadd.s32 $0x3A7000, s19;
	s12 =	sadd.s32 $0x3A8000, s19;
	s13 =	sadd.s32 $0x3A9000, s19  }
0x14: {  	v1 =	vor.u32 $0x1, v0;
	v2 =	vor.u32 $0x2, v0;
	v3 =	vor.u32 $0x3, v0;
	s14 =	sadd.s32 $0x3AA000, s19;
	s15 =	sadd.s32 $0x3AB000, s19;
	s19 =	simm.s32 $0x3  }
.LBB2_1:
0x15: {  	[spmem:s18], [sflag:s5] =	dma.local [hbm:s4], $0x500  }
0x16: {  	_ =	swait.ge [sflag:s19], $0x500  }
0x17: {  	[sflag:s19] =	ssyncset.done $0x0  }
0x18: {  	[sflag:s19] =	ssyncadd.s32 $0xFFFFFB00  }
0x19: {  	[tilespmem:$0x10000] =	vst v0  }
0x1a: {  	[tilespmem:$0x10010] =	vst v0  }
0x1b: {  	[tilespmem:$0x10020] =	vst v1  }
0x1c: {  	[tilespmem:$0x10030] =	vst v1  }
0x1d: {  	[tilespmem:$0x10040] =	vst v2  }
0x1e: {  	[tilespmem:$0x10050] =	vst v2  }
0x1f: {  	[tilespmem:$0x10060] =	vst v3  }
0x20: {  	[tilespmem:$0x10070] =	vst v3  }
0x21: {  	[tilespmem:s3], [sflag:$0x1] =	stream.linear.gather [hbm4b:s6+s3], $0x8000, $0x38;
	[tilespmem:$0x12880] =	vst v63  }
0x22: {  	_ = 	snop  }
0x23: {  	[tilespmem:s20], [sflag:$0x2] =	stream.linear.gather [hbm4b:s7+s3], $0x8000, $0x38;
	[tilespmem:$0x12880] =	vst v63  }
0x24: {  	_ =	swait.ge [sflag:s21], $0x8000  }
0x25: {  	[sflag:s21] =	ssyncset.done $0x0  }
0x26: {  	[sflag:s21] =	ssyncadd.s32 $0xFFFF8000  }
0x27: {  	[spmem:s2] =	stream.indirect.scatter.add.f32 [tilespmem:s3], [sflag:$0x3], $0x80, s23, s22, $0xb8;
	[tilespmem:$0x12880] =	vst v63  }
0x28: {  	_ =	swait.ge [sflag:s19], $0x4000  }
0x29: {  	[sflag:s19] =	ssyncset.done $0x0  }
0x2a: {  	[sflag:s19] =	ssyncadd.s32 $0xFFFFC000  }
0x2b: {  	v4 =	vld [tilespmem:$0x10000]  }
0x2c: {  	v5 =	vld [tilespmem:$0x10010]  }
0x2d: {  	v6 =	vld [tilespmem:$0x10020]  }
0x2e: {  	v7 =	vld [tilespmem:$0x10030]  }
0x2f: {  	v8 =	vld [tilespmem:$0x10040]  }
0x30: {  	v9 =	vld [tilespmem:$0x10050];
	v4 =	vadd.s32 $0x4, v4  }
0x31: {  	[tilespmem:$0x10000] =	vst v4;
	v4 =	vadd.s32 $0x4, v5;
	v5 =	vld [tilespmem:$0x10060]  }
0x32: {  	v20 =	vld [tilespmem:$0x10070];
	[tilespmem:$0x10010] =	vst v4;
	v4 =	vadd.s32 $0x4, v6  }
0x33: {  	[tilespmem:$0x10020] =	vst v4;
	v4 =	vadd.s32 $0x4, v7  }
0x34: {  	[tilespmem:$0x10030] =	vst v4;
	v4 =	vadd.s32 $0x4, v8  }
0x35: {  	[tilespmem:$0x10040] =	vst v4;
	v4 =	vadd.s32 $0x4, v9  }
0x36: {  	[tilespmem:$0x10050] =	vst v4;
	v4 =	vadd.s32 $0x4, v5  }
0x37: {  	[tilespmem:$0x10060] =	vst v4;
	v4 =	vadd.s32 $0x4, v20  }
0x38: {  	[tilespmem:$0x10070] =	vst v4  }
0x39: {  	[spmem:s2] =	stream.indirect.scatter.add.f32 [tilespmem:s24], [sflag:$0x3], $0x80, s23, s22, $0xb8;
	[tilespmem:$0x12880] =	vst v63  }
0x3a: {  	_ =	swait.ge [sflag:s19], $0x4000  }
0x3b: {  	[sflag:s19] =	ssyncset.done $0x0  }
0x3c: {  	[sflag:s19] =	ssyncadd.s32 $0xFFFFC000  }
0x3d: {  	v4 =	vld [tilespmem:$0x10000]  }
0x3e: {  	v5 =	vld [tilespmem:$0x10010]  }
0x3f: {  	v21 =	vld [tilespmem:$0x10020]  }
0x40: {  	v22 =	vld [tilespmem:$0x10030]  }
0x41: {  	v23 =	vld [tilespmem:$0x10040]  }
0x42: {  	v24 =	vld [tilespmem:$0x10050];
	v4 =	vadd.s32 $0x4, v4  }
0x43: {  	[tilespmem:$0x10000] =	vst v4;
	v4 =	vadd.s32 $0x4, v5;
	v5 =	vld [tilespmem:$0x10060]  }
0x44: {  	v25 =	vld [tilespmem:$0x10070];
	[tilespmem:$0x10010] =	vst v4;
	v4 =	vadd.s32 $0x4, v21  }
0x45: {  	[tilespmem:$0x10020] =	vst v4;
	v4 =	vadd.s32 $0x4, v22  }
0x46: {  	[tilespmem:$0x10030] =	vst v4;
	v4 =	vadd.s32 $0x4, v23  }
0x47: {  	[tilespmem:$0x10040] =	vst v4;
	v4 =	vadd.s32 $0x4, v24  }
0x48: {  	[tilespmem:$0x10050] =	vst v4;
	v4 =	vadd.s32 $0x4, v5  }
0x49: {  	[tilespmem:$0x10060] =	vst v4;
	v4 =	vadd.s32 $0x4, v25  }
0x4a: {  	[tilespmem:$0x10070] =	vst v4  }
0x4b: {  	[tilespmem:s3], [sflag:$0x1] =	stream.linear.gather [hbm4b:s8+s3], $0x8000, $0x38;
	[tilespmem:$0x12880] =	vst v63  }
0x4c: {  	_ =	swait.ge [sflag:s25], $0x8000  }
0x4d: {  	[sflag:s25] =	ssyncset.done $0x0  }
0x4e: {  	[sflag:s25] =	ssyncadd.s32 $0xFFFF8000  }
0x4f: {  	[spmem:s2] =	stream.indirect.scatter.add.f32 [tilespmem:s20], [sflag:$0x3], $0x80, s23, s22, $0xb8;
	[tilespmem:$0x12880] =	vst v63  }
0x50: {  	_ =	swait.ge [sflag:s19], $0x4000  }
0x51: {  	[sflag:s19] =	ssyncset.done $0x0  }
0x52: {  	[sflag:s19] =	ssyncadd.s32 $0xFFFFC000  }
0x53: {  	v4 =	vld [tilespmem:$0x10000]  }
0x54: {  	v5 =	vld [tilespmem:$0x10010]  }
0x55: {  	v26 =	vld [tilespmem:$0x10020]  }
0x56: {  	v27 =	vld [tilespmem:$0x10030]  }
0x57: {  	v28 =	vld [tilespmem:$0x10040]  }
0x58: {  	v29 =	vld [tilespmem:$0x10050];
	v4 =	vadd.s32 $0x4, v4  }
0x59: {  	[tilespmem:$0x10000] =	vst v4;
	v4 =	vadd.s32 $0x4, v5;
	v5 =	vld [tilespmem:$0x10060]  }
0x5a: {  	v30 =	vld [tilespmem:$0x10070];
	[tilespmem:$0x10010] =	vst v4;
	v4 =	vadd.s32 $0x4, v26  }
0x5b: {  	[tilespmem:$0x10020] =	vst v4;
	v4 =	vadd.s32 $0x4, v27  }
0x5c: {  	[tilespmem:$0x10030] =	vst v4;
	v4 =	vadd.s32 $0x4, v28  }
0x5d: {  	[tilespmem:$0x10040] =	vst v4;
	v4 =	vadd.s32 $0x4, v29  }
0x5e: {  	[tilespmem:$0x10050] =	vst v4;
	v4 =	vadd.s32 $0x4, v5  }
0x5f: {  	[tilespmem:$0x10060] =	vst v4;
	v4 =	vadd.s32 $0x4, v30  }
0x60: {  	[tilespmem:$0x10070] =	vst v4  }
0x61: {  	[spmem:s2] =	stream.indirect.scatter.add.f32 [tilespmem:s26], [sflag:$0x3], $0x80, s23, s22, $0xb8;
	[tilespmem:$0x12880] =	vst v63  }
0x62: {  	_ =	swait.ge [sflag:s19], $0x4000  }
0x63: {  	[sflag:s19] =	ssyncset.done $0x0  }
0x64: {  	[sflag:s19] =	ssyncadd.s32 $0xFFFFC000  }
0x65: {  	v4 =	vld [tilespmem:$0x10000]  }
0x66: {  	v5 =	vld [tilespmem:$0x10010]  }
0x67: {  	v31 =	vld [tilespmem:$0x10020]  }
0x68: {  	v32 =	vld [tilespmem:$0x10030]  }
0x69: {  	v33 =	vld [tilespmem:$0x10040]  }
0x6a: {  	v34 =	vld [tilespmem:$0x10050];
	v4 =	vadd.s32 $0x4, v4  }
0x6b: {  	[tilespmem:$0x10000] =	vst v4;
	v4 =	vadd.s32 $0x4, v5;
	v5 =	vld [tilespmem:$0x10060]  }
0x6c: {  	v35 =	vld [tilespmem:$0x10070];
	[tilespmem:$0x10010] =	vst v4;
	v4 =	vadd.s32 $0x4, v31  }
0x6d: {  	[tilespmem:$0x10020] =	vst v4;
	v4 =	vadd.s32 $0x4, v32  }
0x6e: {  	[tilespmem:$0x10030] =	vst v4;
	v4 =	vadd.s32 $0x4, v33  }
0x6f: {  	[tilespmem:$0x10040] =	vst v4;
	v4 =	vadd.s32 $0x4, v34  }
0x70: {  	[tilespmem:$0x10050] =	vst v4;
	v4 =	vadd.s32 $0x4, v5  }
0x71: {  	[tilespmem:$0x10060] =	vst v4;
	v4 =	vadd.s32 $0x4, v35  }
0x72: {  	[tilespmem:$0x10070] =	vst v4  }
0x73: {  	[tilespmem:s20], [sflag:$0x2] =	stream.linear.gather [hbm4b:s9+s3], $0x8000, $0x38;
	[tilespmem:$0x12880] =	vst v63  }
0x74: {  	_ =	swait.ge [sflag:s21], $0x8000  }
0x75: {  	[sflag:s21] =	ssyncset.done $0x0  }
0x76: {  	[sflag:s21] =	ssyncadd.s32 $0xFFFF8000  }
0x77: {  	[spmem:s2] =	stream.indirect.scatter.add.f32 [tilespmem:s3], [sflag:$0x3], $0x80, s23, s22, $0xb8;
	[tilespmem:$0x12880] =	vst v63  }
0x78: {  	_ =	swait.ge [sflag:s19], $0x4000  }
0x79: {  	[sflag:s19] =	ssyncset.done $0x0  }
0x7a: {  	[sflag:s19] =	ssyncadd.s32 $0xFFFFC000  }
0x7b: {  	v4 =	vld [tilespmem:$0x10000]  }
0x7c: {  	v5 =	vld [tilespmem:$0x10010]  }
0x7d: {  	v36 =	vld [tilespmem:$0x10020]  }
0x7e: {  	v37 =	vld [tilespmem:$0x10030]  }
0x7f: {  	v38 =	vld [tilespmem:$0x10040]  }
0x80: {  	v39 =	vld [tilespmem:$0x10050];
	v4 =	vadd.s32 $0x4, v4  }
0x81: {  	[tilespmem:$0x10000] =	vst v4;
	v4 =	vadd.s32 $0x4, v5;
	v5 =	vld [tilespmem:$0x10060]  }
0x82: {  	v40 =	vld [tilespmem:$0x10070];
	[tilespmem:$0x10010] =	vst v4;
	v4 =	vadd.s32 $0x4, v36  }
0x83: {  	[tilespmem:$0x10020] =	vst v4;
	v4 =	vadd.s32 $0x4, v37  }
0x84: {  	[tilespmem:$0x10030] =	vst v4;
	v4 =	vadd.s32 $0x4, v38  }
0x85: {  	[tilespmem:$0x10040] =	vst v4;
	v4 =	vadd.s32 $0x4, v39  }
0x86: {  	[tilespmem:$0x10050] =	vst v4;
	v4 =	vadd.s32 $0x4, v5  }
0x87: {  	[tilespmem:$0x10060] =	vst v4;
	v4 =	vadd.s32 $0x4, v40  }
0x88: {  	[tilespmem:$0x10070] =	vst v4  }
0x89: {  	[spmem:s2] =	stream.indirect.scatter.add.f32 [tilespmem:s24], [sflag:$0x3], $0x80, s23, s22, $0xb8;
	[tilespmem:$0x12880] =	vst v63  }
0x8a: {  	_ =	swait.ge [sflag:s19], $0x4000  }
0x8b: {  	[sflag:s19] =	ssyncset.done $0x0  }
0x8c: {  	[sflag:s19] =	ssyncadd.s32 $0xFFFFC000  }
0x8d: {  	v4 =	vld [tilespmem:$0x10000]  }
0x8e: {  	v5 =	vld [tilespmem:$0x10010]  }
0x8f: {  	v41 =	vld [tilespmem:$0x10020]  }
0x90: {  	v42 =	vld [tilespmem:$0x10030]  }
0x91: {  	v43 =	vld [tilespmem:$0x10040]  }
0x92: {  	v44 =	vld [tilespmem:$0x10050];
	v4 =	vadd.s32 $0x4, v4  }
0x93: {  	[tilespmem:$0x10000] =	vst v4;
	v4 =	vadd.s32 $0x4, v5;
	v5 =	vld [tilespmem:$0x10060]  }
0x94: {  	v45 =	vld [tilespmem:$0x10070];
	[tilespmem:$0x10010] =	vst v4;
	v4 =	vadd.s32 $0x4, v41  }
0x95: {  	[tilespmem:$0x10020] =	vst v4;
	v4 =	vadd.s32 $0x4, v42  }
0x96: {  	[tilespmem:$0x10030] =	vst v4;
	v4 =	vadd.s32 $0x4, v43  }
0x97: {  	[tilespmem:$0x10040] =	vst v4;
	v4 =	vadd.s32 $0x4, v44  }
0x98: {  	[tilespmem:$0x10050] =	vst v4;
	v4 =	vadd.s32 $0x4, v5  }
0x99: {  	[tilespmem:$0x10060] =	vst v4;
	v4 =	vadd.s32 $0x4, v45  }
0x9a: {  	[tilespmem:$0x10070] =	vst v4  }
0x9b: {  	[tilespmem:s3], [sflag:$0x1] =	stream.linear.gather [hbm4b:s10+s3], $0x8000, $0x38;
	[tilespmem:$0x12880] =	vst v63  }
0x9c: {  	_ =	swait.ge [sflag:s25], $0x8000  }
0x9d: {  	[sflag:s25] =	ssyncset.done $0x0  }
0x9e: {  	[sflag:s25] =	ssyncadd.s32 $0xFFFF8000  }
0x9f: {  	[spmem:s2] =	stream.indirect.scatter.add.f32 [tilespmem:s20], [sflag:$0x3], $0x80, s23, s22, $0xb8;
	[tilespmem:$0x12880] =	vst v63  }
0xa0: {  	_ =	swait.ge [sflag:s19], $0x4000  }
0xa1: {  	[sflag:s19] =	ssyncset.done $0x0  }
0xa2: {  	[sflag:s19] =	ssyncadd.s32 $0xFFFFC000  }
0xa3: {  	v4 =	vld [tilespmem:$0x10000]  }
0xa4: {  	v5 =	vld [tilespmem:$0x10010]  }
0xa5: {  	v46 =	vld [tilespmem:$0x10020]  }
0xa6: {  	v47 =	vld [tilespmem:$0x10030]  }
0xa7: {  	v48 =	vld [tilespmem:$0x10040]  }
0xa8: {  	v49 =	vld [tilespmem:$0x10050];
	v4 =	vadd.s32 $0x4, v4  }
0xa9: {  	[tilespmem:$0x10000] =	vst v4;
	v4 =	vadd.s32 $0x4, v5;
	v5 =	vld [tilespmem:$0x10060]  }
0xaa: {  	v50 =	vld [tilespmem:$0x10070];
	[tilespmem:$0x10010] =	vst v4;
	v4 =	vadd.s32 $0x4, v46  }
0xab: {  	[tilespmem:$0x10020] =	vst v4;
	v4 =	vadd.s32 $0x4, v47  }
0xac: {  	[tilespmem:$0x10030] =	vst v4;
	v4 =	vadd.s32 $0x4, v48  }
0xad: {  	[tilespmem:$0x10040] =	vst v4;
	v4 =	vadd.s32 $0x4, v49  }
0xae: {  	[tilespmem:$0x10050] =	vst v4;
	v4 =	vadd.s32 $0x4, v5  }
0xaf: {  	[tilespmem:$0x10060] =	vst v4;
	v4 =	vadd.s32 $0x4, v50  }
0xb0: {  	[tilespmem:$0x10070] =	vst v4  }
0xb1: {  	[spmem:s2] =	stream.indirect.scatter.add.f32 [tilespmem:s26], [sflag:$0x3], $0x80, s23, s22, $0xb8;
	[tilespmem:$0x12880] =	vst v63  }
0xb2: {  	_ =	swait.ge [sflag:s19], $0x4000  }
0xb3: {  	[sflag:s19] =	ssyncset.done $0x0  }
0xb4: {  	[sflag:s19] =	ssyncadd.s32 $0xFFFFC000  }
0xb5: {  	v4 =	vld [tilespmem:$0x10000]  }
0xb6: {  	v5 =	vld [tilespmem:$0x10010]  }
0xb7: {  	v51 =	vld [tilespmem:$0x10020]  }
0xb8: {  	v52 =	vld [tilespmem:$0x10030]  }
0xb9: {  	v53 =	vld [tilespmem:$0x10040]  }
0xba: {  	v54 =	vld [tilespmem:$0x10050];
	v4 =	vadd.s32 $0x4, v4  }
0xbb: {  	[tilespmem:$0x10000] =	vst v4;
	v4 =	vadd.s32 $0x4, v5;
	v5 =	vld [tilespmem:$0x10060]  }
0xbc: {  	v55 =	vld [tilespmem:$0x10070];
	[tilespmem:$0x10010] =	vst v4;
	v4 =	vadd.s32 $0x4, v51  }
0xbd: {  	[tilespmem:$0x10020] =	vst v4;
	v4 =	vadd.s32 $0x4, v52  }
0xbe: {  	[tilespmem:$0x10030] =	vst v4;
	v4 =	vadd.s32 $0x4, v53  }
0xbf: {  	[tilespmem:$0x10040] =	vst v4;
	v4 =	vadd.s32 $0x4, v54  }
0xc0: {  	[tilespmem:$0x10050] =	vst v4;
	v4 =	vadd.s32 $0x4, v5  }
0xc1: {  	[tilespmem:$0x10060] =	vst v4;
	v4 =	vadd.s32 $0x4, v55  }
0xc2: {  	[tilespmem:$0x10070] =	vst v4  }
0xc3: {  	[tilespmem:s20], [sflag:$0x2] =	stream.linear.gather [hbm4b:s11+s3], $0x8000, $0x38;
	[tilespmem:$0x12880] =	vst v63  }
0xc4: {  	_ =	swait.ge [sflag:s21], $0x8000  }
0xc5: {  	[sflag:s21] =	ssyncset.done $0x0  }
0xc6: {  	[sflag:s21] =	ssyncadd.s32 $0xFFFF8000  }
0xc7: {  	[spmem:s2] =	stream.indirect.scatter.add.f32 [tilespmem:s3], [sflag:$0x3], $0x80, s23, s22, $0xb8;
	[tilespmem:$0x12880] =	vst v63  }
0xc8: {  	_ =	swait.ge [sflag:s19], $0x4000  }
0xc9: {  	[sflag:s19] =	ssyncset.done $0x0  }
0xca: {  	[sflag:s19] =	ssyncadd.s32 $0xFFFFC000  }
0xcb: {  	v4 =	vld [tilespmem:$0x10000]  }
0xcc: {  	v5 =	vld [tilespmem:$0x10010]  }
0xcd: {  	v56 =	vld [tilespmem:$0x10020]  }
0xce: {  	v57 =	vld [tilespmem:$0x10030]  }
0xcf: {  	v58 =	vld [tilespmem:$0x10040]  }
0xd0: {  	v59 =	vld [tilespmem:$0x10050];
	v4 =	vadd.s32 $0x4, v4  }
0xd1: {  	[tilespmem:$0x10000] =	vst v4;
	v4 =	vadd.s32 $0x4, v5;
	v5 =	vld [tilespmem:$0x10060]  }
0xd2: {  	v60 =	vld [tilespmem:$0x10070];
	[tilespmem:$0x10010] =	vst v4;
	v4 =	vadd.s32 $0x4, v56  }
0xd3: {  	[tilespmem:$0x10020] =	vst v4;
	v4 =	vadd.s32 $0x4, v57  }
0xd4: {  	[tilespmem:$0x10030] =	vst v4;
	v4 =	vadd.s32 $0x4, v58  }
0xd5: {  	[tilespmem:$0x10040] =	vst v4;
	v4 =	vadd.s32 $0x4, v59  }
0xd6: {  	[tilespmem:$0x10050] =	vst v4;
	v4 =	vadd.s32 $0x4, v5  }
0xd7: {  	[tilespmem:$0x10060] =	vst v4;
	v4 =	vadd.s32 $0x4, v60  }
0xd8: {  	[tilespmem:$0x10070] =	vst v4  }
0xd9: {  	[spmem:s2] =	stream.indirect.scatter.add.f32 [tilespmem:s24], [sflag:$0x3], $0x80, s23, s22, $0xb8;
	[tilespmem:$0x12880] =	vst v63  }
0xda: {  	_ =	swait.ge [sflag:s19], $0x4000  }
0xdb: {  	[sflag:s19] =	ssyncset.done $0x0  }
0xdc: {  	[sflag:s19] =	ssyncadd.s32 $0xFFFFC000  }
0xdd: {  	v4 =	vld [tilespmem:$0x10000]  }
0xde: {  	v5 =	vld [tilespmem:$0x10010]  }
0xdf: {  	v61 =	vld [tilespmem:$0x10020]  }
0xe0: {  	v62 =	vld [tilespmem:$0x10030]  }
0xe1: {  	v63 =	vld [tilespmem:$0x10040]  }
0xe2: {  	v12 =	vld [tilespmem:$0x10050];
	v4 =	vadd.s32 $0x4, v4  }
0xe3: {  	[tilespmem:$0x10000] =	vst v4;
	v4 =	vadd.s32 $0x4, v5;
	v5 =	vld [tilespmem:$0x10060]  }
0xe4: {  	v13 =	vld [tilespmem:$0x10070];
	[tilespmem:$0x10010] =	vst v4;
	v4 =	vadd.s32 $0x4, v61  }
0xe5: {  	[tilespmem:$0x10020] =	vst v4;
	v4 =	vadd.s32 $0x4, v62  }
0xe6: {  	[tilespmem:$0x10030] =	vst v4;
	v4 =	vadd.s32 $0x4, v63  }
0xe7: {  	[tilespmem:$0x10040] =	vst v4;
	v4 =	vadd.s32 $0x4, v12  }
0xe8: {  	[tilespmem:$0x10050] =	vst v4;
	v4 =	vadd.s32 $0x4, v5  }
0xe9: {  	[tilespmem:$0x10060] =	vst v4;
	v4 =	vadd.s32 $0x4, v13  }
0xea: {  	[tilespmem:$0x10070] =	vst v4  }
0xeb: {  	[tilespmem:s3], [sflag:$0x1] =	stream.linear.gather [hbm4b:s12+s3], $0x8000, $0x38;
	[tilespmem:$0x12880] =	vst v63  }
0xec: {  	_ =	swait.ge [sflag:s25], $0x8000  }
0xed: {  	[sflag:s25] =	ssyncset.done $0x0  }
0xee: {  	[sflag:s25] =	ssyncadd.s32 $0xFFFF8000  }
0xef: {  	[spmem:s2] =	stream.indirect.scatter.add.f32 [tilespmem:s20], [sflag:$0x3], $0x80, s23, s22, $0xb8;
	[tilespmem:$0x12880] =	vst v63  }
0xf0: {  	_ =	swait.ge [sflag:s19], $0x4000  }
0xf1: {  	[sflag:s19] =	ssyncset.done $0x0  }
0xf2: {  	[sflag:s19] =	ssyncadd.s32 $0xFFFFC000  }
0xf3: {  	v4 =	vld [tilespmem:$0x10000]  }
0xf4: {  	v5 =	vld [tilespmem:$0x10010]  }
0xf5: {  	v14 =	vld [tilespmem:$0x10020]  }
0xf6: {  	v15 =	vld [tilespmem:$0x10030]  }
0xf7: {  	v16 =	vld [tilespmem:$0x10040]  }
0xf8: {  	v17 =	vld [tilespmem:$0x10050];
	v4 =	vadd.s32 $0x4, v4  }
0xf9: {  	[tilespmem:$0x10000] =	vst v4;
	v4 =	vadd.s32 $0x4, v5;
	v5 =	vld [tilespmem:$0x10060]  }
0xfa: {  	v18 =	vld [tilespmem:$0x10070];
	[tilespmem:$0x10010] =	vst v4;
	v4 =	vadd.s32 $0x4, v14  }
0xfb: {  	[tilespmem:$0x10020] =	vst v4;
	v4 =	vadd.s32 $0x4, v15  }
0xfc: {  	[tilespmem:$0x10030] =	vst v4;
	v4 =	vadd.s32 $0x4, v16  }
0xfd: {  	[tilespmem:$0x10040] =	vst v4;
	v4 =	vadd.s32 $0x4, v17  }
0xfe: {  	[tilespmem:$0x10050] =	vst v4;
	v4 =	vadd.s32 $0x4, v5  }
0xff: {  	[tilespmem:$0x10060] =	vst v4;
	v4 =	vadd.s32 $0x4, v18  }
0x100: {  	[tilespmem:$0x10070] =	vst v4  }
0x101: {  	[spmem:s2] =	stream.indirect.scatter.add.f32 [tilespmem:s26], [sflag:$0x3], $0x80, s23, s22, $0xb8;
	[tilespmem:$0x12880] =	vst v63  }
0x102: {  	_ =	swait.ge [sflag:s19], $0x4000  }
0x103: {  	[sflag:s19] =	ssyncset.done $0x0  }
0x104: {  	[sflag:s19] =	ssyncadd.s32 $0xFFFFC000  }
0x105: {  	v4 =	vld [tilespmem:$0x10000]  }
0x106: {  	v5 =	vld [tilespmem:$0x10010]  }
0x107: {  	v19 =	vld [tilespmem:$0x10020]  }
0x108: {  	v20 =	vld [tilespmem:$0x10030]  }
0x109: {  	v21 =	vld [tilespmem:$0x10040]  }
0x10a: {  	v22 =	vld [tilespmem:$0x10050];
	v4 =	vadd.s32 $0x4, v4  }
0x10b: {  	[tilespmem:$0x10000] =	vst v4;
	v4 =	vadd.s32 $0x4, v5;
	v5 =	vld [tilespmem:$0x10060]  }
0x10c: {  	v23 =	vld [tilespmem:$0x10070];
	[tilespmem:$0x10010] =	vst v4;
	v4 =	vadd.s32 $0x4, v19  }
0x10d: {  	[tilespmem:$0x10020] =	vst v4;
	v4 =	vadd.s32 $0x4, v20  }
0x10e: {  	[tilespmem:$0x10030] =	vst v4;
	v4 =	vadd.s32 $0x4, v21  }
0x10f: {  	[tilespmem:$0x10040] =	vst v4;
	v4 =	vadd.s32 $0x4, v22  }
0x110: {  	[tilespmem:$0x10050] =	vst v4;
	v4 =	vadd.s32 $0x4, v5  }
0x111: {  	[tilespmem:$0x10060] =	vst v4;
	v4 =	vadd.s32 $0x4, v23  }
0x112: {  	[tilespmem:$0x10070] =	vst v4  }
0x113: {  	[tilespmem:s20], [sflag:$0x2] =	stream.linear.gather [hbm4b:s13+s3], $0x8000, $0x38;
	[tilespmem:$0x12880] =	vst v63  }
0x114: {  	_ =	swait.ge [sflag:s21], $0x8000  }
0x115: {  	[sflag:s21] =	ssyncset.done $0x0  }
0x116: {  	[sflag:s21] =	ssyncadd.s32 $0xFFFF8000  }
0x117: {  	[spmem:s2] =	stream.indirect.scatter.add.f32 [tilespmem:s3], [sflag:$0x3], $0x80, s23, s22, $0xb8;
	[tilespmem:$0x12880] =	vst v63  }
0x118: {  	_ =	swait.ge [sflag:s19], $0x4000  }
0x119: {  	[sflag:s19] =	ssyncset.done $0x0  }
0x11a: {  	[sflag:s19] =	ssyncadd.s32 $0xFFFFC000  }
0x11b: {  	v4 =	vld [tilespmem:$0x10000]  }
0x11c: {  	v5 =	vld [tilespmem:$0x10010]  }
0x11d: {  	v24 =	vld [tilespmem:$0x10020]  }
0x11e: {  	v25 =	vld [tilespmem:$0x10030]  }
0x11f: {  	v26 =	vld [tilespmem:$0x10040]  }
0x120: {  	v27 =	vld [tilespmem:$0x10050];
	v4 =	vadd.s32 $0x4, v4  }
0x121: {  	[tilespmem:$0x10000] =	vst v4;
	v4 =	vadd.s32 $0x4, v5;
	v5 =	vld [tilespmem:$0x10060]  }
0x122: {  	v28 =	vld [tilespmem:$0x10070];
	[tilespmem:$0x10010] =	vst v4;
	v4 =	vadd.s32 $0x4, v24  }
0x123: {  	[tilespmem:$0x10020] =	vst v4;
	v4 =	vadd.s32 $0x4, v25  }
0x124: {  	[tilespmem:$0x10030] =	vst v4;
	v4 =	vadd.s32 $0x4, v26  }
0x125: {  	[tilespmem:$0x10040] =	vst v4;
	v4 =	vadd.s32 $0x4, v27  }
0x126: {  	[tilespmem:$0x10050] =	vst v4;
	v4 =	vadd.s32 $0x4, v5  }
0x127: {  	[tilespmem:$0x10060] =	vst v4;
	v4 =	vadd.s32 $0x4, v28  }
0x128: {  	[tilespmem:$0x10070] =	vst v4  }
0x129: {  	[spmem:s2] =	stream.indirect.scatter.add.f32 [tilespmem:s24], [sflag:$0x3], $0x80, s23, s22, $0xb8;
	[tilespmem:$0x12880] =	vst v63  }
0x12a: {  	_ =	swait.ge [sflag:s19], $0x4000  }
0x12b: {  	[sflag:s19] =	ssyncset.done $0x0  }
0x12c: {  	[sflag:s19] =	ssyncadd.s32 $0xFFFFC000  }
0x12d: {  	v4 =	vld [tilespmem:$0x10000]  }
0x12e: {  	v5 =	vld [tilespmem:$0x10010]  }
0x12f: {  	v29 =	vld [tilespmem:$0x10020]  }
0x130: {  	v30 =	vld [tilespmem:$0x10030]  }
0x131: {  	v31 =	vld [tilespmem:$0x10040]  }
0x132: {  	v32 =	vld [tilespmem:$0x10050];
	v4 =	vadd.s32 $0x4, v4  }
0x133: {  	[tilespmem:$0x10000] =	vst v4;
	v4 =	vadd.s32 $0x4, v5;
	v5 =	vld [tilespmem:$0x10060]  }
0x134: {  	v33 =	vld [tilespmem:$0x10070];
	[tilespmem:$0x10010] =	vst v4;
	v4 =	vadd.s32 $0x4, v29  }
0x135: {  	[tilespmem:$0x10020] =	vst v4;
	v4 =	vadd.s32 $0x4, v30  }
0x136: {  	[tilespmem:$0x10030] =	vst v4;
	v4 =	vadd.s32 $0x4, v31  }
0x137: {  	[tilespmem:$0x10040] =	vst v4;
	v4 =	vadd.s32 $0x4, v32  }
0x138: {  	[tilespmem:$0x10050] =	vst v4;
	v4 =	vadd.s32 $0x4, v5  }
0x139: {  	[tilespmem:$0x10060] =	vst v4;
	v4 =	vadd.s32 $0x4, v33  }
0x13a: {  	[tilespmem:$0x10070] =	vst v4  }
0x13b: {  	[tilespmem:s3], [sflag:$0x1] =	stream.linear.gather [hbm4b:s14+s3], $0x8000, $0x38;
	[tilespmem:$0x12880] =	vst v63  }
0x13c: {  	_ =	swait.ge [sflag:s25], $0x8000  }
0x13d: {  	[sflag:s25] =	ssyncset.done $0x0  }
0x13e: {  	[sflag:s25] =	ssyncadd.s32 $0xFFFF8000  }
0x13f: {  	[spmem:s2] =	stream.indirect.scatter.add.f32 [tilespmem:s20], [sflag:$0x3], $0x80, s23, s22, $0xb8;
	[tilespmem:$0x12880] =	vst v63  }
0x140: {  	_ =	swait.ge [sflag:s19], $0x4000  }
0x141: {  	[sflag:s19] =	ssyncset.done $0x0  }
0x142: {  	[sflag:s19] =	ssyncadd.s32 $0xFFFFC000  }
0x143: {  	v4 =	vld [tilespmem:$0x10000]  }
0x144: {  	v5 =	vld [tilespmem:$0x10010]  }
0x145: {  	v34 =	vld [tilespmem:$0x10020]  }
0x146: {  	v35 =	vld [tilespmem:$0x10030]  }
0x147: {  	v36 =	vld [tilespmem:$0x10040]  }
0x148: {  	v37 =	vld [tilespmem:$0x10050];
	v4 =	vadd.s32 $0x4, v4  }
0x149: {  	[tilespmem:$0x10000] =	vst v4;
	v4 =	vadd.s32 $0x4, v5;
	v5 =	vld [tilespmem:$0x10060]  }
0x14a: {  	v38 =	vld [tilespmem:$0x10070];
	[tilespmem:$0x10010] =	vst v4;
	v4 =	vadd.s32 $0x4, v34  }
0x14b: {  	[tilespmem:$0x10020] =	vst v4;
	v4 =	vadd.s32 $0x4, v35  }
0x14c: {  	[tilespmem:$0x10030] =	vst v4;
	v4 =	vadd.s32 $0x4, v36  }
0x14d: {  	[tilespmem:$0x10040] =	vst v4;
	v4 =	vadd.s32 $0x4, v37  }
0x14e: {  	[tilespmem:$0x10050] =	vst v4;
	v4 =	vadd.s32 $0x4, v5  }
0x14f: {  	[tilespmem:$0x10060] =	vst v4;
	v4 =	vadd.s32 $0x4, v38  }
0x150: {  	[tilespmem:$0x10070] =	vst v4  }
0x151: {  	[spmem:s2] =	stream.indirect.scatter.add.f32 [tilespmem:s26], [sflag:$0x3], $0x80, s23, s22, $0xb8;
	[tilespmem:$0x12880] =	vst v63  }
0x152: {  	_ =	swait.ge [sflag:s19], $0x4000  }
0x153: {  	[sflag:s19] =	ssyncset.done $0x0  }
0x154: {  	[sflag:s19] =	ssyncadd.s32 $0xFFFFC000  }
0x155: {  	v4 =	vld [tilespmem:$0x10000]  }
0x156: {  	v5 =	vld [tilespmem:$0x10010]  }
0x157: {  	v39 =	vld [tilespmem:$0x10020]  }
0x158: {  	v40 =	vld [tilespmem:$0x10030]  }
0x159: {  	v41 =	vld [tilespmem:$0x10040]  }
0x15a: {  	v42 =	vld [tilespmem:$0x10050];
	v4 =	vadd.s32 $0x4, v4  }
0x15b: {  	[tilespmem:$0x10000] =	vst v4;
	v4 =	vadd.s32 $0x4, v5;
	v5 =	vld [tilespmem:$0x10060]  }
0x15c: {  	v43 =	vld [tilespmem:$0x10070];
	[tilespmem:$0x10010] =	vst v4;
	v4 =	vadd.s32 $0x4, v39  }
0x15d: {  	[tilespmem:$0x10020] =	vst v4;
	v4 =	vadd.s32 $0x4, v40  }
0x15e: {  	[tilespmem:$0x10030] =	vst v4;
	v4 =	vadd.s32 $0x4, v41  }
0x15f: {  	[tilespmem:$0x10040] =	vst v4;
	v4 =	vadd.s32 $0x4, v42  }
0x160: {  	[tilespmem:$0x10050] =	vst v4;
	v4 =	vadd.s32 $0x4, v5  }
0x161: {  	[tilespmem:$0x10060] =	vst v4;
	v4 =	vadd.s32 $0x4, v43  }
0x162: {  	[tilespmem:$0x10070] =	vst v4  }
0x163: {  	[tilespmem:s20], [sflag:$0x2] =	stream.linear.gather [hbm4b:s15+s3], $0x8000, $0x38;
	[tilespmem:$0x12880] =	vst v63  }
0x164: {  	_ =	swait.ge [sflag:s21], $0x8000  }
0x165: {  	[sflag:s21] =	ssyncset.done $0x0  }
0x166: {  	[sflag:s21] =	ssyncadd.s32 $0xFFFF8000  }
0x167: {  	[spmem:s2] =	stream.indirect.scatter.add.f32 [tilespmem:s3], [sflag:$0x3], $0x80, s23, s22, $0xb8;
	[tilespmem:$0x12880] =	vst v63  }
0x168: {  	_ =	swait.ge [sflag:s19], $0x4000  }
0x169: {  	[sflag:s19] =	ssyncset.done $0x0  }
0x16a: {  	[sflag:s19] =	ssyncadd.s32 $0xFFFFC000  }
0x16b: {  	v4 =	vld [tilespmem:$0x10000]  }
0x16c: {  	v5 =	vld [tilespmem:$0x10010]  }
0x16d: {  	v44 =	vld [tilespmem:$0x10020]  }
0x16e: {  	v45 =	vld [tilespmem:$0x10030]  }
0x16f: {  	v46 =	vld [tilespmem:$0x10040]  }
0x170: {  	v47 =	vld [tilespmem:$0x10050];
	v4 =	vadd.s32 $0x4, v4  }
0x171: {  	[tilespmem:$0x10000] =	vst v4;
	v4 =	vadd.s32 $0x4, v5;
	v5 =	vld [tilespmem:$0x10060]  }
0x172: {  	v48 =	vld [tilespmem:$0x10070];
	[tilespmem:$0x10010] =	vst v4;
	v4 =	vadd.s32 $0x4, v44  }
0x173: {  	[tilespmem:$0x10020] =	vst v4;
	v4 =	vadd.s32 $0x4, v45  }
0x174: {  	[tilespmem:$0x10030] =	vst v4;
	v4 =	vadd.s32 $0x4, v46  }
0x175: {  	[tilespmem:$0x10040] =	vst v4;
	v4 =	vadd.s32 $0x4, v47  }
0x176: {  	[tilespmem:$0x10050] =	vst v4;
	v4 =	vadd.s32 $0x4, v5  }
0x177: {  	[tilespmem:$0x10060] =	vst v4;
	v4 =	vadd.s32 $0x4, v48  }
0x178: {  	[tilespmem:$0x10070] =	vst v4  }
0x179: {  	[spmem:s2] =	stream.indirect.scatter.add.f32 [tilespmem:s24], [sflag:$0x3], $0x80, s23, s22, $0xb8;
	[tilespmem:$0x12880] =	vst v63  }
0x17a: {  	_ =	swait.ge [sflag:s19], $0x4000  }
0x17b: {  	[sflag:s19] =	ssyncset.done $0x0  }
0x17c: {  	[sflag:s19] =	ssyncadd.s32 $0xFFFFC000  }
0x17d: {  	v4 =	vld [tilespmem:$0x10000]  }
0x17e: {  	v5 =	vld [tilespmem:$0x10010]  }
0x17f: {  	v49 =	vld [tilespmem:$0x10020]  }
0x180: {  	v50 =	vld [tilespmem:$0x10030]  }
0x181: {  	v51 =	vld [tilespmem:$0x10040]  }
0x182: {  	v52 =	vld [tilespmem:$0x10050];
	v4 =	vadd.s32 $0x4, v4  }
0x183: {  	[tilespmem:$0x10000] =	vst v4;
	v4 =	vadd.s32 $0x4, v5;
	v5 =	vld [tilespmem:$0x10060]  }
0x184: {  	v53 =	vld [tilespmem:$0x10070];
	[tilespmem:$0x10010] =	vst v4;
	v4 =	vadd.s32 $0x4, v49  }
0x185: {  	[tilespmem:$0x10020] =	vst v4;
	v4 =	vadd.s32 $0x4, v50  }
0x186: {  	[tilespmem:$0x10030] =	vst v4;
	v4 =	vadd.s32 $0x4, v51  }
0x187: {  	[tilespmem:$0x10040] =	vst v4;
	v4 =	vadd.s32 $0x4, v52  }
0x188: {  	[tilespmem:$0x10050] =	vst v4;
	v4 =	vadd.s32 $0x4, v5  }
0x189: {  	[tilespmem:$0x10060] =	vst v4;
	v4 =	vadd.s32 $0x4, v53  }
0x18a: {  	[tilespmem:$0x10070] =	vst v4  }
0x18b: {  	_ =	swait.ge [sflag:s25], $0x8000  }
0x18c: {  	[sflag:s25] =	ssyncset.done $0x0  }
0x18d: {  	[sflag:s25] =	ssyncadd.s32 $0xFFFF8000  }
0x18e: {  	[spmem:s2] =	stream.indirect.scatter.add.f32 [tilespmem:s20], [sflag:$0x3], $0x80, s23, s22, $0xb8;
	[tilespmem:$0x12880] =	vst v63  }
0x18f: {  	_ =	swait.ge [sflag:s19], $0x4000  }
0x190: {  	[sflag:s19] =	ssyncset.done $0x0  }
0x191: {  	[sflag:s19] =	ssyncadd.s32 $0xFFFFC000  }
0x192: {  	v4 =	vld [tilespmem:$0x10000]  }
0x193: {  	v5 =	vld [tilespmem:$0x10010]  }
0x194: {  	v54 =	vld [tilespmem:$0x10020]  }
0x195: {  	v55 =	vld [tilespmem:$0x10030]  }
0x196: {  	v56 =	vld [tilespmem:$0x10040]  }
0x197: {  	v57 =	vld [tilespmem:$0x10050];
	v4 =	vadd.s32 $0x4, v4  }
0x198: {  	[tilespmem:$0x10000] =	vst v4;
	v4 =	vadd.s32 $0x4, v5;
	v5 =	vld [tilespmem:$0x10060]  }
0x199: {  	v58 =	vld [tilespmem:$0x10070];
	[tilespmem:$0x10010] =	vst v4;
	v4 =	vadd.s32 $0x4, v54  }
0x19a: {  	[tilespmem:$0x10020] =	vst v4;
	v4 =	vadd.s32 $0x4, v55  }
0x19b: {  	[tilespmem:$0x10030] =	vst v4;
	v4 =	vadd.s32 $0x4, v56  }
0x19c: {  	[tilespmem:$0x10040] =	vst v4;
	v4 =	vadd.s32 $0x4, v57  }
0x19d: {  	[tilespmem:$0x10050] =	vst v4;
	v4 =	vadd.s32 $0x4, v5  }
0x19e: {  	[tilespmem:$0x10060] =	vst v4;
	v4 =	vadd.s32 $0x4, v58  }
0x19f: {  	[tilespmem:$0x10070] =	vst v4  }
0x1a0: {  	[spmem:s2] =	stream.indirect.scatter.add.f32 [tilespmem:s26], [sflag:$0x3], $0x80, s23, s22, $0xb8;
	[tilespmem:$0x12880] =	vst v63  }
0x1a1: {  	_ =	swait.ge [sflag:s19], $0x4000  }
0x1a2: {  	[sflag:s19] =	ssyncset.done $0x0  }
0x1a3: {  	[sflag:s19] =	ssyncadd.s32 $0xFFFFC000  }
0x1a4: {  	v4 =	vld [tilespmem:$0x10000]  }
0x1a5: {  	v5 =	vld [tilespmem:$0x10010]  }
0x1a6: {  	v59 =	vld [tilespmem:$0x10020]  }
0x1a7: {  	v60 =	vld [tilespmem:$0x10030]  }
0x1a8: {  	v61 =	vld [tilespmem:$0x10040]  }
0x1a9: {  	v62 =	vld [tilespmem:$0x10050];
	v4 =	vadd.s32 $0x4, v4  }
0x1aa: {  	[tilespmem:$0x10000] =	vst v4;
	v4 =	vadd.s32 $0x4, v5;
	v5 =	vld [tilespmem:$0x10060]  }
0x1ab: {  	v63 =	vld [tilespmem:$0x10070];
	[tilespmem:$0x10010] =	vst v4;
	v4 =	vadd.s32 $0x4, v59  }
0x1ac: {  	[tilespmem:$0x10020] =	vst v4;
	v4 =	vadd.s32 $0x4, v60  }
0x1ad: {  	[tilespmem:$0x10030] =	vst v4;
	v4 =	vadd.s32 $0x4, v61  }
0x1ae: {  	[tilespmem:$0x10040] =	vst v4;
	v4 =	vadd.s32 $0x4, v62  }
0x1af: {  	[tilespmem:$0x10050] =	vst v4;
	v4 =	vadd.s32 $0x4, v5  }
0x1b0: {  	p0 =	sne.s32 s17, $0x1;
	[tilespmem:$0x10060] =	vst v4;
	v4 =	vadd.s32 $0x4, v63  }
.Ltmp0:
0x1b1: {  	[tilespmem:$0x10070] =	vst v4;
	(pc) =	sbr.rel @p0 .LBB2_1-.Ltmp0, $4  }
0x1b2: {  	[hbm:s16], [sflag:s5] =	dma.local [spmem:s18], $0x500  }
0x1b3: {  	_ =	swait.ge [sflag:s19], $0x500  }
0x1b4: {  	[sflag:s19] =	ssyncset.done $0x0  }
0x1b5: {  	s17 =	sadd.s32 $0xFFFFFFFF, s17;
	[sflag:s19] =	ssyncadd.s32 $0xFFFFFB00  }
0x1b6: {  	_ =	sfence.sel $0x180000  }
0x1b7: {  	[bflag:$0x0] =	sbarrier.arrive $0xFFFF  }
0x1b8: {  	p0 =	sne.s32 s1, $0x0;
	_ =	strace $0x90000047  }
0x1b9: {  	s0 =	sadd.s32 @!p0 $0x100000, s0;
	[bflag:$0x2] =	sbarrier.arrive $0xFFFF  }
0x1ba: {  	[sflag:s0] =	ssyncadd.tile.s32 @!p0 $0x1;
	_ =	shalt  }
.Lfunc_end2:
_tile_overlayer_lowered:
.L_overlay_start_2:
0x1bb: {  	(tag) =	ssettag $0x2  }
0x1bc: {  	s0 =	rddreg [dreg:$0x0];
	s2 =	stileid.u32  }
0x1bd: {  	s1 =	rddreg [dreg:$0x1];
	p0 =	sne.s32 s2, $0x0  }
0x1be: {  	s3 =	rddreg [dreg:$0x2];
	[bflag:$0x3] =	sbarrier.arrive $0xFFFF;
	s2 =	simm.s32 @!p0 $0x1C03  }
0x1bf: {  	[timem:s3], [sflag:s2] =	dma.local @!p0 [hbm:s0], s1  }
0x1c0: {  	s0 =	simm.s32 @!p0 $0x3  }
0x1c1: {  	_ =	swait.ge @!p0 [sflag:s0], s1  }
0x1c2: {  	s1 =	ssub.s32 @!p0 $0x0, s1;
	[sflag:s0] =	ssyncset.done @!p0 $0x0  }
0x1c3: {  	[sflag:s0] =	ssyncadd.s32 @!p0 s1  }
0x1c4: {  	[bflag:$0x3] =	sbarrier.arrive $0xFFFF  }
0x1c5: {  	_ =	shalt  }

</sc_bundles>
